<compile_context>
chip_gen: v7x
topology: tpu7x:2x2x1
jax: 0.10.2.dev20260603
libtpu: 0.0.44.dev20260713+nightly
codegen_flags: <defaults>
</compile_context>

<pallas_src>
import functools

import jax
import jax.numpy as jnp
from jax import lax
from jax.experimental import pallas as pl
from jax.experimental.pallas import tpu as pltpu
from jax.experimental.pallas import tpu_sc as plsc

N_TOKENS = 128
D_MODEL = 768
N_EXPERTS = 16
D_FF = 3072
F_TILE = 1536
F_TILES = D_FF // F_TILE

_NEG = -1e30
_ROWS_PER_SUBCORE = 8


def _logits_body(x_ref, wg_ref, out_ref):
    out_ref[...] = jnp.dot(
        x_ref[...], wg_ref[...], preferred_element_type=jnp.float32
    )


def _shuffle(v, idx):
    return v.at[idx].get(mode="promise_in_bounds")


def _bfly_max(v, io):
    for sh in (8, 4, 2, 1):
        v = jnp.maximum(v, _shuffle(v, jnp.bitwise_xor(io, sh)))
    return v


def _bfly_min(v, io):
    for sh in (8, 4, 2, 1):
        v = jnp.minimum(v, _shuffle(v, jnp.bitwise_xor(io, sh)))
    return v


def _sc_combine_body(logits_hbm, out_hbm, lbuf, cbuf):
    sid = lax.axis_index("s")
    cid = lax.axis_index("c")

    @pl.when(cid == 0)
    def _work():
        base = sid * _ROWS_PER_SUBCORE
        pltpu.sync_copy(logits_hbm.at[pl.ds(base, _ROWS_PER_SUBCORE)], lbuf)
        io = lax.iota(jnp.int32, 16)
        for i in range(_ROWS_PER_SUBCORE):
            l = lbuf[i, :]
            m1 = _bfly_max(l, io)
            a1 = _bfly_min(jnp.where(l == m1, io, N_EXPERTS), io)
            masked = jnp.where(io == a1, _NEG, l)
            m2 = _bfly_max(masked, io)
            a2 = _bfly_min(jnp.where(masked == m2, io, N_EXPERTS), io)
            ev = jnp.exp(m2 - m1)
            w1v = 1.0 / (1.0 + ev)
            cbuf[i, :] = jnp.where(io == a1, w1v, 0.0) + jnp.where(
                io == a2, 1.0 - w1v, 0.0
            )
        pltpu.sync_copy(cbuf, out_hbm.at[pl.ds(base, _ROWS_PER_SUBCORE)])


@functools.partial(
    pl.kernel,
    mesh=plsc.VectorSubcoreMesh(core_axis_name="c", subcore_axis_name="s"),
    out_type=jax.ShapeDtypeStruct((N_TOKENS, N_EXPERTS), jnp.float32),
    scratch_types=[
        pltpu.VMEM((_ROWS_PER_SUBCORE, N_EXPERTS), jnp.float32),
        pltpu.VMEM((_ROWS_PER_SUBCORE, N_EXPERTS), jnp.float32),
    ],
)
def _sc_combine(logits_hbm, out_hbm, lbuf, cbuf):
    _sc_combine_body(logits_hbm, out_hbm, lbuf, cbuf)


def _ffn_body(x_ref, comb_ref, w1_ref, w2_ref, out_ref):
    e = pl.program_id(0)
    f = pl.program_id(1)
    lane = jax.lax.broadcasted_iota(jnp.int32, (N_TOKENS, N_EXPERTS), 1)
    ce = jnp.sum(
        jnp.where(lane == e, comb_ref[...], 0.0), axis=1, keepdims=True
    )
    h = jnp.dot(x_ref[...], w1_ref[0], preferred_element_type=jnp.float32)
    h = 0.5 * h * (1.0 + jax.lax.erf(h * 0.7071067811865476))
    part = jnp.dot(h * ce, w2_ref[0], preferred_element_type=jnp.float32)

    @pl.when(jnp.logical_and(e == 0, f == 0))
    def _first():
        out_ref[...] = part

    @pl.when(jnp.logical_or(e > 0, f > 0))
    def _rest():
        out_ref[...] += part


@jax.jit
def kernel(x, Wg, W1, W2):
    logits = pl.pallas_call(
        _logits_body,
        in_specs=[
            pl.BlockSpec((N_TOKENS, D_MODEL), lambda: (0, 0)),
            pl.BlockSpec((D_MODEL, N_EXPERTS), lambda: (0, 0)),
        ],
        out_specs=pl.BlockSpec((N_TOKENS, N_EXPERTS), lambda: (0, 0)),
        out_shape=jax.ShapeDtypeStruct((N_TOKENS, N_EXPERTS), jnp.float32),
    )(x, Wg)

    combine = _sc_combine(logits)

    return pl.pallas_call(
        _ffn_body,
        grid=(N_EXPERTS, F_TILES),
        in_specs=[
            pl.BlockSpec((N_TOKENS, D_MODEL), lambda e, f: (0, 0)),
            pl.BlockSpec((N_TOKENS, N_EXPERTS), lambda e, f: (0, 0)),
            pl.BlockSpec((1, D_MODEL, F_TILE), lambda e, f: (e, 0, f)),
            pl.BlockSpec((1, F_TILE, D_MODEL), lambda e, f: (e, f, 0)),
        ],
        out_specs=pl.BlockSpec((N_TOKENS, D_MODEL), lambda e, f: (0, 0)),
        out_shape=jax.ShapeDtypeStruct((N_TOKENS, D_MODEL), jnp.float32),
        compiler_params=pltpu.CompilerParams(
            dimension_semantics=("arbitrary", "arbitrary"),
        ),
    )(x, combine, W1, W2)

# --- scband reference (transcript-rebuilt; emitter-appended) ---
"""Pipeline reference for scband-megatron-mo-ewrapper-19439021982129 (READ-ONLY COPY).

The authoritative reference and input builder live on the scoring server;
editing this copy changes nothing except your own understanding.
"""

import jax, jax.numpy as jnp
import numpy as np

N_TOKENS = 128
D_MODEL = 768
N_EXPERTS = 16
D_FF = 4 * D_MODEL
TOP_K = 2


def setup_inputs(seed: int = 0) -> dict:
    key = jax.random.key(seed)
    k1, k2, k3, k4 = jax.random.split(key, 4)
    x = jax.random.normal(k1, (N_TOKENS, D_MODEL), dtype=jnp.float32)
    # gate: nn.Linear(d_model, num_experts, bias=False) -> weight [E, D]; we store transposed [D, E]
    Wg = jax.random.normal(k2, (D_MODEL, N_EXPERTS), dtype=jnp.float32) * 0.02
    # experts: Linear(D, 4D) then Linear(4D, D), no bias
    W1 = jax.random.normal(k3, (N_EXPERTS, D_MODEL, D_FF), dtype=jnp.float32) * 0.02
    W2 = jax.random.normal(k4, (N_EXPERTS, D_FF, D_MODEL), dtype=jnp.float32) * 0.02
    return {"x": x, "Wg": Wg, "W1": W1, "W2": W2}


def reference(x, Wg, W1, W2):
    # router
    router_logits = x @ Wg  # [N, E]
    routing_weights, selected_experts = jax.lax.top_k(router_logits, TOP_K)  # [N, K]
    routing_weights = jax.nn.softmax(routing_weights, axis=-1)
    # per-token per-expert combine weight (each token selects an expert at most once in top-k)
    onehot = jax.nn.one_hot(selected_experts, N_EXPERTS, dtype=x.dtype)  # [N, K, E]
    combine = jnp.einsum('nk,nke->ne', routing_weights, onehot)  # [N, E]
    # experts (exact GELU, matching torch nn.GELU default)
    h = jnp.einsum('nd,edf->enf', x, W1)  # [E, N, F]
    h = jax.nn.gelu(h, approximate=False)
    expert_out = jnp.einsum('enf,efd->end', h, W2)  # [E, N, D]
    # weighted combine; tokens not routed to expert e have combine[n,e]==0
    output = jnp.einsum('end,ne->nd', expert_out, combine)  # [N, D]
    return output

if __name__ == "__main__":
    import jax
    _d = setup_inputs()
    print(jax.jit(kernel)(*tuple(_d.values())))

</pallas_src>

<mosaic_0001>
#map = affine_map<(d0, d1) -> (0, 0)>
module attributes {stable_mosaic.version = 14 : i64} {
  func.func @_sc_combine(%arg0: i32, %arg1: i32, %arg2: memref<128x16xf32, #tpu.memory_space<hbm>>, %arg3: memref<128x16xf32, #tpu.memory_space<hbm>>, %arg4: memref<8x16xf32, #tpu.memory_space<vmem>>, %arg5: memref<8x16xf32, #tpu.memory_space<vmem>>) attributes {dimension_semantics = [#tpu.dimension_semantics<core_parallel>, #tpu.dimension_semantics<subcore_parallel>], iteration_bounds = array<i64: 2, 16>, scalar_prefetch = 0 : i64, scratch_operands = 2 : i64, tpu.core_type = #tpu.core_type<sc_vector_subcore>, window_params = [{transform_indices = #map}, {transform_indices = #map}]} {
    %eq3A = arith.constant 0 : i32
    %eq3A_0 = arith.cmpi eq, %arg0, %eq3A : i32
    %convert_element_type3A = arith.extui %eq3A_0 : i1 to i32
    %cond3A = arith.constant 0 : i32
    %cond3A_1 = arith.cmpi ne, %convert_element_type3A, %cond3A : i32
    scf.if %cond3A_1 {
      %mul3A = arith.constant 8 : i32
      %mul3A_2 = arith.muli %arg1, %mul3A : i32
      "tpu.region"() ({
        %run_scoped3A = tpu.sem_alloc : memref<!tpu.dma_semaphore, #tpu.memory_space<semaphore_mem>>
        %dma_start3A = arith.constant 0 : i32
        %dma_start3A_2125 = tpu.memref_slice %arg2[%mul3A_2, %dma_start3A] : memref<128x16xf32, #tpu.memory_space<hbm>> -> memref<8x16xf32, #tpu.memory_space<hbm>>
        %dma_start3A_2126 = arith.constant 0 : i32
        %dma_start3A_2127 = tpu.memref_slice %arg2[%mul3A_2, %dma_start3A_2126] : memref<128x16xf32, #tpu.memory_space<hbm>> -> memref<8x16xf32, #tpu.memory_space<hbm>>
        tpu.enqueue_dma source(%dma_start3A_2127 : memref<8x16xf32, #tpu.memory_space<hbm>>) target(%arg4 : memref<8x16xf32, #tpu.memory_space<vmem>>) target_semaphore(%run_scoped3A : memref<!tpu.dma_semaphore, #tpu.memory_space<semaphore_mem>>)
        %dma_wait3A = arith.constant 0 : i32
        %dma_wait3A_2128 = tpu.memref_slice %arg2[%mul3A_2, %dma_wait3A] : memref<128x16xf32, #tpu.memory_space<hbm>> -> memref<8x16xf32, #tpu.memory_space<hbm>>
        %dma_wait3A_2129 = arith.constant 0 : i32
        %dma_wait3A_2130 = tpu.memref_slice %arg2[%mul3A_2, %dma_wait3A_2129] : memref<128x16xf32, #tpu.memory_space<hbm>> -> memref<8x16xf32, #tpu.memory_space<hbm>>
        tpu.wait_dma2 semaphore(%run_scoped3A : memref<!tpu.dma_semaphore, #tpu.memory_space<semaphore_mem>>) src(%dma_wait3A_2130 : memref<8x16xf32, #tpu.memory_space<hbm>>) dst(%arg4 : memref<8x16xf32, #tpu.memory_space<vmem>>)
        tpu.yield
      }) : () -> ()
      %iota3A = tpu.iota {dimensions = array<i32: 0>} : vector<16xi32>
      %get3A = arith.constant 0 : i32
      %get3A_3 = arith.index_cast %get3A : i32 to index
      %get3A_4 = arith.constant 0 : index
      %get3A_5 = tpu.vector_load %arg4[%get3A_3, %get3A_4] {strides = array<i32>} : memref<8x16xf32, #tpu.memory_space<vmem>>, vector<1x16xf32>,
      %get3A_6 = vector.shape_cast %get3A_5 : vector<1x16xf32> to vector<16xf32>
      %xor3A = arith.constant 8 : i32
      %xor3A_7 = vector.broadcast %xor3A : i32 to vector<16xi32>
      %xor3A_8 = arith.xori %iota3A, %xor3A_7 : vector<16xi32>
      %lt3A = arith.constant 0 : i32
      %lt3A_9 = vector.broadcast %lt3A : i32 to vector<16xi32>
      %lt3A_10 = arith.cmpi slt, %xor3A_8, %lt3A_9 : vector<16xi32>
      %add3A = arith.constant 16 : i32
      %add3A_11 = vector.broadcast %add3A : i32 to vector<16xi32>
      %add3A_12 = arith.addi %xor3A_8, %add3A_11 : vector<16xi32>
      %select_n3A = arith.select %lt3A_10, %add3A_12, %xor3A_8 : vector<16xi1>, vector<16xi32>
      %broadcast_in_dim3A = vector.shape_cast %select_n3A : vector<16xi32> to vector<16x1xi32>
      %gather3A = vector.shape_cast %broadcast_in_dim3A : vector<16x1xi32> to vector<16xi32>
      %gather3A_13 = tpu.dynamic_gather %get3A_6[%gather3A] in [0] : vector<16xf32>, vector<16xi32> -> vector<16xf32>
      %max3A = arith.maximumf %get3A_6, %gather3A_13 : vector<16xf32>
      %xor3A_14 = arith.constant 4 : i32
      %xor3A_15 = vector.broadcast %xor3A_14 : i32 to vector<16xi32>
      %xor3A_16 = arith.xori %iota3A, %xor3A_15 : vector<16xi32>
      %lt3A_17 = arith.constant 0 : i32
      %lt3A_18 = vector.broadcast %lt3A_17 : i32 to vector<16xi32>
      %lt3A_19 = arith.cmpi slt, %xor3A_16, %lt3A_18 : vector<16xi32>
      %add3A_20 = arith.constant 16 : i32
      %add3A_21 = vector.broadcast %add3A_20 : i32 to vector<16xi32>
      %add3A_22 = arith.addi %xor3A_16, %add3A_21 : vector<16xi32>
      %select_n3A_23 = arith.select %lt3A_19, %add3A_22, %xor3A_16 : vector<16xi1>, vector<16xi32>
      %broadcast_in_dim3A_24 = vector.shape_cast %select_n3A_23 : vector<16xi32> to vector<16x1xi32>
      %gather3A_25 = vector.shape_cast %broadcast_in_dim3A_24 : vector<16x1xi32> to vector<16xi32>
      %gather3A_26 = tpu.dynamic_gather %max3A[%gather3A_25] in [0] : vector<16xf32>, vector<16xi32> -> vector<16xf32>
      %max3A_27 = arith.maximumf %max3A, %gather3A_26 : vector<16xf32>
      %xor3A_28 = arith.constant 2 : i32
      %xor3A_29 = vector.broadcast %xor3A_28 : i32 to vector<16xi32>
      %xor3A_30 = arith.xori %iota3A, %xor3A_29 : vector<16xi32>
      %lt3A_31 = arith.constant 0 : i32
      %lt3A_32 = vector.broadcast %lt3A_31 : i32 to vector<16xi32>
      %lt3A_33 = arith.cmpi slt, %xor3A_30, %lt3A_32 : vector<16xi32>
      %add3A_34 = arith.constant 16 : i32
      %add3A_35 = vector.broadcast %add3A_34 : i32 to vector<16xi32>
      %add3A_36 = arith.addi %xor3A_30, %add3A_35 : vector<16xi32>
      %select_n3A_37 = arith.select %lt3A_33, %add3A_36, %xor3A_30 : vector<16xi1>, vector<16xi32>
      %broadcast_in_dim3A_38 = vector.shape_cast %select_n3A_37 : vector<16xi32> to vector<16x1xi32>
      %gather3A_39 = vector.shape_cast %broadcast_in_dim3A_38 : vector<16x1xi32> to vector<16xi32>
      %gather3A_40 = tpu.dynamic_gather %max3A_27[%gather3A_39] in [0] : vector<16xf32>, vector<16xi32> -> vector<16xf32>
      %max3A_41 = arith.maximumf %max3A_27, %gather3A_40 : vector<16xf32>
      %xor3A_42 = arith.constant 1 : i32
      %xor3A_43 = vector.broadcast %xor3A_42 : i32 to vector<16xi32>
      %xor3A_44 = arith.xori %iota3A, %xor3A_43 : vector<16xi32>
      %lt3A_45 = arith.constant 0 : i32
      %lt3A_46 = vector.broadcast %lt3A_45 : i32 to vector<16xi32>
      %lt3A_47 = arith.cmpi slt, %xor3A_44, %lt3A_46 : vector<16xi32>
      %add3A_48 = arith.constant 16 : i32
      %add3A_49 = vector.broadcast %add3A_48 : i32 to vector<16xi32>
      %add3A_50 = arith.addi %xor3A_44, %add3A_49 : vector<16xi32>
      %select_n3A_51 = arith.select %lt3A_47, %add3A_50, %xor3A_44 : vector<16xi1>, vector<16xi32>
      %broadcast_in_dim3A_52 = vector.shape_cast %select_n3A_51 : vector<16xi32> to vector<16x1xi32>
      %gather3A_53 = vector.shape_cast %broadcast_in_dim3A_52 : vector<16x1xi32> to vector<16xi32>
      %gather3A_54 = tpu.dynamic_gather %max3A_41[%gather3A_53] in [0] : vector<16xf32>, vector<16xi32> -> vector<16xf32>
      %max3A_55 = arith.maximumf %max3A_41, %gather3A_54 : vector<16xf32>
      %eq3A_56 = arith.cmpf oeq, %get3A_6, %max3A_55 : vector<16xf32>
      %jit3A = arith.constant 16 : i32
      %broadcast_in_dim3A_57 = vector.broadcast %jit3A : i32 to vector<16xi32>
      %select_n3A_58 = arith.select %eq3A_56, %iota3A, %broadcast_in_dim3A_57 : vector<16xi1>, vector<16xi32>
      %xor3A_59 = arith.constant 8 : i32
      %xor3A_60 = vector.broadcast %xor3A_59 : i32 to vector<16xi32>
      %xor3A_61 = arith.xori %iota3A, %xor3A_60 : vector<16xi32>
      %lt3A_62 = arith.constant 0 : i32
      %lt3A_63 = vector.broadcast %lt3A_62 : i32 to vector<16xi32>
      %lt3A_64 = arith.cmpi slt, %xor3A_61, %lt3A_63 : vector<16xi32>
      %add3A_65 = arith.constant 16 : i32
      %add3A_66 = vector.broadcast %add3A_65 : i32 to vector<16xi32>
      %add3A_67 = arith.addi %xor3A_61, %add3A_66 : vector<16xi32>
      %select_n3A_68 = arith.select %lt3A_64, %add3A_67, %xor3A_61 : vector<16xi1>, vector<16xi32>
      %broadcast_in_dim3A_69 = vector.shape_cast %select_n3A_68 : vector<16xi32> to vector<16x1xi32>
      %gather3A_70 = vector.shape_cast %broadcast_in_dim3A_69 : vector<16x1xi32> to vector<16xi32>
      %gather3A_71 = tpu.dynamic_gather %select_n3A_58[%gather3A_70] in [0] : vector<16xi32>, vector<16xi32> -> vector<16xi32>
      %min3A = arith.minsi %select_n3A_58, %gather3A_71 : vector<16xi32>
      %xor3A_72 = arith.constant 4 : i32
      %xor3A_73 = vector.broadcast %xor3A_72 : i32 to vector<16xi32>
      %xor3A_74 = arith.xori %iota3A, %xor3A_73 : vector<16xi32>
      %lt3A_75 = arith.constant 0 : i32
      %lt3A_76 = vector.broadcast %lt3A_75 : i32 to vector<16xi32>
      %lt3A_77 = arith.cmpi slt, %xor3A_74, %lt3A_76 : vector<16xi32>
      %add3A_78 = arith.constant 16 : i32
      %add3A_79 = vector.broadcast %add3A_78 : i32 to vector<16xi32>
      %add3A_80 = arith.addi %xor3A_74, %add3A_79 : vector<16xi32>
      %select_n3A_81 = arith.select %lt3A_77, %add3A_80, %xor3A_74 : vector<16xi1>, vector<16xi32>
      %broadcast_in_dim3A_82 = vector.shape_cast %select_n3A_81 : vector<16xi32> to vector<16x1xi32>
      %gather3A_83 = vector.shape_cast %broadcast_in_dim3A_82 : vector<16x1xi32> to vector<16xi32>
      %gather3A_84 = tpu.dynamic_gather %min3A[%gather3A_83] in [0] : vector<16xi32>, vector<16xi32> -> vector<16xi32>
      %min3A_85 = arith.minsi %min3A, %gather3A_84 : vector<16xi32>
      %xor3A_86 = arith.constant 2 : i32
      %xor3A_87 = vector.broadcast %xor3A_86 : i32 to vector<16xi32>
      %xor3A_88 = arith.xori %iota3A, %xor3A_87 : vector<16xi32>
      %lt3A_89 = arith.constant 0 : i32
      %lt3A_90 = vector.broadcast %lt3A_89 : i32 to vector<16xi32>
      %lt3A_91 = arith.cmpi slt, %xor3A_88, %lt3A_90 : vector<16xi32>
      %add3A_92 = arith.constant 16 : i32
      %add3A_93 = vector.broadcast %add3A_92 : i32 to vector<16xi32>
      %add3A_94 = arith.addi %xor3A_88, %add3A_93 : vector<16xi32>
      %select_n3A_95 = arith.select %lt3A_91, %add3A_94, %xor3A_88 : vector<16xi1>, vector<16xi32>
      %broadcast_in_dim3A_96 = vector.shape_cast %select_n3A_95 : vector<16xi32> to vector<16x1xi32>
      %gather3A_97 = vector.shape_cast %broadcast_in_dim3A_96 : vector<16x1xi32> to vector<16xi32>
      %gather3A_98 = tpu.dynamic_gather %min3A_85[%gather3A_97] in [0] : vector<16xi32>, vector<16xi32> -> vector<16xi32>
      %min3A_99 = arith.minsi %min3A_85, %gather3A_98 : vector<16xi32>
      %xor3A_100 = arith.constant 1 : i32
      %xor3A_101 = vector.broadcast %xor3A_100 : i32 to vector<16xi32>
      %xor3A_102 = arith.xori %iota3A, %xor3A_101 : vector<16xi32>
      %lt3A_103 = arith.constant 0 : i32
      %lt3A_104 = vector.broadcast %lt3A_103 : i32 to vector<16xi32>
      %lt3A_105 = arith.cmpi slt, %xor3A_102, %lt3A_104 : vector<16xi32>
      %add3A_106 = arith.constant 16 : i32
      %add3A_107 = vector.broadcast %add3A_106 : i32 to vector<16xi32>
      %add3A_108 = arith.addi %xor3A_102, %add3A_107 : vector<16xi32>
      %select_n3A_109 = arith.select %lt3A_105, %add3A_108, %xor3A_102 : vector<16xi1>, vector<16xi32>
      %broadcast_in_dim3A_110 = vector.shape_cast %select_n3A_109 : vector<16xi32> to vector<16x1xi32>
      %gather3A_111 = vector.shape_cast %broadcast_in_dim3A_110 : vector<16x1xi32> to vector<16xi32>
      %gather3A_112 = tpu.dynamic_gather %min3A_99[%gather3A_111] in [0] : vector<16xi32>, vector<16xi32> -> vector<16xi32>
      %min3A_113 = arith.minsi %min3A_99, %gather3A_112 : vector<16xi32>
      %eq3A_114 = arith.cmpi eq, %iota3A, %min3A_113 : vector<16xi32>
      %jit3A_115 = arith.constant -1.000000e+30 : f32
      %broadcast_in_dim3A_116 = vector.broadcast %jit3A_115 : f32 to vector<16xf32>
      %select_n3A_117 = arith.select %eq3A_114, %broadcast_in_dim3A_116, %get3A_6 : vector<16xi1>, vector<16xf32>
      %xor3A_118 = arith.constant 8 : i32
      %xor3A_119 = vector.broadcast %xor3A_118 : i32 to vector<16xi32>
      %xor3A_120 = arith.xori %iota3A, %xor3A_119 : vector<16xi32>
      %lt3A_121 = arith.constant 0 : i32
      %lt3A_122 = vector.broadcast %lt3A_121 : i32 to vector<16xi32>
      %lt3A_123 = arith.cmpi slt, %xor3A_120, %lt3A_122 : vector<16xi32>
      %add3A_124 = arith.constant 16 : i32
      %add3A_125 = vector.broadcast %add3A_124 : i32 to vector<16xi32>
      %add3A_126 = arith.addi %xor3A_120, %add3A_125 : vector<16xi32>
      %select_n3A_127 = arith.select %lt3A_123, %add3A_126, %xor3A_120 : vector<16xi1>, vector<16xi32>
      %broadcast_in_dim3A_128 = vector.shape_cast %select_n3A_127 : vector<16xi32> to vector<16x1xi32>
      %gather3A_129 = vector.shape_cast %broadcast_in_dim3A_128 : vector<16x1xi32> to vector<16xi32>
      %gather3A_130 = tpu.dynamic_gather %select_n3A_117[%gather3A_129] in [0] : vector<16xf32>, vector<16xi32> -> vector<16xf32>
      %max3A_131 = arith.maximumf %select_n3A_117, %gather3A_130 : vector<16xf32>
      %xor3A_132 = arith.constant 4 : i32
      %xor3A_133 = vector.broadcast %xor3A_132 : i32 to vector<16xi32>
      %xor3A_134 = arith.xori %iota3A, %xor3A_133 : vector<16xi32>
      %lt3A_135 = arith.constant 0 : i32
      %lt3A_136 = vector.broadcast %lt3A_135 : i32 to vector<16xi32>
      %lt3A_137 = arith.cmpi slt, %xor3A_134, %lt3A_136 : vector<16xi32>
      %add3A_138 = arith.constant 16 : i32
      %add3A_139 = vector.broadcast %add3A_138 : i32 to vector<16xi32>
      %add3A_140 = arith.addi %xor3A_134, %add3A_139 : vector<16xi32>
      %select_n3A_141 = arith.select %lt3A_137, %add3A_140, %xor3A_134 : vector<16xi1>, vector<16xi32>
      %broadcast_in_dim3A_142 = vector.shape_cast %select_n3A_141 : vector<16xi32> to vector<16x1xi32>
      %gather3A_143 = vector.shape_cast %broadcast_in_dim3A_142 : vector<16x1xi32> to vector<16xi32>
      %gather3A_144 = tpu.dynamic_gather %max3A_131[%gather3A_143] in [0] : vector<16xf32>, vector<16xi32> -> vector<16xf32>
      %max3A_145 = arith.maximumf %max3A_131, %gather3A_144 : vector<16xf32>
      %xor3A_146 = arith.constant 2 : i32
      %xor3A_147 = vector.broadcast %xor3A_146 : i32 to vector<16xi32>
      %xor3A_148 = arith.xori %iota3A, %xor3A_147 : vector<16xi32>
      %lt3A_149 = arith.constant 0 : i32
      %lt3A_150 = vector.broadcast %lt3A_149 : i32 to vector<16xi32>
      %lt3A_151 = arith.cmpi slt, %xor3A_148, %lt3A_150 : vector<16xi32>
      %add3A_152 = arith.constant 16 : i32
      %add3A_153 = vector.broadcast %add3A_152 : i32 to vector<16xi32>
      %add3A_154 = arith.addi %xor3A_148, %add3A_153 : vector<16xi32>
      %select_n3A_155 = arith.select %lt3A_151, %add3A_154, %xor3A_148 : vector<16xi1>, vector<16xi32>
      %broadcast_in_dim3A_156 = vector.shape_cast %select_n3A_155 : vector<16xi32> to vector<16x1xi32>
      %gather3A_157 = vector.shape_cast %broadcast_in_dim3A_156 : vector<16x1xi32> to vector<16xi32>
      %gather3A_158 = tpu.dynamic_gather %max3A_145[%gather3A_157] in [0] : vector<16xf32>, vector<16xi32> -> vector<16xf32>
      %max3A_159 = arith.maximumf %max3A_145, %gather3A_158 : vector<16xf32>
      %xor3A_160 = arith.constant 1 : i32
      %xor3A_161 = vector.broadcast %xor3A_160 : i32 to vector<16xi32>
      %xor3A_162 = arith.xori %iota3A, %xor3A_161 : vector<16xi32>
      %lt3A_163 = arith.constant 0 : i32
      %lt3A_164 = vector.broadcast %lt3A_163 : i32 to vector<16xi32>
      %lt3A_165 = arith.cmpi slt, %xor3A_162, %lt3A_164 : vector<16xi32>
      %add3A_166 = arith.constant 16 : i32
      %add3A_167 = vector.broadcast %add3A_166 : i32 to vector<16xi32>
      %add3A_168 = arith.addi %xor3A_162, %add3A_167 : vector<16xi32>
      %select_n3A_169 = arith.select %lt3A_165, %add3A_168, %xor3A_162 : vector<16xi1>, vector<16xi32>
      %broadcast_in_dim3A_170 = vector.shape_cast %select_n3A_169 : vector<16xi32> to vector<16x1xi32>
      %gather3A_171 = vector.shape_cast %broadcast_in_dim3A_170 : vector<16x1xi32> to vector<16xi32>
      %gather3A_172 = tpu.dynamic_gather %max3A_159[%gather3A_171] in [0] : vector<16xf32>, vector<16xi32> -> vector<16xf32>
      %max3A_173 = arith.maximumf %max3A_159, %gather3A_172 : vector<16xf32>
      %eq3A_174 = arith.cmpf oeq, %select_n3A_117, %max3A_173 : vector<16xf32>
      %jit3A_175 = arith.constant 16 : i32
      %broadcast_in_dim3A_176 = vector.broadcast %jit3A_175 : i32 to vector<16xi32>
      %select_n3A_177 = arith.select %eq3A_174, %iota3A, %broadcast_in_dim3A_176 : vector<16xi1>, vector<16xi32>
      %xor3A_178 = arith.constant 8 : i32
      %xor3A_179 = vector.broadcast %xor3A_178 : i32 to vector<16xi32>
      %xor3A_180 = arith.xori %iota3A, %xor3A_179 : vector<16xi32>
      %lt3A_181 = arith.constant 0 : i32
      %lt3A_182 = vector.broadcast %lt3A_181 : i32 to vector<16xi32>
      %lt3A_183 = arith.cmpi slt, %xor3A_180, %lt3A_182 : vector<16xi32>
      %add3A_184 = arith.constant 16 : i32
      %add3A_185 = vector.broadcast %add3A_184 : i32 to vector<16xi32>
      %add3A_186 = arith.addi %xor3A_180, %add3A_185 : vector<16xi32>
      %select_n3A_187 = arith.select %lt3A_183, %add3A_186, %xor3A_180 : vector<16xi1>, vector<16xi32>
      %broadcast_in_dim3A_188 = vector.shape_cast %select_n3A_187 : vector<16xi32> to vector<16x1xi32>
      %gather3A_189 = vector.shape_cast %broadcast_in_dim3A_188 : vector<16x1xi32> to vector<16xi32>
      %gather3A_190 = tpu.dynamic_gather %select_n3A_177[%gather3A_189] in [0] : vector<16xi32>, vector<16xi32> -> vector<16xi32>
      %min3A_191 = arith.minsi %select_n3A_177, %gather3A_190 : vector<16xi32>
      %xor3A_192 = arith.constant 4 : i32
      %xor3A_193 = vector.broadcast %xor3A_192 : i32 to vector<16xi32>
      %xor3A_194 = arith.xori %iota3A, %xor3A_193 : vector<16xi32>
      %lt3A_195 = arith.constant 0 : i32
      %lt3A_196 = vector.broadcast %lt3A_195 : i32 to vector<16xi32>
      %lt3A_197 = arith.cmpi slt, %xor3A_194, %lt3A_196 : vector<16xi32>
      %add3A_198 = arith.constant 16 : i32
      %add3A_199 = vector.broadcast %add3A_198 : i32 to vector<16xi32>
      %add3A_200 = arith.addi %xor3A_194, %add3A_199 : vector<16xi32>
      %select_n3A_201 = arith.select %lt3A_197, %add3A_200, %xor3A_194 : vector<16xi1>, vector<16xi32>
      %broadcast_in_dim3A_202 = vector.shape_cast %select_n3A_201 : vector<16xi32> to vector<16x1xi32>
      %gather3A_203 = vector.shape_cast %broadcast_in_dim3A_202 : vector<16x1xi32> to vector<16xi32>
      %gather3A_204 = tpu.dynamic_gather %min3A_191[%gather3A_203] in [0] : vector<16xi32>, vector<16xi32> -> vector<16xi32>
      %min3A_205 = arith.minsi %min3A_191, %gather3A_204 : vector<16xi32>
      %xor3A_206 = arith.constant 2 : i32
      %xor3A_207 = vector.broadcast %xor3A_206 : i32 to vector<16xi32>
      %xor3A_208 = arith.xori %iota3A, %xor3A_207 : vector<16xi32>
      %lt3A_209 = arith.constant 0 : i32
      %lt3A_210 = vector.broadcast %lt3A_209 : i32 to vector<16xi32>
      %lt3A_211 = arith.cmpi slt, %xor3A_208, %lt3A_210 : vector<16xi32>
      %add3A_212 = arith.constant 16 : i32
      %add3A_213 = vector.broadcast %add3A_212 : i32 to vector<16xi32>
      %add3A_214 = arith.addi %xor3A_208, %add3A_213 : vector<16xi32>
      %select_n3A_215 = arith.select %lt3A_211, %add3A_214, %xor3A_208 : vector<16xi1>, vector<16xi32>
      %broadcast_in_dim3A_216 = vector.shape_cast %select_n3A_215 : vector<16xi32> to vector<16x1xi32>
      %gather3A_217 = vector.shape_cast %broadcast_in_dim3A_216 : vector<16x1xi32> to vector<16xi32>
      %gather3A_218 = tpu.dynamic_gather %min3A_205[%gather3A_217] in [0] : vector<16xi32>, vector<16xi32> -> vector<16xi32>
      %min3A_219 = arith.minsi %min3A_205, %gather3A_218 : vector<16xi32>
      %xor3A_220 = arith.constant 1 : i32
      %xor3A_221 = vector.broadcast %xor3A_220 : i32 to vector<16xi32>
      %xor3A_222 = arith.xori %iota3A, %xor3A_221 : vector<16xi32>
      %lt3A_223 = arith.constant 0 : i32
      %lt3A_224 = vector.broadcast %lt3A_223 : i32 to vector<16xi32>
      %lt3A_225 = arith.cmpi slt, %xor3A_222, %lt3A_224 : vector<16xi32>
      %add3A_226 = arith.constant 16 : i32
      %add3A_227 = vector.broadcast %add3A_226 : i32 to vector<16xi32>
      %add3A_228 = arith.addi %xor3A_222, %add3A_227 : vector<16xi32>
      %select_n3A_229 = arith.select %lt3A_225, %add3A_228, %xor3A_222 : vector<16xi1>, vector<16xi32>
      %broadcast_in_dim3A_230 = vector.shape_cast %select_n3A_229 : vector<16xi32> to vector<16x1xi32>
      %gather3A_231 = vector.shape_cast %broadcast_in_dim3A_230 : vector<16x1xi32> to vector<16xi32>
      %gather3A_232 = tpu.dynamic_gather %min3A_219[%gather3A_231] in [0] : vector<16xi32>, vector<16xi32> -> vector<16xi32>
      %min3A_233 = arith.minsi %min3A_219, %gather3A_232 : vector<16xi32>
      %sub3A = arith.subf %max3A_173, %max3A_55 : vector<16xf32>
      %exp3A = math.exp %sub3A : vector<16xf32>
      %add3A_234 = arith.constant 1.000000e+00 : f32
      %add3A_235 = vector.broadcast %add3A_234 : f32 to vector<16xf32>
      %add3A_236 = arith.addf %add3A_235, %exp3A : vector<16xf32>
      %div3A = arith.constant 1.000000e+00 : f32
      %div3A_237 = vector.broadcast %div3A : f32 to vector<16xf32>
      %div3A_238 = arith.divf %div3A_237, %add3A_236 : vector<16xf32>
      %eq3A_239 = arith.cmpi eq, %iota3A, %min3A_113 : vector<16xi32>
      %jit3A_240 = arith.constant 0.000000e+00 : f32
      %broadcast_in_dim3A_241 = vector.broadcast %jit3A_240 : f32 to vector<16xf32>
      %select_n3A_242 = arith.select %eq3A_239, %div3A_238, %broadcast_in_dim3A_241 : vector<16xi1>, vector<16xf32>
      %eq3A_243 = arith.cmpi eq, %iota3A, %min3A_233 : vector<16xi32>
      %sub3A_244 = arith.constant 1.000000e+00 : f32
      %sub3A_245 = vector.broadcast %sub3A_244 : f32 to vector<16xf32>
      %sub3A_246 = arith.subf %sub3A_245, %div3A_238 : vector<16xf32>
      %jit3A_247 = arith.constant 0.000000e+00 : f32
      %broadcast_in_dim3A_248 = vector.broadcast %jit3A_247 : f32 to vector<16xf32>
      %select_n3A_249 = arith.select %eq3A_243, %sub3A_246, %broadcast_in_dim3A_248 : vector<16xi1>, vector<16xf32>
      %add3A_250 = arith.addf %select_n3A_242, %select_n3A_249 : vector<16xf32>
      %swap3A = arith.constant 0 : i32
      %swap3A_251 = arith.index_cast %swap3A : i32 to index
      %swap3A_252 = arith.constant 0 : index
      %swap3A_253 = tpu.vector_load %arg5[%swap3A_251, %swap3A_252] {strides = array<i32>} : memref<8x16xf32, #tpu.memory_space<vmem>>, vector<1x16xf32>,
      %swap3A_254 = vector.shape_cast %swap3A_253 : vector<1x16xf32> to vector<16xf32>
      %swap3A_255 = vector.shape_cast %add3A_250 : vector<16xf32> to vector<1x16xf32>
      tpu.vector_store %arg5[%swap3A_251, %swap3A_252], %swap3A_255 {strides = array<i32>} : memref<8x16xf32, #tpu.memory_space<vmem>>, vector<1x16xf32>,
      %get3A_256 = arith.constant 1 : i32
      %get3A_257 = arith.index_cast %get3A_256 : i32 to index
      %get3A_258 = arith.constant 0 : index
      %get3A_259 = tpu.vector_load %arg4[%get3A_257, %get3A_258] {strides = array<i32>} : memref<8x16xf32, #tpu.memory_space<vmem>>, vector<1x16xf32>,
      %get3A_260 = vector.shape_cast %get3A_259 : vector<1x16xf32> to vector<16xf32>
      %xor3A_261 = arith.constant 8 : i32
      %xor3A_262 = vector.broadcast %xor3A_261 : i32 to vector<16xi32>
      %xor3A_263 = arith.xori %iota3A, %xor3A_262 : vector<16xi32>
      %lt3A_264 = arith.constant 0 : i32
      %lt3A_265 = vector.broadcast %lt3A_264 : i32 to vector<16xi32>
      %lt3A_266 = arith.cmpi slt, %xor3A_263, %lt3A_265 : vector<16xi32>
      %add3A_267 = arith.constant 16 : i32
      %add3A_268 = vector.broadcast %add3A_267 : i32 to vector<16xi32>
      %add3A_269 = arith.addi %xor3A_263, %add3A_268 : vector<16xi32>
      %select_n3A_270 = arith.select %lt3A_266, %add3A_269, %xor3A_263 : vector<16xi1>, vector<16xi32>
      %broadcast_in_dim3A_271 = vector.shape_cast %select_n3A_270 : vector<16xi32> to vector<16x1xi32>
      %gather3A_272 = vector.shape_cast %broadcast_in_dim3A_271 : vector<16x1xi32> to vector<16xi32>
      %gather3A_273 = tpu.dynamic_gather %get3A_260[%gather3A_272] in [0] : vector<16xf32>, vector<16xi32> -> vector<16xf32>
      %max3A_274 = arith.maximumf %get3A_260, %gather3A_273 : vector<16xf32>
      %xor3A_275 = arith.constant 4 : i32
      %xor3A_276 = vector.broadcast %xor3A_275 : i32 to vector<16xi32>
      %xor3A_277 = arith.xori %iota3A, %xor3A_276 : vector<16xi32>
      %lt3A_278 = arith.constant 0 : i32
      %lt3A_279 = vector.broadcast %lt3A_278 : i32 to vector<16xi32>
      %lt3A_280 = arith.cmpi slt, %xor3A_277, %lt3A_279 : vector<16xi32>
      %add3A_281 = arith.constant 16 : i32
      %add3A_282 = vector.broadcast %add3A_281 : i32 to vector<16xi32>
      %add3A_283 = arith.addi %xor3A_277, %add3A_282 : vector<16xi32>
      %select_n3A_284 = arith.select %lt3A_280, %add3A_283, %xor3A_277 : vector<16xi1>, vector<16xi32>
      %broadcast_in_dim3A_285 = vector.shape_cast %select_n3A_284 : vector<16xi32> to vector<16x1xi32>
      %gather3A_286 = vector.shape_cast %broadcast_in_dim3A_285 : vector<16x1xi32> to vector<16xi32>
      %gather3A_287 = tpu.dynamic_gather %max3A_274[%gather3A_286] in [0] : vector<16xf32>, vector<16xi32> -> vector<16xf32>
      %max3A_288 = arith.maximumf %max3A_274, %gather3A_287 : vector<16xf32>
      %xor3A_289 = arith.constant 2 : i32
      %xor3A_290 = vector.broadcast %xor3A_289 : i32 to vector<16xi32>
      %xor3A_291 = arith.xori %iota3A, %xor3A_290 : vector<16xi32>
      %lt3A_292 = arith.constant 0 : i32
      %lt3A_293 = vector.broadcast %lt3A_292 : i32 to vector<16xi32>
      %lt3A_294 = arith.cmpi slt, %xor3A_291, %lt3A_293 : vector<16xi32>
      %add3A_295 = arith.constant 16 : i32
      %add3A_296 = vector.broadcast %add3A_295 : i32 to vector<16xi32>
      %add3A_297 = arith.addi %xor3A_291, %add3A_296 : vector<16xi32>
      %select_n3A_298 = arith.select %lt3A_294, %add3A_297, %xor3A_291 : vector<16xi1>, vector<16xi32>
      %broadcast_in_dim3A_299 = vector.shape_cast %select_n3A_298 : vector<16xi32> to vector<16x1xi32>
      %gather3A_300 = vector.shape_cast %broadcast_in_dim3A_299 : vector<16x1xi32> to vector<16xi32>
      %gather3A_301 = tpu.dynamic_gather %max3A_288[%gather3A_300] in [0] : vector<16xf32>, vector<16xi32> -> vector<16xf32>
      %max3A_302 = arith.maximumf %max3A_288, %gather3A_301 : vector<16xf32>
      %xor3A_303 = arith.constant 1 : i32
      %xor3A_304 = vector.broadcast %xor3A_303 : i32 to vector<16xi32>
      %xor3A_305 = arith.xori %iota3A, %xor3A_304 : vector<16xi32>
      %lt3A_306 = arith.constant 0 : i32
      %lt3A_307 = vector.broadcast %lt3A_306 : i32 to vector<16xi32>
      %lt3A_308 = arith.cmpi slt, %xor3A_305, %lt3A_307 : vector<16xi32>
      %add3A_309 = arith.constant 16 : i32
      %add3A_310 = vector.broadcast %add3A_309 : i32 to vector<16xi32>
      %add3A_311 = arith.addi %xor3A_305, %add3A_310 : vector<16xi32>
      %select_n3A_312 = arith.select %lt3A_308, %add3A_311, %xor3A_305 : vector<16xi1>, vector<16xi32>
      %broadcast_in_dim3A_313 = vector.shape_cast %select_n3A_312 : vector<16xi32> to vector<16x1xi32>
      %gather3A_314 = vector.shape_cast %broadcast_in_dim3A_313 : vector<16x1xi32> to vector<16xi32>
      %gather3A_315 = tpu.dynamic_gather %max3A_302[%gather3A_314] in [0] : vector<16xf32>, vector<16xi32> -> vector<16xf32>
      %max3A_316 = arith.maximumf %max3A_302, %gather3A_315 : vector<16xf32>
      %eq3A_317 = arith.cmpf oeq, %get3A_260, %max3A_316 : vector<16xf32>
      %jit3A_318 = arith.constant 16 : i32
      %broadcast_in_dim3A_319 = vector.broadcast %jit3A_318 : i32 to vector<16xi32>
      %select_n3A_320 = arith.select %eq3A_317, %iota3A, %broadcast_in_dim3A_319 : vector<16xi1>, vector<16xi32>
      %xor3A_321 = arith.constant 8 : i32
      %xor3A_322 = vector.broadcast %xor3A_321 : i32 to vector<16xi32>
      %xor3A_323 = arith.xori %iota3A, %xor3A_322 : vector<16xi32>
      %lt3A_324 = arith.constant 0 : i32
      %lt3A_325 = vector.broadcast %lt3A_324 : i32 to vector<16xi32>
      %lt3A_326 = arith.cmpi slt, %xor3A_323, %lt3A_325 : vector<16xi32>
      %add3A_327 = arith.constant 16 : i32
      %add3A_328 = vector.broadcast %add3A_327 : i32 to vector<16xi32>
      %add3A_329 = arith.addi %xor3A_323, %add3A_328 : vector<16xi32>
      %select_n3A_330 = arith.select %lt3A_326, %add3A_329, %xor3A_323 : vector<16xi1>, vector<16xi32>
      %broadcast_in_dim3A_331 = vector.shape_cast %select_n3A_330 : vector<16xi32> to vector<16x1xi32>
      %gather3A_332 = vector.shape_cast %broadcast_in_dim3A_331 : vector<16x1xi32> to vector<16xi32>
      %gather3A_333 = tpu.dynamic_gather %select_n3A_320[%gather3A_332] in [0] : vector<16xi32>, vector<16xi32> -> vector<16xi32>
      %min3A_334 = arith.minsi %select_n3A_320, %gather3A_333 : vector<16xi32>
      %xor3A_335 = arith.constant 4 : i32
      %xor3A_336 = vector.broadcast %xor3A_335 : i32 to vector<16xi32>
      %xor3A_337 = arith.xori %iota3A, %xor3A_336 : vector<16xi32>
      %lt3A_338 = arith.constant 0 : i32
      %lt3A_339 = vector.broadcast %lt3A_338 : i32 to vector<16xi32>
      %lt3A_340 = arith.cmpi slt, %xor3A_337, %lt3A_339 : vector<16xi32>
      %add3A_341 = arith.constant 16 : i32
      %add3A_342 = vector.broadcast %add3A_341 : i32 to vector<16xi32>
      %add3A_343 = arith.addi %xor3A_337, %add3A_342 : vector<16xi32>
      %select_n3A_344 = arith.select %lt3A_340, %add3A_343, %xor3A_337 : vector<16xi1>, vector<16xi32>
      %broadcast_in_dim3A_345 = vector.shape_cast %select_n3A_344 : vector<16xi32> to vector<16x1xi32>
      %gather3A_346 = vector.shape_cast %broadcast_in_dim3A_345 : vector<16x1xi32> to vector<16xi32>
      %gather3A_347 = tpu.dynamic_gather %min3A_334[%gather3A_346] in [0] : vector<16xi32>, vector<16xi32> -> vector<16xi32>
      %min3A_348 = arith.minsi %min3A_334, %gather3A_347 : vector<16xi32>
      %xor3A_349 = arith.constant 2 : i32
      %xor3A_350 = vector.broadcast %xor3A_349 : i32 to vector<16xi32>
      %xor3A_351 = arith.xori %iota3A, %xor3A_350 : vector<16xi32>
      %lt3A_352 = arith.constant 0 : i32
      %lt3A_353 = vector.broadcast %lt3A_352 : i32 to vector<16xi32>
      %lt3A_354 = arith.cmpi slt, %xor3A_351, %lt3A_353 : vector<16xi32>
      %add3A_355 = arith.constant 16 : i32
      %add3A_356 = vector.broadcast %add3A_355 : i32 to vector<16xi32>
      %add3A_357 = arith.addi %xor3A_351, %add3A_356 : vector<16xi32>
      %select_n3A_358 = arith.select %lt3A_354, %add3A_357, %xor3A_351 : vector<16xi1>, vector<16xi32>
      %broadcast_in_dim3A_359 = vector.shape_cast %select_n3A_358 : vector<16xi32> to vector<16x1xi32>
      %gather3A_360 = vector.shape_cast %broadcast_in_dim3A_359 : vector<16x1xi32> to vector<16xi32>
      %gather3A_361 = tpu.dynamic_gather %min3A_348[%gather3A_360] in [0] : vector<16xi32>, vector<16xi32> -> vector<16xi32>
      %min3A_362 = arith.minsi %min3A_348, %gather3A_361 : vector<16xi32>
      %xor3A_363 = arith.constant 1 : i32
      %xor3A_364 = vector.broadcast %xor3A_363 : i32 to vector<16xi32>
      %xor3A_365 = arith.xori %iota3A, %xor3A_364 : vector<16xi32>
      %lt3A_366 = arith.constant 0 : i32
      %lt3A_367 = vector.broadcast %lt3A_366 : i32 to vector<16xi32>
      %lt3A_368 = arith.cmpi slt, %xor3A_365, %lt3A_367 : vector<16xi32>
      %add3A_369 = arith.constant 16 : i32
      %add3A_370 = vector.broadcast %add3A_369 : i32 to vector<16xi32>
      %add3A_371 = arith.addi %xor3A_365, %add3A_370 : vector<16xi32>
      %select_n3A_372 = arith.select %lt3A_368, %add3A_371, %xor3A_365 : vector<16xi1>, vector<16xi32>
      %broadcast_in_dim3A_373 = vector.shape_cast %select_n3A_372 : vector<16xi32> to vector<16x1xi32>
      %gather3A_374 = vector.shape_cast %broadcast_in_dim3A_373 : vector<16x1xi32> to vector<16xi32>
      %gather3A_375 = tpu.dynamic_gather %min3A_362[%gather3A_374] in [0] : vector<16xi32>, vector<16xi32> -> vector<16xi32>
      %min3A_376 = arith.minsi %min3A_362, %gather3A_375 : vector<16xi32>
      %eq3A_377 = arith.cmpi eq, %iota3A, %min3A_376 : vector<16xi32>
      %jit3A_378 = arith.constant -1.000000e+30 : f32
      %broadcast_in_dim3A_379 = vector.broadcast %jit3A_378 : f32 to vector<16xf32>
      %select_n3A_380 = arith.select %eq3A_377, %broadcast_in_dim3A_379, %get3A_260 : vector<16xi1>, vector<16xf32>
      %xor3A_381 = arith.constant 8 : i32
      %xor3A_382 = vector.broadcast %xor3A_381 : i32 to vector<16xi32>
      %xor3A_383 = arith.xori %iota3A, %xor3A_382 : vector<16xi32>
      %lt3A_384 = arith.constant 0 : i32
      %lt3A_385 = vector.broadcast %lt3A_384 : i32 to vector<16xi32>
      %lt3A_386 = arith.cmpi slt, %xor3A_383, %lt3A_385 : vector<16xi32>
      %add3A_387 = arith.constant 16 : i32
      %add3A_388 = vector.broadcast %add3A_387 : i32 to vector<16xi32>
      %add3A_389 = arith.addi %xor3A_383, %add3A_388 : vector<16xi32>
      %select_n3A_390 = arith.select %lt3A_386, %add3A_389, %xor3A_383 : vector<16xi1>, vector<16xi32>
      %broadcast_in_dim3A_391 = vector.shape_cast %select_n3A_390 : vector<16xi32> to vector<16x1xi32>
      %gather3A_392 = vector.shape_cast %broadcast_in_dim3A_391 : vector<16x1xi32> to vector<16xi32>
      %gather3A_393 = tpu.dynamic_gather %select_n3A_380[%gather3A_392] in [0] : vector<16xf32>, vector<16xi32> -> vector<16xf32>
      %max3A_394 = arith.maximumf %select_n3A_380, %gather3A_393 : vector<16xf32>
      %xor3A_395 = arith.constant 4 : i32
      %xor3A_396 = vector.broadcast %xor3A_395 : i32 to vector<16xi32>
      %xor3A_397 = arith.xori %iota3A, %xor3A_396 : vector<16xi32>
      %lt3A_398 = arith.constant 0 : i32
      %lt3A_399 = vector.broadcast %lt3A_398 : i32 to vector<16xi32>
      %lt3A_400 = arith.cmpi slt, %xor3A_397, %lt3A_399 : vector<16xi32>
      %add3A_401 = arith.constant 16 : i32
      %add3A_402 = vector.broadcast %add3A_401 : i32 to vector<16xi32>
      %add3A_403 = arith.addi %xor3A_397, %add3A_402 : vector<16xi32>
      %select_n3A_404 = arith.select %lt3A_400, %add3A_403, %xor3A_397 : vector<16xi1>, vector<16xi32>
      %broadcast_in_dim3A_405 = vector.shape_cast %select_n3A_404 : vector<16xi32> to vector<16x1xi32>
      %gather3A_406 = vector.shape_cast %broadcast_in_dim3A_405 : vector<16x1xi32> to vector<16xi32>
      %gather3A_407 = tpu.dynamic_gather %max3A_394[%gather3A_406] in [0] : vector<16xf32>, vector<16xi32> -> vector<16xf32>
      %max3A_408 = arith.maximumf %max3A_394, %gather3A_407 : vector<16xf32>
      %xor3A_409 = arith.constant 2 : i32
      %xor3A_410 = vector.broadcast %xor3A_409 : i32 to vector<16xi32>
      %xor3A_411 = arith.xori %iota3A, %xor3A_410 : vector<16xi32>
      %lt3A_412 = arith.constant 0 : i32
      %lt3A_413 = vector.broadcast %lt3A_412 : i32 to vector<16xi32>
      %lt3A_414 = arith.cmpi slt, %xor3A_411, %lt3A_413 : vector<16xi32>
      %add3A_415 = arith.constant 16 : i32
      %add3A_416 = vector.broadcast %add3A_415 : i32 to vector<16xi32>
      %add3A_417 = arith.addi %xor3A_411, %add3A_416 : vector<16xi32>
      %select_n3A_418 = arith.select %lt3A_414, %add3A_417, %xor3A_411 : vector<16xi1>, vector<16xi32>
      %broadcast_in_dim3A_419 = vector.shape_cast %select_n3A_418 : vector<16xi32> to vector<16x1xi32>
      %gather3A_420 = vector.shape_cast %broadcast_in_dim3A_419 : vector<16x1xi32> to vector<16xi32>
      %gather3A_421 = tpu.dynamic_gather %max3A_408[%gather3A_420] in [0] : vector<16xf32>, vector<16xi32> -> vector<16xf32>
      %max3A_422 = arith.maximumf %max3A_408, %gather3A_421 : vector<16xf32>
      %xor3A_423 = arith.constant 1 : i32
      %xor3A_424 = vector.broadcast %xor3A_423 : i32 to vector<16xi32>
      %xor3A_425 = arith.xori %iota3A, %xor3A_424 : vector<16xi32>
      %lt3A_426 = arith.constant 0 : i32
      %lt3A_427 = vector.broadcast %lt3A_426 : i32 to vector<16xi32>
      %lt3A_428 = arith.cmpi slt, %xor3A_425, %lt3A_427 : vector<16xi32>
      %add3A_429 = arith.constant 16 : i32
      %add3A_430 = vector.broadcast %add3A_429 : i32 to vector<16xi32>
      %add3A_431 = arith.addi %xor3A_425, %add3A_430 : vector<16xi32>
      %select_n3A_432 = arith.select %lt3A_428, %add3A_431, %xor3A_425 : vector<16xi1>, vector<16xi32>
      %broadcast_in_dim3A_433 = vector.shape_cast %select_n3A_432 : vector<16xi32> to vector<16x1xi32>
      %gather3A_434 = vector.shape_cast %broadcast_in_dim3A_433 : vector<16x1xi32> to vector<16xi32>
      %gather3A_435 = tpu.dynamic_gather %max3A_422[%gather3A_434] in [0] : vector<16xf32>, vector<16xi32> -> vector<16xf32>
      %max3A_436 = arith.maximumf %max3A_422, %gather3A_435 : vector<16xf32>
      %eq3A_437 = arith.cmpf oeq, %select_n3A_380, %max3A_436 : vector<16xf32>
      %jit3A_438 = arith.constant 16 : i32
      %broadcast_in_dim3A_439 = vector.broadcast %jit3A_438 : i32 to vector<16xi32>
      %select_n3A_440 = arith.select %eq3A_437, %iota3A, %broadcast_in_dim3A_439 : vector<16xi1>, vector<16xi32>
      %xor3A_441 = arith.constant 8 : i32
      %xor3A_442 = vector.broadcast %xor3A_441 : i32 to vector<16xi32>
      %xor3A_443 = arith.xori %iota3A, %xor3A_442 : vector<16xi32>
      %lt3A_444 = arith.constant 0 : i32
      %lt3A_445 = vector.broadcast %lt3A_444 : i32 to vector<16xi32>
      %lt3A_446 = arith.cmpi slt, %xor3A_443, %lt3A_445 : vector<16xi32>
      %add3A_447 = arith.constant 16 : i32
      %add3A_448 = vector.broadcast %add3A_447 : i32 to vector<16xi32>
      %add3A_449 = arith.addi %xor3A_443, %add3A_448 : vector<16xi32>
      %select_n3A_450 = arith.select %lt3A_446, %add3A_449, %xor3A_443 : vector<16xi1>, vector<16xi32>
      %broadcast_in_dim3A_451 = vector.shape_cast %select_n3A_450 : vector<16xi32> to vector<16x1xi32>
      %gather3A_452 = vector.shape_cast %broadcast_in_dim3A_451 : vector<16x1xi32> to vector<16xi32>
      %gather3A_453 = tpu.dynamic_gather %select_n3A_440[%gather3A_452] in [0] : vector<16xi32>, vector<16xi32> -> vector<16xi32>
      %min3A_454 = arith.minsi %select_n3A_440, %gather3A_453 : vector<16xi32>
      %xor3A_455 = arith.constant 4 : i32
      %xor3A_456 = vector.broadcast %xor3A_455 : i32 to vector<16xi32>
      %xor3A_457 = arith.xori %iota3A, %xor3A_456 : vector<16xi32>
      %lt3A_458 = arith.constant 0 : i32
      %lt3A_459 = vector.broadcast %lt3A_458 : i32 to vector<16xi32>
      %lt3A_460 = arith.cmpi slt, %xor3A_457, %lt3A_459 : vector<16xi32>
      %add3A_461 = arith.constant 16 : i32
      %add3A_462 = vector.broadcast %add3A_461 : i32 to vector<16xi32>
      %add3A_463 = arith.addi %xor3A_457, %add3A_462 : vector<16xi32>
      %select_n3A_464 = arith.select %lt3A_460, %add3A_463, %xor3A_457 : vector<16xi1>, vector<16xi32>
      %broadcast_in_dim3A_465 = vector.shape_cast %select_n3A_464 : vector<16xi32> to vector<16x1xi32>
      %gather3A_466 = vector.shape_cast %broadcast_in_dim3A_465 : vector<16x1xi32> to vector<16xi32>
      %gather3A_467 = tpu.dynamic_gather %min3A_454[%gather3A_466] in [0] : vector<16xi32>, vector<16xi32> -> vector<16xi32>
      %min3A_468 = arith.minsi %min3A_454, %gather3A_467 : vector<16xi32>
      %xor3A_469 = arith.constant 2 : i32
      %xor3A_470 = vector.broadcast %xor3A_469 : i32 to vector<16xi32>
      %xor3A_471 = arith.xori %iota3A, %xor3A_470 : vector<16xi32>
      %lt3A_472 = arith.constant 0 : i32
      %lt3A_473 = vector.broadcast %lt3A_472 : i32 to vector<16xi32>
      %lt3A_474 = arith.cmpi slt, %xor3A_471, %lt3A_473 : vector<16xi32>
      %add3A_475 = arith.constant 16 : i32
      %add3A_476 = vector.broadcast %add3A_475 : i32 to vector<16xi32>
      %add3A_477 = arith.addi %xor3A_471, %add3A_476 : vector<16xi32>
      %select_n3A_478 = arith.select %lt3A_474, %add3A_477, %xor3A_471 : vector<16xi1>, vector<16xi32>
      %broadcast_in_dim3A_479 = vector.shape_cast %select_n3A_478 : vector<16xi32> to vector<16x1xi32>
      %gather3A_480 = vector.shape_cast %broadcast_in_dim3A_479 : vector<16x1xi32> to vector<16xi32>
      %gather3A_481 = tpu.dynamic_gather %min3A_468[%gather3A_480] in [0] : vector<16xi32>, vector<16xi32> -> vector<16xi32>
      %min3A_482 = arith.minsi %min3A_468, %gather3A_481 : vector<16xi32>
      %xor3A_483 = arith.constant 1 : i32
      %xor3A_484 = vector.broadcast %xor3A_483 : i32 to vector<16xi32>
      %xor3A_485 = arith.xori %iota3A, %xor3A_484 : vector<16xi32>
      %lt3A_486 = arith.constant 0 : i32
      %lt3A_487 = vector.broadcast %lt3A_486 : i32 to vector<16xi32>
      %lt3A_488 = arith.cmpi slt, %xor3A_485, %lt3A_487 : vector<16xi32>
      %add3A_489 = arith.constant 16 : i32
      %add3A_490 = vector.broadcast %add3A_489 : i32 to vector<16xi32>
      %add3A_491 = arith.addi %xor3A_485, %add3A_490 : vector<16xi32>
      %select_n3A_492 = arith.select %lt3A_488, %add3A_491, %xor3A_485 : vector<16xi1>, vector<16xi32>
      %broadcast_in_dim3A_493 = vector.shape_cast %select_n3A_492 : vector<16xi32> to vector<16x1xi32>
      %gather3A_494 = vector.shape_cast %broadcast_in_dim3A_493 : vector<16x1xi32> to vector<16xi32>
      %gather3A_495 = tpu.dynamic_gather %min3A_482[%gather3A_494] in [0] : vector<16xi32>, vector<16xi32> -> vector<16xi32>
      %min3A_496 = arith.minsi %min3A_482, %gather3A_495 : vector<16xi32>
      %sub3A_497 = arith.subf %max3A_436, %max3A_316 : vector<16xf32>
      %exp3A_498 = math.exp %sub3A_497 : vector<16xf32>
      %add3A_499 = arith.constant 1.000000e+00 : f32
      %add3A_500 = vector.broadcast %add3A_499 : f32 to vector<16xf32>
      %add3A_501 = arith.addf %add3A_500, %exp3A_498 : vector<16xf32>
      %div3A_502 = arith.constant 1.000000e+00 : f32
      %div3A_503 = vector.broadcast %div3A_502 : f32 to vector<16xf32>
      %div3A_504 = arith.divf %div3A_503, %add3A_501 : vector<16xf32>
      %eq3A_505 = arith.cmpi eq, %iota3A, %min3A_376 : vector<16xi32>
      %jit3A_506 = arith.constant 0.000000e+00 : f32
      %broadcast_in_dim3A_507 = vector.broadcast %jit3A_506 : f32 to vector<16xf32>
      %select_n3A_508 = arith.select %eq3A_505, %div3A_504, %broadcast_in_dim3A_507 : vector<16xi1>, vector<16xf32>
      %eq3A_509 = arith.cmpi eq, %iota3A, %min3A_496 : vector<16xi32>
      %sub3A_510 = arith.constant 1.000000e+00 : f32
      %sub3A_511 = vector.broadcast %sub3A_510 : f32 to vector<16xf32>
      %sub3A_512 = arith.subf %sub3A_511, %div3A_504 : vector<16xf32>
      %jit3A_513 = arith.constant 0.000000e+00 : f32
      %broadcast_in_dim3A_514 = vector.broadcast %jit3A_513 : f32 to vector<16xf32>
      %select_n3A_515 = arith.select %eq3A_509, %sub3A_512, %broadcast_in_dim3A_514 : vector<16xi1>, vector<16xf32>
      %add3A_516 = arith.addf %select_n3A_508, %select_n3A_515 : vector<16xf32>
      %swap3A_517 = arith.constant 1 : i32
      %swap3A_518 = arith.index_cast %swap3A_517 : i32 to index
      %swap3A_519 = arith.constant 0 : index
      %swap3A_520 = tpu.vector_load %arg5[%swap3A_518, %swap3A_519] {strides = array<i32>} : memref<8x16xf32, #tpu.memory_space<vmem>>, vector<1x16xf32>,
      %swap3A_521 = vector.shape_cast %swap3A_520 : vector<1x16xf32> to vector<16xf32>
      %swap3A_522 = vector.shape_cast %add3A_516 : vector<16xf32> to vector<1x16xf32>
      tpu.vector_store %arg5[%swap3A_518, %swap3A_519], %swap3A_522 {strides = array<i32>} : memref<8x16xf32, #tpu.memory_space<vmem>>, vector<1x16xf32>,
      %get3A_523 = arith.constant 2 : i32
      %get3A_524 = arith.index_cast %get3A_523 : i32 to index
      %get3A_525 = arith.constant 0 : index
      %get3A_526 = tpu.vector_load %arg4[%get3A_524, %get3A_525] {strides = array<i32>} : memref<8x16xf32, #tpu.memory_space<vmem>>, vector<1x16xf32>,
      %get3A_527 = vector.shape_cast %get3A_526 : vector<1x16xf32> to vector<16xf32>
      %xor3A_528 = arith.constant 8 : i32
      %xor3A_529 = vector.broadcast %xor3A_528 : i32 to vector<16xi32>
      %xor3A_530 = arith.xori %iota3A, %xor3A_529 : vector<16xi32>
      %lt3A_531 = arith.constant 0 : i32
      %lt3A_532 = vector.broadcast %lt3A_531 : i32 to vector<16xi32>
      %lt3A_533 = arith.cmpi slt, %xor3A_530, %lt3A_532 : vector<16xi32>
      %add3A_534 = arith.constant 16 : i32
      %add3A_535 = vector.broadcast %add3A_534 : i32 to vector<16xi32>
      %add3A_536 = arith.addi %xor3A_530, %add3A_535 : vector<16xi32>
      %select_n3A_537 = arith.select %lt3A_533, %add3A_536, %xor3A_530 : vector<16xi1>, vector<16xi32>
      %broadcast_in_dim3A_538 = vector.shape_cast %select_n3A_537 : vector<16xi32> to vector<16x1xi32>
      %gather3A_539 = vector.shape_cast %broadcast_in_dim3A_538 : vector<16x1xi32> to vector<16xi32>
      %gather3A_540 = tpu.dynamic_gather %get3A_527[%gather3A_539] in [0] : vector<16xf32>, vector<16xi32> -> vector<16xf32>
      %max3A_541 = arith.maximumf %get3A_527, %gather3A_540 : vector<16xf32>
      %xor3A_542 = arith.constant 4 : i32
      %xor3A_543 = vector.broadcast %xor3A_542 : i32 to vector<16xi32>
      %xor3A_544 = arith.xori %iota3A, %xor3A_543 : vector<16xi32>
      %lt3A_545 = arith.constant 0 : i32
      %lt3A_546 = vector.broadcast %lt3A_545 : i32 to vector<16xi32>
      %lt3A_547 = arith.cmpi slt, %xor3A_544, %lt3A_546 : vector<16xi32>
      %add3A_548 = arith.constant 16 : i32
      %add3A_549 = vector.broadcast %add3A_548 : i32 to vector<16xi32>
      %add3A_550 = arith.addi %xor3A_544, %add3A_549 : vector<16xi32>
      %select_n3A_551 = arith.select %lt3A_547, %add3A_550, %xor3A_544 : vector<16xi1>, vector<16xi32>
      %broadcast_in_dim3A_552 = vector.shape_cast %select_n3A_551 : vector<16xi32> to vector<16x1xi32>
      %gather3A_553 = vector.shape_cast %broadcast_in_dim3A_552 : vector<16x1xi32> to vector<16xi32>
      %gather3A_554 = tpu.dynamic_gather %max3A_541[%gather3A_553] in [0] : vector<16xf32>, vector<16xi32> -> vector<16xf32>
      %max3A_555 = arith.maximumf %max3A_541, %gather3A_554 : vector<16xf32>
      %xor3A_556 = arith.constant 2 : i32
      %xor3A_557 = vector.broadcast %xor3A_556 : i32 to vector<16xi32>
      %xor3A_558 = arith.xori %iota3A, %xor3A_557 : vector<16xi32>
      %lt3A_559 = arith.constant 0 : i32
      %lt3A_560 = vector.broadcast %lt3A_559 : i32 to vector<16xi32>
      %lt3A_561 = arith.cmpi slt, %xor3A_558, %lt3A_560 : vector<16xi32>
      %add3A_562 = arith.constant 16 : i32
      %add3A_563 = vector.broadcast %add3A_562 : i32 to vector<16xi32>
      %add3A_564 = arith.addi %xor3A_558, %add3A_563 : vector<16xi32>
      %select_n3A_565 = arith.select %lt3A_561, %add3A_564, %xor3A_558 : vector<16xi1>, vector<16xi32>
      %broadcast_in_dim3A_566 = vector.shape_cast %select_n3A_565 : vector<16xi32> to vector<16x1xi32>
      %gather3A_567 = vector.shape_cast %broadcast_in_dim3A_566 : vector<16x1xi32> to vector<16xi32>
      %gather3A_568 = tpu.dynamic_gather %max3A_555[%gather3A_567] in [0] : vector<16xf32>, vector<16xi32> -> vector<16xf32>
      %max3A_569 = arith.maximumf %max3A_555, %gather3A_568 : vector<16xf32>
      %xor3A_570 = arith.constant 1 : i32
      %xor3A_571 = vector.broadcast %xor3A_570 : i32 to vector<16xi32>
      %xor3A_572 = arith.xori %iota3A, %xor3A_571 : vector<16xi32>
      %lt3A_573 = arith.constant 0 : i32
      %lt3A_574 = vector.broadcast %lt3A_573 : i32 to vector<16xi32>
      %lt3A_575 = arith.cmpi slt, %xor3A_572, %lt3A_574 : vector<16xi32>
      %add3A_576 = arith.constant 16 : i32
      %add3A_577 = vector.broadcast %add3A_576 : i32 to vector<16xi32>
      %add3A_578 = arith.addi %xor3A_572, %add3A_577 : vector<16xi32>
      %select_n3A_579 = arith.select %lt3A_575, %add3A_578, %xor3A_572 : vector<16xi1>, vector<16xi32>
      %broadcast_in_dim3A_580 = vector.shape_cast %select_n3A_579 : vector<16xi32> to vector<16x1xi32>
      %gather3A_581 = vector.shape_cast %broadcast_in_dim3A_580 : vector<16x1xi32> to vector<16xi32>
      %gather3A_582 = tpu.dynamic_gather %max3A_569[%gather3A_581] in [0] : vector<16xf32>, vector<16xi32> -> vector<16xf32>
      %max3A_583 = arith.maximumf %max3A_569, %gather3A_582 : vector<16xf32>
      %eq3A_584 = arith.cmpf oeq, %get3A_527, %max3A_583 : vector<16xf32>
      %jit3A_585 = arith.constant 16 : i32
      %broadcast_in_dim3A_586 = vector.broadcast %jit3A_585 : i32 to vector<16xi32>
      %select_n3A_587 = arith.select %eq3A_584, %iota3A, %broadcast_in_dim3A_586 : vector<16xi1>, vector<16xi32>
      %xor3A_588 = arith.constant 8 : i32
      %xor3A_589 = vector.broadcast %xor3A_588 : i32 to vector<16xi32>
      %xor3A_590 = arith.xori %iota3A, %xor3A_589 : vector<16xi32>
      %lt3A_591 = arith.constant 0 : i32
      %lt3A_592 = vector.broadcast %lt3A_591 : i32 to vector<16xi32>
      %lt3A_593 = arith.cmpi slt, %xor3A_590, %lt3A_592 : vector<16xi32>
      %add3A_594 = arith.constant 16 : i32
      %add3A_595 = vector.broadcast %add3A_594 : i32 to vector<16xi32>
      %add3A_596 = arith.addi %xor3A_590, %add3A_595 : vector<16xi32>
      %select_n3A_597 = arith.select %lt3A_593, %add3A_596, %xor3A_590 : vector<16xi1>, vector<16xi32>
      %broadcast_in_dim3A_598 = vector.shape_cast %select_n3A_597 : vector<16xi32> to vector<16x1xi32>
      %gather3A_599 = vector.shape_cast %broadcast_in_dim3A_598 : vector<16x1xi32> to vector<16xi32>
      %gather3A_600 = tpu.dynamic_gather %select_n3A_587[%gather3A_599] in [0] : vector<16xi32>, vector<16xi32> -> vector<16xi32>
      %min3A_601 = arith.minsi %select_n3A_587, %gather3A_600 : vector<16xi32>
      %xor3A_602 = arith.constant 4 : i32
      %xor3A_603 = vector.broadcast %xor3A_602 : i32 to vector<16xi32>
      %xor3A_604 = arith.xori %iota3A, %xor3A_603 : vector<16xi32>
      %lt3A_605 = arith.constant 0 : i32
      %lt3A_606 = vector.broadcast %lt3A_605 : i32 to vector<16xi32>
      %lt3A_607 = arith.cmpi slt, %xor3A_604, %lt3A_606 : vector<16xi32>
      %add3A_608 = arith.constant 16 : i32
      %add3A_609 = vector.broadcast %add3A_608 : i32 to vector<16xi32>
      %add3A_610 = arith.addi %xor3A_604, %add3A_609 : vector<16xi32>
      %select_n3A_611 = arith.select %lt3A_607, %add3A_610, %xor3A_604 : vector<16xi1>, vector<16xi32>
      %broadcast_in_dim3A_612 = vector.shape_cast %select_n3A_611 : vector<16xi32> to vector<16x1xi32>
      %gather3A_613 = vector.shape_cast %broadcast_in_dim3A_612 : vector<16x1xi32> to vector<16xi32>
      %gather3A_614 = tpu.dynamic_gather %min3A_601[%gather3A_613] in [0] : vector<16xi32>, vector<16xi32> -> vector<16xi32>
      %min3A_615 = arith.minsi %min3A_601, %gather3A_614 : vector<16xi32>
      %xor3A_616 = arith.constant 2 : i32
      %xor3A_617 = vector.broadcast %xor3A_616 : i32 to vector<16xi32>
      %xor3A_618 = arith.xori %iota3A, %xor3A_617 : vector<16xi32>
      %lt3A_619 = arith.constant 0 : i32
      %lt3A_620 = vector.broadcast %lt3A_619 : i32 to vector<16xi32>
      %lt3A_621 = arith.cmpi slt, %xor3A_618, %lt3A_620 : vector<16xi32>
      %add3A_622 = arith.constant 16 : i32
      %add3A_623 = vector.broadcast %add3A_622 : i32 to vector<16xi32>
      %add3A_624 = arith.addi %xor3A_618, %add3A_623 : vector<16xi32>
      %select_n3A_625 = arith.select %lt3A_621, %add3A_624, %xor3A_618 : vector<16xi1>, vector<16xi32>
      %broadcast_in_dim3A_626 = vector.shape_cast %select_n3A_625 : vector<16xi32> to vector<16x1xi32>
      %gather3A_627 = vector.shape_cast %broadcast_in_dim3A_626 : vector<16x1xi32> to vector<16xi32>
      %gather3A_628 = tpu.dynamic_gather %min3A_615[%gather3A_627] in [0] : vector<16xi32>, vector<16xi32> -> vector<16xi32>
      %min3A_629 = arith.minsi %min3A_615, %gather3A_628 : vector<16xi32>
      %xor3A_630 = arith.constant 1 : i32
      %xor3A_631 = vector.broadcast %xor3A_630 : i32 to vector<16xi32>
      %xor3A_632 = arith.xori %iota3A, %xor3A_631 : vector<16xi32>
      %lt3A_633 = arith.constant 0 : i32
      %lt3A_634 = vector.broadcast %lt3A_633 : i32 to vector<16xi32>
      %lt3A_635 = arith.cmpi slt, %xor3A_632, %lt3A_634 : vector<16xi32>
      %add3A_636 = arith.constant 16 : i32
      %add3A_637 = vector.broadcast %add3A_636 : i32 to vector<16xi32>
      %add3A_638 = arith.addi %xor3A_632, %add3A_637 : vector<16xi32>
      %select_n3A_639 = arith.select %lt3A_635, %add3A_638, %xor3A_632 : vector<16xi1>, vector<16xi32>
      %broadcast_in_dim3A_640 = vector.shape_cast %select_n3A_639 : vector<16xi32> to vector<16x1xi32>
      %gather3A_641 = vector.shape_cast %broadcast_in_dim3A_640 : vector<16x1xi32> to vector<16xi32>
      %gather3A_642 = tpu.dynamic_gather %min3A_629[%gather3A_641] in [0] : vector<16xi32>, vector<16xi32> -> vector<16xi32>
      %min3A_643 = arith.minsi %min3A_629, %gather3A_642 : vector<16xi32>
      %eq3A_644 = arith.cmpi eq, %iota3A, %min3A_643 : vector<16xi32>
      %jit3A_645 = arith.constant -1.000000e+30 : f32
      %broadcast_in_dim3A_646 = vector.broadcast %jit3A_645 : f32 to vector<16xf32>
      %select_n3A_647 = arith.select %eq3A_644, %broadcast_in_dim3A_646, %get3A_527 : vector<16xi1>, vector<16xf32>
      %xor3A_648 = arith.constant 8 : i32
      %xor3A_649 = vector.broadcast %xor3A_648 : i32 to vector<16xi32>
      %xor3A_650 = arith.xori %iota3A, %xor3A_649 : vector<16xi32>
      %lt3A_651 = arith.constant 0 : i32
      %lt3A_652 = vector.broadcast %lt3A_651 : i32 to vector<16xi32>
      %lt3A_653 = arith.cmpi slt, %xor3A_650, %lt3A_652 : vector<16xi32>
      %add3A_654 = arith.constant 16 : i32
      %add3A_655 = vector.broadcast %add3A_654 : i32 to vector<16xi32>
      %add3A_656 = arith.addi %xor3A_650, %add3A_655 : vector<16xi32>
      %select_n3A_657 = arith.select %lt3A_653, %add3A_656, %xor3A_650 : vector<16xi1>, vector<16xi32>
      %broadcast_in_dim3A_658 = vector.shape_cast %select_n3A_657 : vector<16xi32> to vector<16x1xi32>
      %gather3A_659 = vector.shape_cast %broadcast_in_dim3A_658 : vector<16x1xi32> to vector<16xi32>
      %gather3A_660 = tpu.dynamic_gather %select_n3A_647[%gather3A_659] in [0] : vector<16xf32>, vector<16xi32> -> vector<16xf32>
      %max3A_661 = arith.maximumf %select_n3A_647, %gather3A_660 : vector<16xf32>
      %xor3A_662 = arith.constant 4 : i32
      %xor3A_663 = vector.broadcast %xor3A_662 : i32 to vector<16xi32>
      %xor3A_664 = arith.xori %iota3A, %xor3A_663 : vector<16xi32>
      %lt3A_665 = arith.constant 0 : i32
      %lt3A_666 = vector.broadcast %lt3A_665 : i32 to vector<16xi32>
      %lt3A_667 = arith.cmpi slt, %xor3A_664, %lt3A_666 : vector<16xi32>
      %add3A_668 = arith.constant 16 : i32
      %add3A_669 = vector.broadcast %add3A_668 : i32 to vector<16xi32>
      %add3A_670 = arith.addi %xor3A_664, %add3A_669 : vector<16xi32>
      %select_n3A_671 = arith.select %lt3A_667, %add3A_670, %xor3A_664 : vector<16xi1>, vector<16xi32>
      %broadcast_in_dim3A_672 = vector.shape_cast %select_n3A_671 : vector<16xi32> to vector<16x1xi32>
      %gather3A_673 = vector.shape_cast %broadcast_in_dim3A_672 : vector<16x1xi32> to vector<16xi32>
      %gather3A_674 = tpu.dynamic_gather %max3A_661[%gather3A_673] in [0] : vector<16xf32>, vector<16xi32> -> vector<16xf32>
      %max3A_675 = arith.maximumf %max3A_661, %gather3A_674 : vector<16xf32>
      %xor3A_676 = arith.constant 2 : i32
      %xor3A_677 = vector.broadcast %xor3A_676 : i32 to vector<16xi32>
      %xor3A_678 = arith.xori %iota3A, %xor3A_677 : vector<16xi32>
      %lt3A_679 = arith.constant 0 : i32
      %lt3A_680 = vector.broadcast %lt3A_679 : i32 to vector<16xi32>
      %lt3A_681 = arith.cmpi slt, %xor3A_678, %lt3A_680 : vector<16xi32>
      %add3A_682 = arith.constant 16 : i32
      %add3A_683 = vector.broadcast %add3A_682 : i32 to vector<16xi32>
      %add3A_684 = arith.addi %xor3A_678, %add3A_683 : vector<16xi32>
      %select_n3A_685 = arith.select %lt3A_681, %add3A_684, %xor3A_678 : vector<16xi1>, vector<16xi32>
      %broadcast_in_dim3A_686 = vector.shape_cast %select_n3A_685 : vector<16xi32> to vector<16x1xi32>
      %gather3A_687 = vector.shape_cast %broadcast_in_dim3A_686 : vector<16x1xi32> to vector<16xi32>
      %gather3A_688 = tpu.dynamic_gather %max3A_675[%gather3A_687] in [0] : vector<16xf32>, vector<16xi32> -> vector<16xf32>
      %max3A_689 = arith.maximumf %max3A_675, %gather3A_688 : vector<16xf32>
      %xor3A_690 = arith.constant 1 : i32
      %xor3A_691 = vector.broadcast %xor3A_690 : i32 to vector<16xi32>
      %xor3A_692 = arith.xori %iota3A, %xor3A_691 : vector<16xi32>
      %lt3A_693 = arith.constant 0 : i32
      %lt3A_694 = vector.broadcast %lt3A_693 : i32 to vector<16xi32>
      %lt3A_695 = arith.cmpi slt, %xor3A_692, %lt3A_694 : vector<16xi32>
      %add3A_696 = arith.constant 16 : i32
      %add3A_697 = vector.broadcast %add3A_696 : i32 to vector<16xi32>
      %add3A_698 = arith.addi %xor3A_692, %add3A_697 : vector<16xi32>
      %select_n3A_699 = arith.select %lt3A_695, %add3A_698, %xor3A_692 : vector<16xi1>, vector<16xi32>
      %broadcast_in_dim3A_700 = vector.shape_cast %select_n3A_699 : vector<16xi32> to vector<16x1xi32>
      %gather3A_701 = vector.shape_cast %broadcast_in_dim3A_700 : vector<16x1xi32> to vector<16xi32>
      %gather3A_702 = tpu.dynamic_gather %max3A_689[%gather3A_701] in [0] : vector<16xf32>, vector<16xi32> -> vector<16xf32>
      %max3A_703 = arith.maximumf %max3A_689, %gather3A_702 : vector<16xf32>
      %eq3A_704 = arith.cmpf oeq, %select_n3A_647, %max3A_703 : vector<16xf32>
      %jit3A_705 = arith.constant 16 : i32
      %broadcast_in_dim3A_706 = vector.broadcast %jit3A_705 : i32 to vector<16xi32>
      %select_n3A_707 = arith.select %eq3A_704, %iota3A, %broadcast_in_dim3A_706 : vector<16xi1>, vector<16xi32>
      %xor3A_708 = arith.constant 8 : i32
      %xor3A_709 = vector.broadcast %xor3A_708 : i32 to vector<16xi32>
      %xor3A_710 = arith.xori %iota3A, %xor3A_709 : vector<16xi32>
      %lt3A_711 = arith.constant 0 : i32
      %lt3A_712 = vector.broadcast %lt3A_711 : i32 to vector<16xi32>
      %lt3A_713 = arith.cmpi slt, %xor3A_710, %lt3A_712 : vector<16xi32>
      %add3A_714 = arith.constant 16 : i32
      %add3A_715 = vector.broadcast %add3A_714 : i32 to vector<16xi32>
      %add3A_716 = arith.addi %xor3A_710, %add3A_715 : vector<16xi32>
      %select_n3A_717 = arith.select %lt3A_713, %add3A_716, %xor3A_710 : vector<16xi1>, vector<16xi32>
      %broadcast_in_dim3A_718 = vector.shape_cast %select_n3A_717 : vector<16xi32> to vector<16x1xi32>
      %gather3A_719 = vector.shape_cast %broadcast_in_dim3A_718 : vector<16x1xi32> to vector<16xi32>
      %gather3A_720 = tpu.dynamic_gather %select_n3A_707[%gather3A_719] in [0] : vector<16xi32>, vector<16xi32> -> vector<16xi32>
      %min3A_721 = arith.minsi %select_n3A_707, %gather3A_720 : vector<16xi32>
      %xor3A_722 = arith.constant 4 : i32
      %xor3A_723 = vector.broadcast %xor3A_722 : i32 to vector<16xi32>
      %xor3A_724 = arith.xori %iota3A, %xor3A_723 : vector<16xi32>
      %lt3A_725 = arith.constant 0 : i32
      %lt3A_726 = vector.broadcast %lt3A_725 : i32 to vector<16xi32>
      %lt3A_727 = arith.cmpi slt, %xor3A_724, %lt3A_726 : vector<16xi32>
      %add3A_728 = arith.constant 16 : i32
      %add3A_729 = vector.broadcast %add3A_728 : i32 to vector<16xi32>
      %add3A_730 = arith.addi %xor3A_724, %add3A_729 : vector<16xi32>
      %select_n3A_731 = arith.select %lt3A_727, %add3A_730, %xor3A_724 : vector<16xi1>, vector<16xi32>
      %broadcast_in_dim3A_732 = vector.shape_cast %select_n3A_731 : vector<16xi32> to vector<16x1xi32>
      %gather3A_733 = vector.shape_cast %broadcast_in_dim3A_732 : vector<16x1xi32> to vector<16xi32>
      %gather3A_734 = tpu.dynamic_gather %min3A_721[%gather3A_733] in [0] : vector<16xi32>, vector<16xi32> -> vector<16xi32>
      %min3A_735 = arith.minsi %min3A_721, %gather3A_734 : vector<16xi32>
      %xor3A_736 = arith.constant 2 : i32
      %xor3A_737 = vector.broadcast %xor3A_736 : i32 to vector<16xi32>
      %xor3A_738 = arith.xori %iota3A, %xor3A_737 : vector<16xi32>
      %lt3A_739 = arith.constant 0 : i32
      %lt3A_740 = vector.broadcast %lt3A_739 : i32 to vector<16xi32>
      %lt3A_741 = arith.cmpi slt, %xor3A_738, %lt3A_740 : vector<16xi32>
      %add3A_742 = arith.constant 16 : i32
      %add3A_743 = vector.broadcast %add3A_742 : i32 to vector<16xi32>
      %add3A_744 = arith.addi %xor3A_738, %add3A_743 : vector<16xi32>
      %select_n3A_745 = arith.select %lt3A_741, %add3A_744, %xor3A_738 : vector<16xi1>, vector<16xi32>
      %broadcast_in_dim3A_746 = vector.shape_cast %select_n3A_745 : vector<16xi32> to vector<16x1xi32>
      %gather3A_747 = vector.shape_cast %broadcast_in_dim3A_746 : vector<16x1xi32> to vector<16xi32>
      %gather3A_748 = tpu.dynamic_gather %min3A_735[%gather3A_747] in [0] : vector<16xi32>, vector<16xi32> -> vector<16xi32>
      %min3A_749 = arith.minsi %min3A_735, %gather3A_748 : vector<16xi32>
      %xor3A_750 = arith.constant 1 : i32
      %xor3A_751 = vector.broadcast %xor3A_750 : i32 to vector<16xi32>
      %xor3A_752 = arith.xori %iota3A, %xor3A_751 : vector<16xi32>
      %lt3A_753 = arith.constant 0 : i32
      %lt3A_754 = vector.broadcast %lt3A_753 : i32 to vector<16xi32>
      %lt3A_755 = arith.cmpi slt, %xor3A_752, %lt3A_754 : vector<16xi32>
      %add3A_756 = arith.constant 16 : i32
      %add3A_757 = vector.broadcast %add3A_756 : i32 to vector<16xi32>
      %add3A_758 = arith.addi %xor3A_752, %add3A_757 : vector<16xi32>
      %select_n3A_759 = arith.select %lt3A_755, %add3A_758, %xor3A_752 : vector<16xi1>, vector<16xi32>
      %broadcast_in_dim3A_760 = vector.shape_cast %select_n3A_759 : vector<16xi32> to vector<16x1xi32>
      %gather3A_761 = vector.shape_cast %broadcast_in_dim3A_760 : vector<16x1xi32> to vector<16xi32>
      %gather3A_762 = tpu.dynamic_gather %min3A_749[%gather3A_761] in [0] : vector<16xi32>, vector<16xi32> -> vector<16xi32>
      %min3A_763 = arith.minsi %min3A_749, %gather3A_762 : vector<16xi32>
      %sub3A_764 = arith.subf %max3A_703, %max3A_583 : vector<16xf32>
      %exp3A_765 = math.exp %sub3A_764 : vector<16xf32>
      %add3A_766 = arith.constant 1.000000e+00 : f32
      %add3A_767 = vector.broadcast %add3A_766 : f32 to vector<16xf32>
      %add3A_768 = arith.addf %add3A_767, %exp3A_765 : vector<16xf32>
      %div3A_769 = arith.constant 1.000000e+00 : f32
      %div3A_770 = vector.broadcast %div3A_769 : f32 to vector<16xf32>
      %div3A_771 = arith.divf %div3A_770, %add3A_768 : vector<16xf32>
      %eq3A_772 = arith.cmpi eq, %iota3A, %min3A_643 : vector<16xi32>
      %jit3A_773 = arith.constant 0.000000e+00 : f32
      %broadcast_in_dim3A_774 = vector.broadcast %jit3A_773 : f32 to vector<16xf32>
      %select_n3A_775 = arith.select %eq3A_772, %div3A_771, %broadcast_in_dim3A_774 : vector<16xi1>, vector<16xf32>
      %eq3A_776 = arith.cmpi eq, %iota3A, %min3A_763 : vector<16xi32>
      %sub3A_777 = arith.constant 1.000000e+00 : f32
      %sub3A_778 = vector.broadcast %sub3A_777 : f32 to vector<16xf32>
      %sub3A_779 = arith.subf %sub3A_778, %div3A_771 : vector<16xf32>
      %jit3A_780 = arith.constant 0.000000e+00 : f32
      %broadcast_in_dim3A_781 = vector.broadcast %jit3A_780 : f32 to vector<16xf32>
      %select_n3A_782 = arith.select %eq3A_776, %sub3A_779, %broadcast_in_dim3A_781 : vector<16xi1>, vector<16xf32>
      %add3A_783 = arith.addf %select_n3A_775, %select_n3A_782 : vector<16xf32>
      %swap3A_784 = arith.constant 2 : i32
      %swap3A_785 = arith.index_cast %swap3A_784 : i32 to index
      %swap3A_786 = arith.constant 0 : index
      %swap3A_787 = tpu.vector_load %arg5[%swap3A_785, %swap3A_786] {strides = array<i32>} : memref<8x16xf32, #tpu.memory_space<vmem>>, vector<1x16xf32>,
      %swap3A_788 = vector.shape_cast %swap3A_787 : vector<1x16xf32> to vector<16xf32>
      %swap3A_789 = vector.shape_cast %add3A_783 : vector<16xf32> to vector<1x16xf32>
      tpu.vector_store %arg5[%swap3A_785, %swap3A_786], %swap3A_789 {strides = array<i32>} : memref<8x16xf32, #tpu.memory_space<vmem>>, vector<1x16xf32>,
      %get3A_790 = arith.constant 3 : i32
      %get3A_791 = arith.index_cast %get3A_790 : i32 to index
      %get3A_792 = arith.constant 0 : index
      %get3A_793 = tpu.vector_load %arg4[%get3A_791, %get3A_792] {strides = array<i32>} : memref<8x16xf32, #tpu.memory_space<vmem>>, vector<1x16xf32>,
      %get3A_794 = vector.shape_cast %get3A_793 : vector<1x16xf32> to vector<16xf32>
      %xor3A_795 = arith.constant 8 : i32
      %xor3A_796 = vector.broadcast %xor3A_795 : i32 to vector<16xi32>
      %xor3A_797 = arith.xori %iota3A, %xor3A_796 : vector<16xi32>
      %lt3A_798 = arith.constant 0 : i32
      %lt3A_799 = vector.broadcast %lt3A_798 : i32 to vector<16xi32>
      %lt3A_800 = arith.cmpi slt, %xor3A_797, %lt3A_799 : vector<16xi32>
      %add3A_801 = arith.constant 16 : i32
      %add3A_802 = vector.broadcast %add3A_801 : i32 to vector<16xi32>
      %add3A_803 = arith.addi %xor3A_797, %add3A_802 : vector<16xi32>
      %select_n3A_804 = arith.select %lt3A_800, %add3A_803, %xor3A_797 : vector<16xi1>, vector<16xi32>
      %broadcast_in_dim3A_805 = vector.shape_cast %select_n3A_804 : vector<16xi32> to vector<16x1xi32>
      %gather3A_806 = vector.shape_cast %broadcast_in_dim3A_805 : vector<16x1xi32> to vector<16xi32>
      %gather3A_807 = tpu.dynamic_gather %get3A_794[%gather3A_806] in [0] : vector<16xf32>, vector<16xi32> -> vector<16xf32>
      %max3A_808 = arith.maximumf %get3A_794, %gather3A_807 : vector<16xf32>
      %xor3A_809 = arith.constant 4 : i32
      %xor3A_810 = vector.broadcast %xor3A_809 : i32 to vector<16xi32>
      %xor3A_811 = arith.xori %iota3A, %xor3A_810 : vector<16xi32>
      %lt3A_812 = arith.constant 0 : i32
      %lt3A_813 = vector.broadcast %lt3A_812 : i32 to vector<16xi32>
      %lt3A_814 = arith.cmpi slt, %xor3A_811, %lt3A_813 : vector<16xi32>
      %add3A_815 = arith.constant 16 : i32
      %add3A_816 = vector.broadcast %add3A_815 : i32 to vector<16xi32>
      %add3A_817 = arith.addi %xor3A_811, %add3A_816 : vector<16xi32>
      %select_n3A_818 = arith.select %lt3A_814, %add3A_817, %xor3A_811 : vector<16xi1>, vector<16xi32>
      %broadcast_in_dim3A_819 = vector.shape_cast %select_n3A_818 : vector<16xi32> to vector<16x1xi32>
      %gather3A_820 = vector.shape_cast %broadcast_in_dim3A_819 : vector<16x1xi32> to vector<16xi32>
      %gather3A_821 = tpu.dynamic_gather %max3A_808[%gather3A_820] in [0] : vector<16xf32>, vector<16xi32> -> vector<16xf32>
      %max3A_822 = arith.maximumf %max3A_808, %gather3A_821 : vector<16xf32>
      %xor3A_823 = arith.constant 2 : i32
      %xor3A_824 = vector.broadcast %xor3A_823 : i32 to vector<16xi32>
      %xor3A_825 = arith.xori %iota3A, %xor3A_824 : vector<16xi32>
      %lt3A_826 = arith.constant 0 : i32
      %lt3A_827 = vector.broadcast %lt3A_826 : i32 to vector<16xi32>
      %lt3A_828 = arith.cmpi slt, %xor3A_825, %lt3A_827 : vector<16xi32>
      %add3A_829 = arith.constant 16 : i32
      %add3A_830 = vector.broadcast %add3A_829 : i32 to vector<16xi32>
      %add3A_831 = arith.addi %xor3A_825, %add3A_830 : vector<16xi32>
      %select_n3A_832 = arith.select %lt3A_828, %add3A_831, %xor3A_825 : vector<16xi1>, vector<16xi32>
      %broadcast_in_dim3A_833 = vector.shape_cast %select_n3A_832 : vector<16xi32> to vector<16x1xi32>
      %gather3A_834 = vector.shape_cast %broadcast_in_dim3A_833 : vector<16x1xi32> to vector<16xi32>
      %gather3A_835 = tpu.dynamic_gather %max3A_822[%gather3A_834] in [0] : vector<16xf32>, vector<16xi32> -> vector<16xf32>
      %max3A_836 = arith.maximumf %max3A_822, %gather3A_835 : vector<16xf32>
      %xor3A_837 = arith.constant 1 : i32
      %xor3A_838 = vector.broadcast %xor3A_837 : i32 to vector<16xi32>
      %xor3A_839 = arith.xori %iota3A, %xor3A_838 : vector<16xi32>
      %lt3A_840 = arith.constant 0 : i32
      %lt3A_841 = vector.broadcast %lt3A_840 : i32 to vector<16xi32>
      %lt3A_842 = arith.cmpi slt, %xor3A_839, %lt3A_841 : vector<16xi32>
      %add3A_843 = arith.constant 16 : i32
      %add3A_844 = vector.broadcast %add3A_843 : i32 to vector<16xi32>
      %add3A_845 = arith.addi %xor3A_839, %add3A_844 : vector<16xi32>
      %select_n3A_846 = arith.select %lt3A_842, %add3A_845, %xor3A_839 : vector<16xi1>, vector<16xi32>
      %broadcast_in_dim3A_847 = vector.shape_cast %select_n3A_846 : vector<16xi32> to vector<16x1xi32>
      %gather3A_848 = vector.shape_cast %broadcast_in_dim3A_847 : vector<16x1xi32> to vector<16xi32>
      %gather3A_849 = tpu.dynamic_gather %max3A_836[%gather3A_848] in [0] : vector<16xf32>, vector<16xi32> -> vector<16xf32>
      %max3A_850 = arith.maximumf %max3A_836, %gather3A_849 : vector<16xf32>
      %eq3A_851 = arith.cmpf oeq, %get3A_794, %max3A_850 : vector<16xf32>
      %jit3A_852 = arith.constant 16 : i32
      %broadcast_in_dim3A_853 = vector.broadcast %jit3A_852 : i32 to vector<16xi32>
      %select_n3A_854 = arith.select %eq3A_851, %iota3A, %broadcast_in_dim3A_853 : vector<16xi1>, vector<16xi32>
      %xor3A_855 = arith.constant 8 : i32
      %xor3A_856 = vector.broadcast %xor3A_855 : i32 to vector<16xi32>
      %xor3A_857 = arith.xori %iota3A, %xor3A_856 : vector<16xi32>
      %lt3A_858 = arith.constant 0 : i32
      %lt3A_859 = vector.broadcast %lt3A_858 : i32 to vector<16xi32>
      %lt3A_860 = arith.cmpi slt, %xor3A_857, %lt3A_859 : vector<16xi32>
      %add3A_861 = arith.constant 16 : i32
      %add3A_862 = vector.broadcast %add3A_861 : i32 to vector<16xi32>
      %add3A_863 = arith.addi %xor3A_857, %add3A_862 : vector<16xi32>
      %select_n3A_864 = arith.select %lt3A_860, %add3A_863, %xor3A_857 : vector<16xi1>, vector<16xi32>
      %broadcast_in_dim3A_865 = vector.shape_cast %select_n3A_864 : vector<16xi32> to vector<16x1xi32>
      %gather3A_866 = vector.shape_cast %broadcast_in_dim3A_865 : vector<16x1xi32> to vector<16xi32>
      %gather3A_867 = tpu.dynamic_gather %select_n3A_854[%gather3A_866] in [0] : vector<16xi32>, vector<16xi32> -> vector<16xi32>
      %min3A_868 = arith.minsi %select_n3A_854, %gather3A_867 : vector<16xi32>
      %xor3A_869 = arith.constant 4 : i32
      %xor3A_870 = vector.broadcast %xor3A_869 : i32 to vector<16xi32>
      %xor3A_871 = arith.xori %iota3A, %xor3A_870 : vector<16xi32>
      %lt3A_872 = arith.constant 0 : i32
      %lt3A_873 = vector.broadcast %lt3A_872 : i32 to vector<16xi32>
      %lt3A_874 = arith.cmpi slt, %xor3A_871, %lt3A_873 : vector<16xi32>
      %add3A_875 = arith.constant 16 : i32
      %add3A_876 = vector.broadcast %add3A_875 : i32 to vector<16xi32>
      %add3A_877 = arith.addi %xor3A_871, %add3A_876 : vector<16xi32>
      %select_n3A_878 = arith.select %lt3A_874, %add3A_877, %xor3A_871 : vector<16xi1>, vector<16xi32>
      %broadcast_in_dim3A_879 = vector.shape_cast %select_n3A_878 : vector<16xi32> to vector<16x1xi32>
      %gather3A_880 = vector.shape_cast %broadcast_in_dim3A_879 : vector<16x1xi32> to vector<16xi32>
      %gather3A_881 = tpu.dynamic_gather %min3A_868[%gather3A_880] in [0] : vector<16xi32>, vector<16xi32> -> vector<16xi32>
      %min3A_882 = arith.minsi %min3A_868, %gather3A_881 : vector<16xi32>
      %xor3A_883 = arith.constant 2 : i32
      %xor3A_884 = vector.broadcast %xor3A_883 : i32 to vector<16xi32>
      %xor3A_885 = arith.xori %iota3A, %xor3A_884 : vector<16xi32>
      %lt3A_886 = arith.constant 0 : i32
      %lt3A_887 = vector.broadcast %lt3A_886 : i32 to vector<16xi32>
      %lt3A_888 = arith.cmpi slt, %xor3A_885, %lt3A_887 : vector<16xi32>
      %add3A_889 = arith.constant 16 : i32
      %add3A_890 = vector.broadcast %add3A_889 : i32 to vector<16xi32>
      %add3A_891 = arith.addi %xor3A_885, %add3A_890 : vector<16xi32>
      %select_n3A_892 = arith.select %lt3A_888, %add3A_891, %xor3A_885 : vector<16xi1>, vector<16xi32>
      %broadcast_in_dim3A_893 = vector.shape_cast %select_n3A_892 : vector<16xi32> to vector<16x1xi32>
      %gather3A_894 = vector.shape_cast %broadcast_in_dim3A_893 : vector<16x1xi32> to vector<16xi32>
      %gather3A_895 = tpu.dynamic_gather %min3A_882[%gather3A_894] in [0] : vector<16xi32>, vector<16xi32> -> vector<16xi32>
      %min3A_896 = arith.minsi %min3A_882, %gather3A_895 : vector<16xi32>
      %xor3A_897 = arith.constant 1 : i32
      %xor3A_898 = vector.broadcast %xor3A_897 : i32 to vector<16xi32>
      %xor3A_899 = arith.xori %iota3A, %xor3A_898 : vector<16xi32>
      %lt3A_900 = arith.constant 0 : i32
      %lt3A_901 = vector.broadcast %lt3A_900 : i32 to vector<16xi32>
      %lt3A_902 = arith.cmpi slt, %xor3A_899, %lt3A_901 : vector<16xi32>
      %add3A_903 = arith.constant 16 : i32
      %add3A_904 = vector.broadcast %add3A_903 : i32 to vector<16xi32>
      %add3A_905 = arith.addi %xor3A_899, %add3A_904 : vector<16xi32>
      %select_n3A_906 = arith.select %lt3A_902, %add3A_905, %xor3A_899 : vector<16xi1>, vector<16xi32>
      %broadcast_in_dim3A_907 = vector.shape_cast %select_n3A_906 : vector<16xi32> to vector<16x1xi32>
      %gather3A_908 = vector.shape_cast %broadcast_in_dim3A_907 : vector<16x1xi32> to vector<16xi32>
      %gather3A_909 = tpu.dynamic_gather %min3A_896[%gather3A_908] in [0] : vector<16xi32>, vector<16xi32> -> vector<16xi32>
      %min3A_910 = arith.minsi %min3A_896, %gather3A_909 : vector<16xi32>
      %eq3A_911 = arith.cmpi eq, %iota3A, %min3A_910 : vector<16xi32>
      %jit3A_912 = arith.constant -1.000000e+30 : f32
      %broadcast_in_dim3A_913 = vector.broadcast %jit3A_912 : f32 to vector<16xf32>
      %select_n3A_914 = arith.select %eq3A_911, %broadcast_in_dim3A_913, %get3A_794 : vector<16xi1>, vector<16xf32>
      %xor3A_915 = arith.constant 8 : i32
      %xor3A_916 = vector.broadcast %xor3A_915 : i32 to vector<16xi32>
      %xor3A_917 = arith.xori %iota3A, %xor3A_916 : vector<16xi32>
      %lt3A_918 = arith.constant 0 : i32
      %lt3A_919 = vector.broadcast %lt3A_918 : i32 to vector<16xi32>
      %lt3A_920 = arith.cmpi slt, %xor3A_917, %lt3A_919 : vector<16xi32>
      %add3A_921 = arith.constant 16 : i32
      %add3A_922 = vector.broadcast %add3A_921 : i32 to vector<16xi32>
      %add3A_923 = arith.addi %xor3A_917, %add3A_922 : vector<16xi32>
      %select_n3A_924 = arith.select %lt3A_920, %add3A_923, %xor3A_917 : vector<16xi1>, vector<16xi32>
      %broadcast_in_dim3A_925 = vector.shape_cast %select_n3A_924 : vector<16xi32> to vector<16x1xi32>
      %gather3A_926 = vector.shape_cast %broadcast_in_dim3A_925 : vector<16x1xi32> to vector<16xi32>
      %gather3A_927 = tpu.dynamic_gather %select_n3A_914[%gather3A_926] in [0] : vector<16xf32>, vector<16xi32> -> vector<16xf32>
      %max3A_928 = arith.maximumf %select_n3A_914, %gather3A_927 : vector<16xf32>
      %xor3A_929 = arith.constant 4 : i32
      %xor3A_930 = vector.broadcast %xor3A_929 : i32 to vector<16xi32>
      %xor3A_931 = arith.xori %iota3A, %xor3A_930 : vector<16xi32>
      %lt3A_932 = arith.constant 0 : i32
      %lt3A_933 = vector.broadcast %lt3A_932 : i32 to vector<16xi32>
      %lt3A_934 = arith.cmpi slt, %xor3A_931, %lt3A_933 : vector<16xi32>
      %add3A_935 = arith.constant 16 : i32
      %add3A_936 = vector.broadcast %add3A_935 : i32 to vector<16xi32>
      %add3A_937 = arith.addi %xor3A_931, %add3A_936 : vector<16xi32>
      %select_n3A_938 = arith.select %lt3A_934, %add3A_937, %xor3A_931 : vector<16xi1>, vector<16xi32>
      %broadcast_in_dim3A_939 = vector.shape_cast %select_n3A_938 : vector<16xi32> to vector<16x1xi32>
      %gather3A_940 = vector.shape_cast %broadcast_in_dim3A_939 : vector<16x1xi32> to vector<16xi32>
      %gather3A_941 = tpu.dynamic_gather %max3A_928[%gather3A_940] in [0] : vector<16xf32>, vector<16xi32> -> vector<16xf32>
      %max3A_942 = arith.maximumf %max3A_928, %gather3A_941 : vector<16xf32>
      %xor3A_943 = arith.constant 2 : i32
      %xor3A_944 = vector.broadcast %xor3A_943 : i32 to vector<16xi32>
      %xor3A_945 = arith.xori %iota3A, %xor3A_944 : vector<16xi32>
      %lt3A_946 = arith.constant 0 : i32
      %lt3A_947 = vector.broadcast %lt3A_946 : i32 to vector<16xi32>
      %lt3A_948 = arith.cmpi slt, %xor3A_945, %lt3A_947 : vector<16xi32>
      %add3A_949 = arith.constant 16 : i32
      %add3A_950 = vector.broadcast %add3A_949 : i32 to vector<16xi32>
      %add3A_951 = arith.addi %xor3A_945, %add3A_950 : vector<16xi32>
      %select_n3A_952 = arith.select %lt3A_948, %add3A_951, %xor3A_945 : vector<16xi1>, vector<16xi32>
      %broadcast_in_dim3A_953 = vector.shape_cast %select_n3A_952 : vector<16xi32> to vector<16x1xi32>
      %gather3A_954 = vector.shape_cast %broadcast_in_dim3A_953 : vector<16x1xi32> to vector<16xi32>
      %gather3A_955 = tpu.dynamic_gather %max3A_942[%gather3A_954] in [0] : vector<16xf32>, vector<16xi32> -> vector<16xf32>
      %max3A_956 = arith.maximumf %max3A_942, %gather3A_955 : vector<16xf32>
      %xor3A_957 = arith.constant 1 : i32
      %xor3A_958 = vector.broadcast %xor3A_957 : i32 to vector<16xi32>
      %xor3A_959 = arith.xori %iota3A, %xor3A_958 : vector<16xi32>
      %lt3A_960 = arith.constant 0 : i32
      %lt3A_961 = vector.broadcast %lt3A_960 : i32 to vector<16xi32>
      %lt3A_962 = arith.cmpi slt, %xor3A_959, %lt3A_961 : vector<16xi32>
      %add3A_963 = arith.constant 16 : i32
      %add3A_964 = vector.broadcast %add3A_963 : i32 to vector<16xi32>
      %add3A_965 = arith.addi %xor3A_959, %add3A_964 : vector<16xi32>
      %select_n3A_966 = arith.select %lt3A_962, %add3A_965, %xor3A_959 : vector<16xi1>, vector<16xi32>
      %broadcast_in_dim3A_967 = vector.shape_cast %select_n3A_966 : vector<16xi32> to vector<16x1xi32>
      %gather3A_968 = vector.shape_cast %broadcast_in_dim3A_967 : vector<16x1xi32> to vector<16xi32>
      %gather3A_969 = tpu.dynamic_gather %max3A_956[%gather3A_968] in [0] : vector<16xf32>, vector<16xi32> -> vector<16xf32>
      %max3A_970 = arith.maximumf %max3A_956, %gather3A_969 : vector<16xf32>
      %eq3A_971 = arith.cmpf oeq, %select_n3A_914, %max3A_970 : vector<16xf32>
      %jit3A_972 = arith.constant 16 : i32
      %broadcast_in_dim3A_973 = vector.broadcast %jit3A_972 : i32 to vector<16xi32>
      %select_n3A_974 = arith.select %eq3A_971, %iota3A, %broadcast_in_dim3A_973 : vector<16xi1>, vector<16xi32>
      %xor3A_975 = arith.constant 8 : i32
      %xor3A_976 = vector.broadcast %xor3A_975 : i32 to vector<16xi32>
      %xor3A_977 = arith.xori %iota3A, %xor3A_976 : vector<16xi32>
      %lt3A_978 = arith.constant 0 : i32
      %lt3A_979 = vector.broadcast %lt3A_978 : i32 to vector<16xi32>
      %lt3A_980 = arith.cmpi slt, %xor3A_977, %lt3A_979 : vector<16xi32>
      %add3A_981 = arith.constant 16 : i32
      %add3A_982 = vector.broadcast %add3A_981 : i32 to vector<16xi32>
      %add3A_983 = arith.addi %xor3A_977, %add3A_982 : vector<16xi32>
      %select_n3A_984 = arith.select %lt3A_980, %add3A_983, %xor3A_977 : vector<16xi1>, vector<16xi32>
      %broadcast_in_dim3A_985 = vector.shape_cast %select_n3A_984 : vector<16xi32> to vector<16x1xi32>
      %gather3A_986 = vector.shape_cast %broadcast_in_dim3A_985 : vector<16x1xi32> to vector<16xi32>
      %gather3A_987 = tpu.dynamic_gather %select_n3A_974[%gather3A_986] in [0] : vector<16xi32>, vector<16xi32> -> vector<16xi32>
      %min3A_988 = arith.minsi %select_n3A_974, %gather3A_987 : vector<16xi32>
      %xor3A_989 = arith.constant 4 : i32
      %xor3A_990 = vector.broadcast %xor3A_989 : i32 to vector<16xi32>
      %xor3A_991 = arith.xori %iota3A, %xor3A_990 : vector<16xi32>
      %lt3A_992 = arith.constant 0 : i32
      %lt3A_993 = vector.broadcast %lt3A_992 : i32 to vector<16xi32>
      %lt3A_994 = arith.cmpi slt, %xor3A_991, %lt3A_993 : vector<16xi32>
      %add3A_995 = arith.constant 16 : i32
      %add3A_996 = vector.broadcast %add3A_995 : i32 to vector<16xi32>
      %add3A_997 = arith.addi %xor3A_991, %add3A_996 : vector<16xi32>
      %select_n3A_998 = arith.select %lt3A_994, %add3A_997, %xor3A_991 : vector<16xi1>, vector<16xi32>
      %broadcast_in_dim3A_999 = vector.shape_cast %select_n3A_998 : vector<16xi32> to vector<16x1xi32>
      %gather3A_1000 = vector.shape_cast %broadcast_in_dim3A_999 : vector<16x1xi32> to vector<16xi32>
      %gather3A_1001 = tpu.dynamic_gather %min3A_988[%gather3A_1000] in [0] : vector<16xi32>, vector<16xi32> -> vector<16xi32>
      %min3A_1002 = arith.minsi %min3A_988, %gather3A_1001 : vector<16xi32>
      %xor3A_1003 = arith.constant 2 : i32
      %xor3A_1004 = vector.broadcast %xor3A_1003 : i32 to vector<16xi32>
      %xor3A_1005 = arith.xori %iota3A, %xor3A_1004 : vector<16xi32>
      %lt3A_1006 = arith.constant 0 : i32
      %lt3A_1007 = vector.broadcast %lt3A_1006 : i32 to vector<16xi32>
      %lt3A_1008 = arith.cmpi slt, %xor3A_1005, %lt3A_1007 : vector<16xi32>
      %add3A_1009 = arith.constant 16 : i32
      %add3A_1010 = vector.broadcast %add3A_1009 : i32 to vector<16xi32>
      %add3A_1011 = arith.addi %xor3A_1005, %add3A_1010 : vector<16xi32>
      %select_n3A_1012 = arith.select %lt3A_1008, %add3A_1011, %xor3A_1005 : vector<16xi1>, vector<16xi32>
      %broadcast_in_dim3A_1013 = vector.shape_cast %select_n3A_1012 : vector<16xi32> to vector<16x1xi32>
      %gather3A_1014 = vector.shape_cast %broadcast_in_dim3A_1013 : vector<16x1xi32> to vector<16xi32>
      %gather3A_1015 = tpu.dynamic_gather %min3A_1002[%gather3A_1014] in [0] : vector<16xi32>, vector<16xi32> -> vector<16xi32>
      %min3A_1016 = arith.minsi %min3A_1002, %gather3A_1015 : vector<16xi32>
      %xor3A_1017 = arith.constant 1 : i32
      %xor3A_1018 = vector.broadcast %xor3A_1017 : i32 to vector<16xi32>
      %xor3A_1019 = arith.xori %iota3A, %xor3A_1018 : vector<16xi32>
      %lt3A_1020 = arith.constant 0 : i32
      %lt3A_1021 = vector.broadcast %lt3A_1020 : i32 to vector<16xi32>
      %lt3A_1022 = arith.cmpi slt, %xor3A_1019, %lt3A_1021 : vector<16xi32>
      %add3A_1023 = arith.constant 16 : i32
      %add3A_1024 = vector.broadcast %add3A_1023 : i32 to vector<16xi32>
      %add3A_1025 = arith.addi %xor3A_1019, %add3A_1024 : vector<16xi32>
      %select_n3A_1026 = arith.select %lt3A_1022, %add3A_1025, %xor3A_1019 : vector<16xi1>, vector<16xi32>
      %broadcast_in_dim3A_1027 = vector.shape_cast %select_n3A_1026 : vector<16xi32> to vector<16x1xi32>
      %gather3A_1028 = vector.shape_cast %broadcast_in_dim3A_1027 : vector<16x1xi32> to vector<16xi32>
      %gather3A_1029 = tpu.dynamic_gather %min3A_1016[%gather3A_1028] in [0] : vector<16xi32>, vector<16xi32> -> vector<16xi32>
      %min3A_1030 = arith.minsi %min3A_1016, %gather3A_1029 : vector<16xi32>
      %sub3A_1031 = arith.subf %max3A_970, %max3A_850 : vector<16xf32>
      %exp3A_1032 = math.exp %sub3A_1031 : vector<16xf32>
      %add3A_1033 = arith.constant 1.000000e+00 : f32
      %add3A_1034 = vector.broadcast %add3A_1033 : f32 to vector<16xf32>
      %add3A_1035 = arith.addf %add3A_1034, %exp3A_1032 : vector<16xf32>
      %div3A_1036 = arith.constant 1.000000e+00 : f32
      %div3A_1037 = vector.broadcast %div3A_1036 : f32 to vector<16xf32>
      %div3A_1038 = arith.divf %div3A_1037, %add3A_1035 : vector<16xf32>
      %eq3A_1039 = arith.cmpi eq, %iota3A, %min3A_910 : vector<16xi32>
      %jit3A_1040 = arith.constant 0.000000e+00 : f32
      %broadcast_in_dim3A_1041 = vector.broadcast %jit3A_1040 : f32 to vector<16xf32>
      %select_n3A_1042 = arith.select %eq3A_1039, %div3A_1038, %broadcast_in_dim3A_1041 : vector<16xi1>, vector<16xf32>
      %eq3A_1043 = arith.cmpi eq, %iota3A, %min3A_1030 : vector<16xi32>
      %sub3A_1044 = arith.constant 1.000000e+00 : f32
      %sub3A_1045 = vector.broadcast %sub3A_1044 : f32 to vector<16xf32>
      %sub3A_1046 = arith.subf %sub3A_1045, %div3A_1038 : vector<16xf32>
      %jit3A_1047 = arith.constant 0.000000e+00 : f32
      %broadcast_in_dim3A_1048 = vector.broadcast %jit3A_1047 : f32 to vector<16xf32>
      %select_n3A_1049 = arith.select %eq3A_1043, %sub3A_1046, %broadcast_in_dim3A_1048 : vector<16xi1>, vector<16xf32>
      %add3A_1050 = arith.addf %select_n3A_1042, %select_n3A_1049 : vector<16xf32>
      %swap3A_1051 = arith.constant 3 : i32
      %swap3A_1052 = arith.index_cast %swap3A_1051 : i32 to index
      %swap3A_1053 = arith.constant 0 : index
      %swap3A_1054 = tpu.vector_load %arg5[%swap3A_1052, %swap3A_1053] {strides = array<i32>} : memref<8x16xf32, #tpu.memory_space<vmem>>, vector<1x16xf32>,
      %swap3A_1055 = vector.shape_cast %swap3A_1054 : vector<1x16xf32> to vector<16xf32>
      %swap3A_1056 = vector.shape_cast %add3A_1050 : vector<16xf32> to vector<1x16xf32>
      tpu.vector_store %arg5[%swap3A_1052, %swap3A_1053], %swap3A_1056 {strides = array<i32>} : memref<8x16xf32, #tpu.memory_space<vmem>>, vector<1x16xf32>,
      %get3A_1057 = arith.constant 4 : i32
      %get3A_1058 = arith.index_cast %get3A_1057 : i32 to index
      %get3A_1059 = arith.constant 0 : index
      %get3A_1060 = tpu.vector_load %arg4[%get3A_1058, %get3A_1059] {strides = array<i32>} : memref<8x16xf32, #tpu.memory_space<vmem>>, vector<1x16xf32>,
      %get3A_1061 = vector.shape_cast %get3A_1060 : vector<1x16xf32> to vector<16xf32>
      %xor3A_1062 = arith.constant 8 : i32
      %xor3A_1063 = vector.broadcast %xor3A_1062 : i32 to vector<16xi32>
      %xor3A_1064 = arith.xori %iota3A, %xor3A_1063 : vector<16xi32>
      %lt3A_1065 = arith.constant 0 : i32
      %lt3A_1066 = vector.broadcast %lt3A_1065 : i32 to vector<16xi32>
      %lt3A_1067 = arith.cmpi slt, %xor3A_1064, %lt3A_1066 : vector<16xi32>
      %add3A_1068 = arith.constant 16 : i32
      %add3A_1069 = vector.broadcast %add3A_1068 : i32 to vector<16xi32>
      %add3A_1070 = arith.addi %xor3A_1064, %add3A_1069 : vector<16xi32>
      %select_n3A_1071 = arith.select %lt3A_1067, %add3A_1070, %xor3A_1064 : vector<16xi1>, vector<16xi32>
      %broadcast_in_dim3A_1072 = vector.shape_cast %select_n3A_1071 : vector<16xi32> to vector<16x1xi32>
      %gather3A_1073 = vector.shape_cast %broadcast_in_dim3A_1072 : vector<16x1xi32> to vector<16xi32>
      %gather3A_1074 = tpu.dynamic_gather %get3A_1061[%gather3A_1073] in [0] : vector<16xf32>, vector<16xi32> -> vector<16xf32>
      %max3A_1075 = arith.maximumf %get3A_1061, %gather3A_1074 : vector<16xf32>
      %xor3A_1076 = arith.constant 4 : i32
      %xor3A_1077 = vector.broadcast %xor3A_1076 : i32 to vector<16xi32>
      %xor3A_1078 = arith.xori %iota3A, %xor3A_1077 : vector<16xi32>
      %lt3A_1079 = arith.constant 0 : i32
      %lt3A_1080 = vector.broadcast %lt3A_1079 : i32 to vector<16xi32>
      %lt3A_1081 = arith.cmpi slt, %xor3A_1078, %lt3A_1080 : vector<16xi32>
      %add3A_1082 = arith.constant 16 : i32
      %add3A_1083 = vector.broadcast %add3A_1082 : i32 to vector<16xi32>
      %add3A_1084 = arith.addi %xor3A_1078, %add3A_1083 : vector<16xi32>
      %select_n3A_1085 = arith.select %lt3A_1081, %add3A_1084, %xor3A_1078 : vector<16xi1>, vector<16xi32>
      %broadcast_in_dim3A_1086 = vector.shape_cast %select_n3A_1085 : vector<16xi32> to vector<16x1xi32>
      %gather3A_1087 = vector.shape_cast %broadcast_in_dim3A_1086 : vector<16x1xi32> to vector<16xi32>
      %gather3A_1088 = tpu.dynamic_gather %max3A_1075[%gather3A_1087] in [0] : vector<16xf32>, vector<16xi32> -> vector<16xf32>
      %max3A_1089 = arith.maximumf %max3A_1075, %gather3A_1088 : vector<16xf32>
      %xor3A_1090 = arith.constant 2 : i32
      %xor3A_1091 = vector.broadcast %xor3A_1090 : i32 to vector<16xi32>
      %xor3A_1092 = arith.xori %iota3A, %xor3A_1091 : vector<16xi32>
      %lt3A_1093 = arith.constant 0 : i32
      %lt3A_1094 = vector.broadcast %lt3A_1093 : i32 to vector<16xi32>
      %lt3A_1095 = arith.cmpi slt, %xor3A_1092, %lt3A_1094 : vector<16xi32>
      %add3A_1096 = arith.constant 16 : i32
      %add3A_1097 = vector.broadcast %add3A_1096 : i32 to vector<16xi32>
      %add3A_1098 = arith.addi %xor3A_1092, %add3A_1097 : vector<16xi32>
      %select_n3A_1099 = arith.select %lt3A_1095, %add3A_1098, %xor3A_1092 : vector<16xi1>, vector<16xi32>
      %broadcast_in_dim3A_1100 = vector.shape_cast %select_n3A_1099 : vector<16xi32> to vector<16x1xi32>
      %gather3A_1101 = vector.shape_cast %broadcast_in_dim3A_1100 : vector<16x1xi32> to vector<16xi32>
      %gather3A_1102 = tpu.dynamic_gather %max3A_1089[%gather3A_1101] in [0] : vector<16xf32>, vector<16xi32> -> vector<16xf32>
      %max3A_1103 = arith.maximumf %max3A_1089, %gather3A_1102 : vector<16xf32>
      %xor3A_1104 = arith.constant 1 : i32
      %xor3A_1105 = vector.broadcast %xor3A_1104 : i32 to vector<16xi32>
      %xor3A_1106 = arith.xori %iota3A, %xor3A_1105 : vector<16xi32>
      %lt3A_1107 = arith.constant 0 : i32
      %lt3A_1108 = vector.broadcast %lt3A_1107 : i32 to vector<16xi32>
      %lt3A_1109 = arith.cmpi slt, %xor3A_1106, %lt3A_1108 : vector<16xi32>
      %add3A_1110 = arith.constant 16 : i32
      %add3A_1111 = vector.broadcast %add3A_1110 : i32 to vector<16xi32>
      %add3A_1112 = arith.addi %xor3A_1106, %add3A_1111 : vector<16xi32>
      %select_n3A_1113 = arith.select %lt3A_1109, %add3A_1112, %xor3A_1106 : vector<16xi1>, vector<16xi32>
      %broadcast_in_dim3A_1114 = vector.shape_cast %select_n3A_1113 : vector<16xi32> to vector<16x1xi32>
      %gather3A_1115 = vector.shape_cast %broadcast_in_dim3A_1114 : vector<16x1xi32> to vector<16xi32>
      %gather3A_1116 = tpu.dynamic_gather %max3A_1103[%gather3A_1115] in [0] : vector<16xf32>, vector<16xi32> -> vector<16xf32>
      %max3A_1117 = arith.maximumf %max3A_1103, %gather3A_1116 : vector<16xf32>
      %eq3A_1118 = arith.cmpf oeq, %get3A_1061, %max3A_1117 : vector<16xf32>
      %jit3A_1119 = arith.constant 16 : i32
      %broadcast_in_dim3A_1120 = vector.broadcast %jit3A_1119 : i32 to vector<16xi32>
      %select_n3A_1121 = arith.select %eq3A_1118, %iota3A, %broadcast_in_dim3A_1120 : vector<16xi1>, vector<16xi32>
      %xor3A_1122 = arith.constant 8 : i32
      %xor3A_1123 = vector.broadcast %xor3A_1122 : i32 to vector<16xi32>
      %xor3A_1124 = arith.xori %iota3A, %xor3A_1123 : vector<16xi32>
      %lt3A_1125 = arith.constant 0 : i32
      %lt3A_1126 = vector.broadcast %lt3A_1125 : i32 to vector<16xi32>
      %lt3A_1127 = arith.cmpi slt, %xor3A_1124, %lt3A_1126 : vector<16xi32>
      %add3A_1128 = arith.constant 16 : i32
      %add3A_1129 = vector.broadcast %add3A_1128 : i32 to vector<16xi32>
      %add3A_1130 = arith.addi %xor3A_1124, %add3A_1129 : vector<16xi32>
      %select_n3A_1131 = arith.select %lt3A_1127, %add3A_1130, %xor3A_1124 : vector<16xi1>, vector<16xi32>
      %broadcast_in_dim3A_1132 = vector.shape_cast %select_n3A_1131 : vector<16xi32> to vector<16x1xi32>
      %gather3A_1133 = vector.shape_cast %broadcast_in_dim3A_1132 : vector<16x1xi32> to vector<16xi32>
      %gather3A_1134 = tpu.dynamic_gather %select_n3A_1121[%gather3A_1133] in [0] : vector<16xi32>, vector<16xi32> -> vector<16xi32>
      %min3A_1135 = arith.minsi %select_n3A_1121, %gather3A_1134 : vector<16xi32>
      %xor3A_1136 = arith.constant 4 : i32
      %xor3A_1137 = vector.broadcast %xor3A_1136 : i32 to vector<16xi32>
      %xor3A_1138 = arith.xori %iota3A, %xor3A_1137 : vector<16xi32>
      %lt3A_1139 = arith.constant 0 : i32
      %lt3A_1140 = vector.broadcast %lt3A_1139 : i32 to vector<16xi32>
      %lt3A_1141 = arith.cmpi slt, %xor3A_1138, %lt3A_1140 : vector<16xi32>
      %add3A_1142 = arith.constant 16 : i32
      %add3A_1143 = vector.broadcast %add3A_1142 : i32 to vector<16xi32>
      %add3A_1144 = arith.addi %xor3A_1138, %add3A_1143 : vector<16xi32>
      %select_n3A_1145 = arith.select %lt3A_1141, %add3A_1144, %xor3A_1138 : vector<16xi1>, vector<16xi32>
      %broadcast_in_dim3A_1146 = vector.shape_cast %select_n3A_1145 : vector<16xi32> to vector<16x1xi32>
      %gather3A_1147 = vector.shape_cast %broadcast_in_dim3A_1146 : vector<16x1xi32> to vector<16xi32>
      %gather3A_1148 = tpu.dynamic_gather %min3A_1135[%gather3A_1147] in [0] : vector<16xi32>, vector<16xi32> -> vector<16xi32>
      %min3A_1149 = arith.minsi %min3A_1135, %gather3A_1148 : vector<16xi32>
      %xor3A_1150 = arith.constant 2 : i32
      %xor3A_1151 = vector.broadcast %xor3A_1150 : i32 to vector<16xi32>
      %xor3A_1152 = arith.xori %iota3A, %xor3A_1151 : vector<16xi32>
      %lt3A_1153 = arith.constant 0 : i32
      %lt3A_1154 = vector.broadcast %lt3A_1153 : i32 to vector<16xi32>
      %lt3A_1155 = arith.cmpi slt, %xor3A_1152, %lt3A_1154 : vector<16xi32>
      %add3A_1156 = arith.constant 16 : i32
      %add3A_1157 = vector.broadcast %add3A_1156 : i32 to vector<16xi32>
      %add3A_1158 = arith.addi %xor3A_1152, %add3A_1157 : vector<16xi32>
      %select_n3A_1159 = arith.select %lt3A_1155, %add3A_1158, %xor3A_1152 : vector<16xi1>, vector<16xi32>
      %broadcast_in_dim3A_1160 = vector.shape_cast %select_n3A_1159 : vector<16xi32> to vector<16x1xi32>
      %gather3A_1161 = vector.shape_cast %broadcast_in_dim3A_1160 : vector<16x1xi32> to vector<16xi32>
      %gather3A_1162 = tpu.dynamic_gather %min3A_1149[%gather3A_1161] in [0] : vector<16xi32>, vector<16xi32> -> vector<16xi32>
      %min3A_1163 = arith.minsi %min3A_1149, %gather3A_1162 : vector<16xi32>
      %xor3A_1164 = arith.constant 1 : i32
      %xor3A_1165 = vector.broadcast %xor3A_1164 : i32 to vector<16xi32>
      %xor3A_1166 = arith.xori %iota3A, %xor3A_1165 : vector<16xi32>
      %lt3A_1167 = arith.constant 0 : i32
      %lt3A_1168 = vector.broadcast %lt3A_1167 : i32 to vector<16xi32>
      %lt3A_1169 = arith.cmpi slt, %xor3A_1166, %lt3A_1168 : vector<16xi32>
      %add3A_1170 = arith.constant 16 : i32
      %add3A_1171 = vector.broadcast %add3A_1170 : i32 to vector<16xi32>
      %add3A_1172 = arith.addi %xor3A_1166, %add3A_1171 : vector<16xi32>
      %select_n3A_1173 = arith.select %lt3A_1169, %add3A_1172, %xor3A_1166 : vector<16xi1>, vector<16xi32>
      %broadcast_in_dim3A_1174 = vector.shape_cast %select_n3A_1173 : vector<16xi32> to vector<16x1xi32>
      %gather3A_1175 = vector.shape_cast %broadcast_in_dim3A_1174 : vector<16x1xi32> to vector<16xi32>
      %gather3A_1176 = tpu.dynamic_gather %min3A_1163[%gather3A_1175] in [0] : vector<16xi32>, vector<16xi32> -> vector<16xi32>
      %min3A_1177 = arith.minsi %min3A_1163, %gather3A_1176 : vector<16xi32>
      %eq3A_1178 = arith.cmpi eq, %iota3A, %min3A_1177 : vector<16xi32>
      %jit3A_1179 = arith.constant -1.000000e+30 : f32
      %broadcast_in_dim3A_1180 = vector.broadcast %jit3A_1179 : f32 to vector<16xf32>
      %select_n3A_1181 = arith.select %eq3A_1178, %broadcast_in_dim3A_1180, %get3A_1061 : vector<16xi1>, vector<16xf32>
      %xor3A_1182 = arith.constant 8 : i32
      %xor3A_1183 = vector.broadcast %xor3A_1182 : i32 to vector<16xi32>
      %xor3A_1184 = arith.xori %iota3A, %xor3A_1183 : vector<16xi32>
      %lt3A_1185 = arith.constant 0 : i32
      %lt3A_1186 = vector.broadcast %lt3A_1185 : i32 to vector<16xi32>
      %lt3A_1187 = arith.cmpi slt, %xor3A_1184, %lt3A_1186 : vector<16xi32>
      %add3A_1188 = arith.constant 16 : i32
      %add3A_1189 = vector.broadcast %add3A_1188 : i32 to vector<16xi32>
      %add3A_1190 = arith.addi %xor3A_1184, %add3A_1189 : vector<16xi32>
      %select_n3A_1191 = arith.select %lt3A_1187, %add3A_1190, %xor3A_1184 : vector<16xi1>, vector<16xi32>
      %broadcast_in_dim3A_1192 = vector.shape_cast %select_n3A_1191 : vector<16xi32> to vector<16x1xi32>
      %gather3A_1193 = vector.shape_cast %broadcast_in_dim3A_1192 : vector<16x1xi32> to vector<16xi32>
      %gather3A_1194 = tpu.dynamic_gather %select_n3A_1181[%gather3A_1193] in [0] : vector<16xf32>, vector<16xi32> -> vector<16xf32>
      %max3A_1195 = arith.maximumf %select_n3A_1181, %gather3A_1194 : vector<16xf32>
      %xor3A_1196 = arith.constant 4 : i32
      %xor3A_1197 = vector.broadcast %xor3A_1196 : i32 to vector<16xi32>
      %xor3A_1198 = arith.xori %iota3A, %xor3A_1197 : vector<16xi32>
      %lt3A_1199 = arith.constant 0 : i32
      %lt3A_1200 = vector.broadcast %lt3A_1199 : i32 to vector<16xi32>
      %lt3A_1201 = arith.cmpi slt, %xor3A_1198, %lt3A_1200 : vector<16xi32>
      %add3A_1202 = arith.constant 16 : i32
      %add3A_1203 = vector.broadcast %add3A_1202 : i32 to vector<16xi32>
      %add3A_1204 = arith.addi %xor3A_1198, %add3A_1203 : vector<16xi32>
      %select_n3A_1205 = arith.select %lt3A_1201, %add3A_1204, %xor3A_1198 : vector<16xi1>, vector<16xi32>
      %broadcast_in_dim3A_1206 = vector.shape_cast %select_n3A_1205 : vector<16xi32> to vector<16x1xi32>
      %gather3A_1207 = vector.shape_cast %broadcast_in_dim3A_1206 : vector<16x1xi32> to vector<16xi32>
      %gather3A_1208 = tpu.dynamic_gather %max3A_1195[%gather3A_1207] in [0] : vector<16xf32>, vector<16xi32> -> vector<16xf32>
      %max3A_1209 = arith.maximumf %max3A_1195, %gather3A_1208 : vector<16xf32>
      %xor3A_1210 = arith.constant 2 : i32
      %xor3A_1211 = vector.broadcast %xor3A_1210 : i32 to vector<16xi32>
      %xor3A_1212 = arith.xori %iota3A, %xor3A_1211 : vector<16xi32>
      %lt3A_1213 = arith.constant 0 : i32
      %lt3A_1214 = vector.broadcast %lt3A_1213 : i32 to vector<16xi32>
      %lt3A_1215 = arith.cmpi slt, %xor3A_1212, %lt3A_1214 : vector<16xi32>
      %add3A_1216 = arith.constant 16 : i32
      %add3A_1217 = vector.broadcast %add3A_1216 : i32 to vector<16xi32>
      %add3A_1218 = arith.addi %xor3A_1212, %add3A_1217 : vector<16xi32>
      %select_n3A_1219 = arith.select %lt3A_1215, %add3A_1218, %xor3A_1212 : vector<16xi1>, vector<16xi32>
      %broadcast_in_dim3A_1220 = vector.shape_cast %select_n3A_1219 : vector<16xi32> to vector<16x1xi32>
      %gather3A_1221 = vector.shape_cast %broadcast_in_dim3A_1220 : vector<16x1xi32> to vector<16xi32>
      %gather3A_1222 = tpu.dynamic_gather %max3A_1209[%gather3A_1221] in [0] : vector<16xf32>, vector<16xi32> -> vector<16xf32>
      %max3A_1223 = arith.maximumf %max3A_1209, %gather3A_1222 : vector<16xf32>
      %xor3A_1224 = arith.constant 1 : i32
      %xor3A_1225 = vector.broadcast %xor3A_1224 : i32 to vector<16xi32>
      %xor3A_1226 = arith.xori %iota3A, %xor3A_1225 : vector<16xi32>
      %lt3A_1227 = arith.constant 0 : i32
      %lt3A_1228 = vector.broadcast %lt3A_1227 : i32 to vector<16xi32>
      %lt3A_1229 = arith.cmpi slt, %xor3A_1226, %lt3A_1228 : vector<16xi32>
      %add3A_1230 = arith.constant 16 : i32
      %add3A_1231 = vector.broadcast %add3A_1230 : i32 to vector<16xi32>
      %add3A_1232 = arith.addi %xor3A_1226, %add3A_1231 : vector<16xi32>
      %select_n3A_1233 = arith.select %lt3A_1229, %add3A_1232, %xor3A_1226 : vector<16xi1>, vector<16xi32>
      %broadcast_in_dim3A_1234 = vector.shape_cast %select_n3A_1233 : vector<16xi32> to vector<16x1xi32>
      %gather3A_1235 = vector.shape_cast %broadcast_in_dim3A_1234 : vector<16x1xi32> to vector<16xi32>
      %gather3A_1236 = tpu.dynamic_gather %max3A_1223[%gather3A_1235] in [0] : vector<16xf32>, vector<16xi32> -> vector<16xf32>
      %max3A_1237 = arith.maximumf %max3A_1223, %gather3A_1236 : vector<16xf32>
      %eq3A_1238 = arith.cmpf oeq, %select_n3A_1181, %max3A_1237 : vector<16xf32>
      %jit3A_1239 = arith.constant 16 : i32
      %broadcast_in_dim3A_1240 = vector.broadcast %jit3A_1239 : i32 to vector<16xi32>
      %select_n3A_1241 = arith.select %eq3A_1238, %iota3A, %broadcast_in_dim3A_1240 : vector<16xi1>, vector<16xi32>
      %xor3A_1242 = arith.constant 8 : i32
      %xor3A_1243 = vector.broadcast %xor3A_1242 : i32 to vector<16xi32>
      %xor3A_1244 = arith.xori %iota3A, %xor3A_1243 : vector<16xi32>
      %lt3A_1245 = arith.constant 0 : i32
      %lt3A_1246 = vector.broadcast %lt3A_1245 : i32 to vector<16xi32>
      %lt3A_1247 = arith.cmpi slt, %xor3A_1244, %lt3A_1246 : vector<16xi32>
      %add3A_1248 = arith.constant 16 : i32
      %add3A_1249 = vector.broadcast %add3A_1248 : i32 to vector<16xi32>
      %add3A_1250 = arith.addi %xor3A_1244, %add3A_1249 : vector<16xi32>
      %select_n3A_1251 = arith.select %lt3A_1247, %add3A_1250, %xor3A_1244 : vector<16xi1>, vector<16xi32>
      %broadcast_in_dim3A_1252 = vector.shape_cast %select_n3A_1251 : vector<16xi32> to vector<16x1xi32>
      %gather3A_1253 = vector.shape_cast %broadcast_in_dim3A_1252 : vector<16x1xi32> to vector<16xi32>
      %gather3A_1254 = tpu.dynamic_gather %select_n3A_1241[%gather3A_1253] in [0] : vector<16xi32>, vector<16xi32> -> vector<16xi32>
      %min3A_1255 = arith.minsi %select_n3A_1241, %gather3A_1254 : vector<16xi32>
      %xor3A_1256 = arith.constant 4 : i32
      %xor3A_1257 = vector.broadcast %xor3A_1256 : i32 to vector<16xi32>
      %xor3A_1258 = arith.xori %iota3A, %xor3A_1257 : vector<16xi32>
      %lt3A_1259 = arith.constant 0 : i32
      %lt3A_1260 = vector.broadcast %lt3A_1259 : i32 to vector<16xi32>
      %lt3A_1261 = arith.cmpi slt, %xor3A_1258, %lt3A_1260 : vector<16xi32>
      %add3A_1262 = arith.constant 16 : i32
      %add3A_1263 = vector.broadcast %add3A_1262 : i32 to vector<16xi32>
      %add3A_1264 = arith.addi %xor3A_1258, %add3A_1263 : vector<16xi32>
      %select_n3A_1265 = arith.select %lt3A_1261, %add3A_1264, %xor3A_1258 : vector<16xi1>, vector<16xi32>
      %broadcast_in_dim3A_1266 = vector.shape_cast %select_n3A_1265 : vector<16xi32> to vector<16x1xi32>
      %gather3A_1267 = vector.shape_cast %broadcast_in_dim3A_1266 : vector<16x1xi32> to vector<16xi32>
      %gather3A_1268 = tpu.dynamic_gather %min3A_1255[%gather3A_1267] in [0] : vector<16xi32>, vector<16xi32> -> vector<16xi32>
      %min3A_1269 = arith.minsi %min3A_1255, %gather3A_1268 : vector<16xi32>
      %xor3A_1270 = arith.constant 2 : i32
      %xor3A_1271 = vector.broadcast %xor3A_1270 : i32 to vector<16xi32>
      %xor3A_1272 = arith.xori %iota3A, %xor3A_1271 : vector<16xi32>
      %lt3A_1273 = arith.constant 0 : i32
      %lt3A_1274 = vector.broadcast %lt3A_1273 : i32 to vector<16xi32>
      %lt3A_1275 = arith.cmpi slt, %xor3A_1272, %lt3A_1274 : vector<16xi32>
      %add3A_1276 = arith.constant 16 : i32
      %add3A_1277 = vector.broadcast %add3A_1276 : i32 to vector<16xi32>
      %add3A_1278 = arith.addi %xor3A_1272, %add3A_1277 : vector<16xi32>
      %select_n3A_1279 = arith.select %lt3A_1275, %add3A_1278, %xor3A_1272 : vector<16xi1>, vector<16xi32>
      %broadcast_in_dim3A_1280 = vector.shape_cast %select_n3A_1279 : vector<16xi32> to vector<16x1xi32>
      %gather3A_1281 = vector.shape_cast %broadcast_in_dim3A_1280 : vector<16x1xi32> to vector<16xi32>
      %gather3A_1282 = tpu.dynamic_gather %min3A_1269[%gather3A_1281] in [0] : vector<16xi32>, vector<16xi32> -> vector<16xi32>
      %min3A_1283 = arith.minsi %min3A_1269, %gather3A_1282 : vector<16xi32>
      %xor3A_1284 = arith.constant 1 : i32
      %xor3A_1285 = vector.broadcast %xor3A_1284 : i32 to vector<16xi32>
      %xor3A_1286 = arith.xori %iota3A, %xor3A_1285 : vector<16xi32>
      %lt3A_1287 = arith.constant 0 : i32
      %lt3A_1288 = vector.broadcast %lt3A_1287 : i32 to vector<16xi32>
      %lt3A_1289 = arith.cmpi slt, %xor3A_1286, %lt3A_1288 : vector<16xi32>
      %add3A_1290 = arith.constant 16 : i32
      %add3A_1291 = vector.broadcast %add3A_1290 : i32 to vector<16xi32>
      %add3A_1292 = arith.addi %xor3A_1286, %add3A_1291 : vector<16xi32>
      %select_n3A_1293 = arith.select %lt3A_1289, %add3A_1292, %xor3A_1286 : vector<16xi1>, vector<16xi32>
      %broadcast_in_dim3A_1294 = vector.shape_cast %select_n3A_1293 : vector<16xi32> to vector<16x1xi32>
      %gather3A_1295 = vector.shape_cast %broadcast_in_dim3A_1294 : vector<16x1xi32> to vector<16xi32>
      %gather3A_1296 = tpu.dynamic_gather %min3A_1283[%gather3A_1295] in [0] : vector<16xi32>, vector<16xi32> -> vector<16xi32>
      %min3A_1297 = arith.minsi %min3A_1283, %gather3A_1296 : vector<16xi32>
      %sub3A_1298 = arith.subf %max3A_1237, %max3A_1117 : vector<16xf32>
      %exp3A_1299 = math.exp %sub3A_1298 : vector<16xf32>
      %add3A_1300 = arith.constant 1.000000e+00 : f32
      %add3A_1301 = vector.broadcast %add3A_1300 : f32 to vector<16xf32>
      %add3A_1302 = arith.addf %add3A_1301, %exp3A_1299 : vector<16xf32>
      %div3A_1303 = arith.constant 1.000000e+00 : f32
      %div3A_1304 = vector.broadcast %div3A_1303 : f32 to vector<16xf32>
      %div3A_1305 = arith.divf %div3A_1304, %add3A_1302 : vector<16xf32>
      %eq3A_1306 = arith.cmpi eq, %iota3A, %min3A_1177 : vector<16xi32>
      %jit3A_1307 = arith.constant 0.000000e+00 : f32
      %broadcast_in_dim3A_1308 = vector.broadcast %jit3A_1307 : f32 to vector<16xf32>
      %select_n3A_1309 = arith.select %eq3A_1306, %div3A_1305, %broadcast_in_dim3A_1308 : vector<16xi1>, vector<16xf32>
      %eq3A_1310 = arith.cmpi eq, %iota3A, %min3A_1297 : vector<16xi32>
      %sub3A_1311 = arith.constant 1.000000e+00 : f32
      %sub3A_1312 = vector.broadcast %sub3A_1311 : f32 to vector<16xf32>
      %sub3A_1313 = arith.subf %sub3A_1312, %div3A_1305 : vector<16xf32>
      %jit3A_1314 = arith.constant 0.000000e+00 : f32
      %broadcast_in_dim3A_1315 = vector.broadcast %jit3A_1314 : f32 to vector<16xf32>
      %select_n3A_1316 = arith.select %eq3A_1310, %sub3A_1313, %broadcast_in_dim3A_1315 : vector<16xi1>, vector<16xf32>
      %add3A_1317 = arith.addf %select_n3A_1309, %select_n3A_1316 : vector<16xf32>
      %swap3A_1318 = arith.constant 4 : i32
      %swap3A_1319 = arith.index_cast %swap3A_1318 : i32 to index
      %swap3A_1320 = arith.constant 0 : index
      %swap3A_1321 = tpu.vector_load %arg5[%swap3A_1319, %swap3A_1320] {strides = array<i32>} : memref<8x16xf32, #tpu.memory_space<vmem>>, vector<1x16xf32>,
      %swap3A_1322 = vector.shape_cast %swap3A_1321 : vector<1x16xf32> to vector<16xf32>
      %swap3A_1323 = vector.shape_cast %add3A_1317 : vector<16xf32> to vector<1x16xf32>
      tpu.vector_store %arg5[%swap3A_1319, %swap3A_1320], %swap3A_1323 {strides = array<i32>} : memref<8x16xf32, #tpu.memory_space<vmem>>, vector<1x16xf32>,
      %get3A_1324 = arith.constant 5 : i32
      %get3A_1325 = arith.index_cast %get3A_1324 : i32 to index
      %get3A_1326 = arith.constant 0 : index
      %get3A_1327 = tpu.vector_load %arg4[%get3A_1325, %get3A_1326] {strides = array<i32>} : memref<8x16xf32, #tpu.memory_space<vmem>>, vector<1x16xf32>,
      %get3A_1328 = vector.shape_cast %get3A_1327 : vector<1x16xf32> to vector<16xf32>
      %xor3A_1329 = arith.constant 8 : i32
      %xor3A_1330 = vector.broadcast %xor3A_1329 : i32 to vector<16xi32>
      %xor3A_1331 = arith.xori %iota3A, %xor3A_1330 : vector<16xi32>
      %lt3A_1332 = arith.constant 0 : i32
      %lt3A_1333 = vector.broadcast %lt3A_1332 : i32 to vector<16xi32>
      %lt3A_1334 = arith.cmpi slt, %xor3A_1331, %lt3A_1333 : vector<16xi32>
      %add3A_1335 = arith.constant 16 : i32
      %add3A_1336 = vector.broadcast %add3A_1335 : i32 to vector<16xi32>
      %add3A_1337 = arith.addi %xor3A_1331, %add3A_1336 : vector<16xi32>
      %select_n3A_1338 = arith.select %lt3A_1334, %add3A_1337, %xor3A_1331 : vector<16xi1>, vector<16xi32>
      %broadcast_in_dim3A_1339 = vector.shape_cast %select_n3A_1338 : vector<16xi32> to vector<16x1xi32>
      %gather3A_1340 = vector.shape_cast %broadcast_in_dim3A_1339 : vector<16x1xi32> to vector<16xi32>
      %gather3A_1341 = tpu.dynamic_gather %get3A_1328[%gather3A_1340] in [0] : vector<16xf32>, vector<16xi32> -> vector<16xf32>
      %max3A_1342 = arith.maximumf %get3A_1328, %gather3A_1341 : vector<16xf32>
      %xor3A_1343 = arith.constant 4 : i32
      %xor3A_1344 = vector.broadcast %xor3A_1343 : i32 to vector<16xi32>
      %xor3A_1345 = arith.xori %iota3A, %xor3A_1344 : vector<16xi32>
      %lt3A_1346 = arith.constant 0 : i32
      %lt3A_1347 = vector.broadcast %lt3A_1346 : i32 to vector<16xi32>
      %lt3A_1348 = arith.cmpi slt, %xor3A_1345, %lt3A_1347 : vector<16xi32>
      %add3A_1349 = arith.constant 16 : i32
      %add3A_1350 = vector.broadcast %add3A_1349 : i32 to vector<16xi32>
      %add3A_1351 = arith.addi %xor3A_1345, %add3A_1350 : vector<16xi32>
      %select_n3A_1352 = arith.select %lt3A_1348, %add3A_1351, %xor3A_1345 : vector<16xi1>, vector<16xi32>
      %broadcast_in_dim3A_1353 = vector.shape_cast %select_n3A_1352 : vector<16xi32> to vector<16x1xi32>
      %gather3A_1354 = vector.shape_cast %broadcast_in_dim3A_1353 : vector<16x1xi32> to vector<16xi32>
      %gather3A_1355 = tpu.dynamic_gather %max3A_1342[%gather3A_1354] in [0] : vector<16xf32>, vector<16xi32> -> vector<16xf32>
      %max3A_1356 = arith.maximumf %max3A_1342, %gather3A_1355 : vector<16xf32>
      %xor3A_1357 = arith.constant 2 : i32
      %xor3A_1358 = vector.broadcast %xor3A_1357 : i32 to vector<16xi32>
      %xor3A_1359 = arith.xori %iota3A, %xor3A_1358 : vector<16xi32>
      %lt3A_1360 = arith.constant 0 : i32
      %lt3A_1361 = vector.broadcast %lt3A_1360 : i32 to vector<16xi32>
      %lt3A_1362 = arith.cmpi slt, %xor3A_1359, %lt3A_1361 : vector<16xi32>
      %add3A_1363 = arith.constant 16 : i32
      %add3A_1364 = vector.broadcast %add3A_1363 : i32 to vector<16xi32>
      %add3A_1365 = arith.addi %xor3A_1359, %add3A_1364 : vector<16xi32>
      %select_n3A_1366 = arith.select %lt3A_1362, %add3A_1365, %xor3A_1359 : vector<16xi1>, vector<16xi32>
      %broadcast_in_dim3A_1367 = vector.shape_cast %select_n3A_1366 : vector<16xi32> to vector<16x1xi32>
      %gather3A_1368 = vector.shape_cast %broadcast_in_dim3A_1367 : vector<16x1xi32> to vector<16xi32>
      %gather3A_1369 = tpu.dynamic_gather %max3A_1356[%gather3A_1368] in [0] : vector<16xf32>, vector<16xi32> -> vector<16xf32>
      %max3A_1370 = arith.maximumf %max3A_1356, %gather3A_1369 : vector<16xf32>
      %xor3A_1371 = arith.constant 1 : i32
      %xor3A_1372 = vector.broadcast %xor3A_1371 : i32 to vector<16xi32>
      %xor3A_1373 = arith.xori %iota3A, %xor3A_1372 : vector<16xi32>
      %lt3A_1374 = arith.constant 0 : i32
      %lt3A_1375 = vector.broadcast %lt3A_1374 : i32 to vector<16xi32>
      %lt3A_1376 = arith.cmpi slt, %xor3A_1373, %lt3A_1375 : vector<16xi32>
      %add3A_1377 = arith.constant 16 : i32
      %add3A_1378 = vector.broadcast %add3A_1377 : i32 to vector<16xi32>
      %add3A_1379 = arith.addi %xor3A_1373, %add3A_1378 : vector<16xi32>
      %select_n3A_1380 = arith.select %lt3A_1376, %add3A_1379, %xor3A_1373 : vector<16xi1>, vector<16xi32>
      %broadcast_in_dim3A_1381 = vector.shape_cast %select_n3A_1380 : vector<16xi32> to vector<16x1xi32>
      %gather3A_1382 = vector.shape_cast %broadcast_in_dim3A_1381 : vector<16x1xi32> to vector<16xi32>
      %gather3A_1383 = tpu.dynamic_gather %max3A_1370[%gather3A_1382] in [0] : vector<16xf32>, vector<16xi32> -> vector<16xf32>
      %max3A_1384 = arith.maximumf %max3A_1370, %gather3A_1383 : vector<16xf32>
      %eq3A_1385 = arith.cmpf oeq, %get3A_1328, %max3A_1384 : vector<16xf32>
      %jit3A_1386 = arith.constant 16 : i32
      %broadcast_in_dim3A_1387 = vector.broadcast %jit3A_1386 : i32 to vector<16xi32>
      %select_n3A_1388 = arith.select %eq3A_1385, %iota3A, %broadcast_in_dim3A_1387 : vector<16xi1>, vector<16xi32>
      %xor3A_1389 = arith.constant 8 : i32
      %xor3A_1390 = vector.broadcast %xor3A_1389 : i32 to vector<16xi32>
      %xor3A_1391 = arith.xori %iota3A, %xor3A_1390 : vector<16xi32>
      %lt3A_1392 = arith.constant 0 : i32
      %lt3A_1393 = vector.broadcast %lt3A_1392 : i32 to vector<16xi32>
      %lt3A_1394 = arith.cmpi slt, %xor3A_1391, %lt3A_1393 : vector<16xi32>
      %add3A_1395 = arith.constant 16 : i32
      %add3A_1396 = vector.broadcast %add3A_1395 : i32 to vector<16xi32>
      %add3A_1397 = arith.addi %xor3A_1391, %add3A_1396 : vector<16xi32>
      %select_n3A_1398 = arith.select %lt3A_1394, %add3A_1397, %xor3A_1391 : vector<16xi1>, vector<16xi32>
      %broadcast_in_dim3A_1399 = vector.shape_cast %select_n3A_1398 : vector<16xi32> to vector<16x1xi32>
      %gather3A_1400 = vector.shape_cast %broadcast_in_dim3A_1399 : vector<16x1xi32> to vector<16xi32>
      %gather3A_1401 = tpu.dynamic_gather %select_n3A_1388[%gather3A_1400] in [0] : vector<16xi32>, vector<16xi32> -> vector<16xi32>
      %min3A_1402 = arith.minsi %select_n3A_1388, %gather3A_1401 : vector<16xi32>
      %xor3A_1403 = arith.constant 4 : i32
      %xor3A_1404 = vector.broadcast %xor3A_1403 : i32 to vector<16xi32>
      %xor3A_1405 = arith.xori %iota3A, %xor3A_1404 : vector<16xi32>
      %lt3A_1406 = arith.constant 0 : i32
      %lt3A_1407 = vector.broadcast %lt3A_1406 : i32 to vector<16xi32>
      %lt3A_1408 = arith.cmpi slt, %xor3A_1405, %lt3A_1407 : vector<16xi32>
      %add3A_1409 = arith.constant 16 : i32
      %add3A_1410 = vector.broadcast %add3A_1409 : i32 to vector<16xi32>
      %add3A_1411 = arith.addi %xor3A_1405, %add3A_1410 : vector<16xi32>
      %select_n3A_1412 = arith.select %lt3A_1408, %add3A_1411, %xor3A_1405 : vector<16xi1>, vector<16xi32>
      %broadcast_in_dim3A_1413 = vector.shape_cast %select_n3A_1412 : vector<16xi32> to vector<16x1xi32>
      %gather3A_1414 = vector.shape_cast %broadcast_in_dim3A_1413 : vector<16x1xi32> to vector<16xi32>
      %gather3A_1415 = tpu.dynamic_gather %min3A_1402[%gather3A_1414] in [0] : vector<16xi32>, vector<16xi32> -> vector<16xi32>
      %min3A_1416 = arith.minsi %min3A_1402, %gather3A_1415 : vector<16xi32>
      %xor3A_1417 = arith.constant 2 : i32
      %xor3A_1418 = vector.broadcast %xor3A_1417 : i32 to vector<16xi32>
      %xor3A_1419 = arith.xori %iota3A, %xor3A_1418 : vector<16xi32>
      %lt3A_1420 = arith.constant 0 : i32
      %lt3A_1421 = vector.broadcast %lt3A_1420 : i32 to vector<16xi32>
      %lt3A_1422 = arith.cmpi slt, %xor3A_1419, %lt3A_1421 : vector<16xi32>
      %add3A_1423 = arith.constant 16 : i32
      %add3A_1424 = vector.broadcast %add3A_1423 : i32 to vector<16xi32>
      %add3A_1425 = arith.addi %xor3A_1419, %add3A_1424 : vector<16xi32>
      %select_n3A_1426 = arith.select %lt3A_1422, %add3A_1425, %xor3A_1419 : vector<16xi1>, vector<16xi32>
      %broadcast_in_dim3A_1427 = vector.shape_cast %select_n3A_1426 : vector<16xi32> to vector<16x1xi32>
      %gather3A_1428 = vector.shape_cast %broadcast_in_dim3A_1427 : vector<16x1xi32> to vector<16xi32>
      %gather3A_1429 = tpu.dynamic_gather %min3A_1416[%gather3A_1428] in [0] : vector<16xi32>, vector<16xi32> -> vector<16xi32>
      %min3A_1430 = arith.minsi %min3A_1416, %gather3A_1429 : vector<16xi32>
      %xor3A_1431 = arith.constant 1 : i32
      %xor3A_1432 = vector.broadcast %xor3A_1431 : i32 to vector<16xi32>
      %xor3A_1433 = arith.xori %iota3A, %xor3A_1432 : vector<16xi32>
      %lt3A_1434 = arith.constant 0 : i32
      %lt3A_1435 = vector.broadcast %lt3A_1434 : i32 to vector<16xi32>
      %lt3A_1436 = arith.cmpi slt, %xor3A_1433, %lt3A_1435 : vector<16xi32>
      %add3A_1437 = arith.constant 16 : i32
      %add3A_1438 = vector.broadcast %add3A_1437 : i32 to vector<16xi32>
      %add3A_1439 = arith.addi %xor3A_1433, %add3A_1438 : vector<16xi32>
      %select_n3A_1440 = arith.select %lt3A_1436, %add3A_1439, %xor3A_1433 : vector<16xi1>, vector<16xi32>
      %broadcast_in_dim3A_1441 = vector.shape_cast %select_n3A_1440 : vector<16xi32> to vector<16x1xi32>
      %gather3A_1442 = vector.shape_cast %broadcast_in_dim3A_1441 : vector<16x1xi32> to vector<16xi32>
      %gather3A_1443 = tpu.dynamic_gather %min3A_1430[%gather3A_1442] in [0] : vector<16xi32>, vector<16xi32> -> vector<16xi32>
      %min3A_1444 = arith.minsi %min3A_1430, %gather3A_1443 : vector<16xi32>
      %eq3A_1445 = arith.cmpi eq, %iota3A, %min3A_1444 : vector<16xi32>
      %jit3A_1446 = arith.constant -1.000000e+30 : f32
      %broadcast_in_dim3A_1447 = vector.broadcast %jit3A_1446 : f32 to vector<16xf32>
      %select_n3A_1448 = arith.select %eq3A_1445, %broadcast_in_dim3A_1447, %get3A_1328 : vector<16xi1>, vector<16xf32>
      %xor3A_1449 = arith.constant 8 : i32
      %xor3A_1450 = vector.broadcast %xor3A_1449 : i32 to vector<16xi32>
      %xor3A_1451 = arith.xori %iota3A, %xor3A_1450 : vector<16xi32>
      %lt3A_1452 = arith.constant 0 : i32
      %lt3A_1453 = vector.broadcast %lt3A_1452 : i32 to vector<16xi32>
      %lt3A_1454 = arith.cmpi slt, %xor3A_1451, %lt3A_1453 : vector<16xi32>
      %add3A_1455 = arith.constant 16 : i32
      %add3A_1456 = vector.broadcast %add3A_1455 : i32 to vector<16xi32>
      %add3A_1457 = arith.addi %xor3A_1451, %add3A_1456 : vector<16xi32>
      %select_n3A_1458 = arith.select %lt3A_1454, %add3A_1457, %xor3A_1451 : vector<16xi1>, vector<16xi32>
      %broadcast_in_dim3A_1459 = vector.shape_cast %select_n3A_1458 : vector<16xi32> to vector<16x1xi32>
      %gather3A_1460 = vector.shape_cast %broadcast_in_dim3A_1459 : vector<16x1xi32> to vector<16xi32>
      %gather3A_1461 = tpu.dynamic_gather %select_n3A_1448[%gather3A_1460] in [0] : vector<16xf32>, vector<16xi32> -> vector<16xf32>
      %max3A_1462 = arith.maximumf %select_n3A_1448, %gather3A_1461 : vector<16xf32>
      %xor3A_1463 = arith.constant 4 : i32
      %xor3A_1464 = vector.broadcast %xor3A_1463 : i32 to vector<16xi32>
      %xor3A_1465 = arith.xori %iota3A, %xor3A_1464 : vector<16xi32>
      %lt3A_1466 = arith.constant 0 : i32
      %lt3A_1467 = vector.broadcast %lt3A_1466 : i32 to vector<16xi32>
      %lt3A_1468 = arith.cmpi slt, %xor3A_1465, %lt3A_1467 : vector<16xi32>
      %add3A_1469 = arith.constant 16 : i32
      %add3A_1470 = vector.broadcast %add3A_1469 : i32 to vector<16xi32>
      %add3A_1471 = arith.addi %xor3A_1465, %add3A_1470 : vector<16xi32>
      %select_n3A_1472 = arith.select %lt3A_1468, %add3A_1471, %xor3A_1465 : vector<16xi1>, vector<16xi32>
      %broadcast_in_dim3A_1473 = vector.shape_cast %select_n3A_1472 : vector<16xi32> to vector<16x1xi32>
      %gather3A_1474 = vector.shape_cast %broadcast_in_dim3A_1473 : vector<16x1xi32> to vector<16xi32>
      %gather3A_1475 = tpu.dynamic_gather %max3A_1462[%gather3A_1474] in [0] : vector<16xf32>, vector<16xi32> -> vector<16xf32>
      %max3A_1476 = arith.maximumf %max3A_1462, %gather3A_1475 : vector<16xf32>
      %xor3A_1477 = arith.constant 2 : i32
      %xor3A_1478 = vector.broadcast %xor3A_1477 : i32 to vector<16xi32>
      %xor3A_1479 = arith.xori %iota3A, %xor3A_1478 : vector<16xi32>
      %lt3A_1480 = arith.constant 0 : i32
      %lt3A_1481 = vector.broadcast %lt3A_1480 : i32 to vector<16xi32>
      %lt3A_1482 = arith.cmpi slt, %xor3A_1479, %lt3A_1481 : vector<16xi32>
      %add3A_1483 = arith.constant 16 : i32
      %add3A_1484 = vector.broadcast %add3A_1483 : i32 to vector<16xi32>
      %add3A_1485 = arith.addi %xor3A_1479, %add3A_1484 : vector<16xi32>
      %select_n3A_1486 = arith.select %lt3A_1482, %add3A_1485, %xor3A_1479 : vector<16xi1>, vector<16xi32>
      %broadcast_in_dim3A_1487 = vector.shape_cast %select_n3A_1486 : vector<16xi32> to vector<16x1xi32>
      %gather3A_1488 = vector.shape_cast %broadcast_in_dim3A_1487 : vector<16x1xi32> to vector<16xi32>
      %gather3A_1489 = tpu.dynamic_gather %max3A_1476[%gather3A_1488] in [0] : vector<16xf32>, vector<16xi32> -> vector<16xf32>
      %max3A_1490 = arith.maximumf %max3A_1476, %gather3A_1489 : vector<16xf32>
      %xor3A_1491 = arith.constant 1 : i32
      %xor3A_1492 = vector.broadcast %xor3A_1491 : i32 to vector<16xi32>
      %xor3A_1493 = arith.xori %iota3A, %xor3A_1492 : vector<16xi32>
      %lt3A_1494 = arith.constant 0 : i32
      %lt3A_1495 = vector.broadcast %lt3A_1494 : i32 to vector<16xi32>
      %lt3A_1496 = arith.cmpi slt, %xor3A_1493, %lt3A_1495 : vector<16xi32>
      %add3A_1497 = arith.constant 16 : i32
      %add3A_1498 = vector.broadcast %add3A_1497 : i32 to vector<16xi32>
      %add3A_1499 = arith.addi %xor3A_1493, %add3A_1498 : vector<16xi32>
      %select_n3A_1500 = arith.select %lt3A_1496, %add3A_1499, %xor3A_1493 : vector<16xi1>, vector<16xi32>
      %broadcast_in_dim3A_1501 = vector.shape_cast %select_n3A_1500 : vector<16xi32> to vector<16x1xi32>
      %gather3A_1502 = vector.shape_cast %broadcast_in_dim3A_1501 : vector<16x1xi32> to vector<16xi32>
      %gather3A_1503 = tpu.dynamic_gather %max3A_1490[%gather3A_1502] in [0] : vector<16xf32>, vector<16xi32> -> vector<16xf32>
      %max3A_1504 = arith.maximumf %max3A_1490, %gather3A_1503 : vector<16xf32>
      %eq3A_1505 = arith.cmpf oeq, %select_n3A_1448, %max3A_1504 : vector<16xf32>
      %jit3A_1506 = arith.constant 16 : i32
      %broadcast_in_dim3A_1507 = vector.broadcast %jit3A_1506 : i32 to vector<16xi32>
      %select_n3A_1508 = arith.select %eq3A_1505, %iota3A, %broadcast_in_dim3A_1507 : vector<16xi1>, vector<16xi32>
      %xor3A_1509 = arith.constant 8 : i32
      %xor3A_1510 = vector.broadcast %xor3A_1509 : i32 to vector<16xi32>
      %xor3A_1511 = arith.xori %iota3A, %xor3A_1510 : vector<16xi32>
      %lt3A_1512 = arith.constant 0 : i32
      %lt3A_1513 = vector.broadcast %lt3A_1512 : i32 to vector<16xi32>
      %lt3A_1514 = arith.cmpi slt, %xor3A_1511, %lt3A_1513 : vector<16xi32>
      %add3A_1515 = arith.constant 16 : i32
      %add3A_1516 = vector.broadcast %add3A_1515 : i32 to vector<16xi32>
      %add3A_1517 = arith.addi %xor3A_1511, %add3A_1516 : vector<16xi32>
      %select_n3A_1518 = arith.select %lt3A_1514, %add3A_1517, %xor3A_1511 : vector<16xi1>, vector<16xi32>
      %broadcast_in_dim3A_1519 = vector.shape_cast %select_n3A_1518 : vector<16xi32> to vector<16x1xi32>
      %gather3A_1520 = vector.shape_cast %broadcast_in_dim3A_1519 : vector<16x1xi32> to vector<16xi32>
      %gather3A_1521 = tpu.dynamic_gather %select_n3A_1508[%gather3A_1520] in [0] : vector<16xi32>, vector<16xi32> -> vector<16xi32>
      %min3A_1522 = arith.minsi %select_n3A_1508, %gather3A_1521 : vector<16xi32>
      %xor3A_1523 = arith.constant 4 : i32
      %xor3A_1524 = vector.broadcast %xor3A_1523 : i32 to vector<16xi32>
      %xor3A_1525 = arith.xori %iota3A, %xor3A_1524 : vector<16xi32>
      %lt3A_1526 = arith.constant 0 : i32
      %lt3A_1527 = vector.broadcast %lt3A_1526 : i32 to vector<16xi32>
      %lt3A_1528 = arith.cmpi slt, %xor3A_1525, %lt3A_1527 : vector<16xi32>
      %add3A_1529 = arith.constant 16 : i32
      %add3A_1530 = vector.broadcast %add3A_1529 : i32 to vector<16xi32>
      %add3A_1531 = arith.addi %xor3A_1525, %add3A_1530 : vector<16xi32>
      %select_n3A_1532 = arith.select %lt3A_1528, %add3A_1531, %xor3A_1525 : vector<16xi1>, vector<16xi32>
      %broadcast_in_dim3A_1533 = vector.shape_cast %select_n3A_1532 : vector<16xi32> to vector<16x1xi32>
      %gather3A_1534 = vector.shape_cast %broadcast_in_dim3A_1533 : vector<16x1xi32> to vector<16xi32>
      %gather3A_1535 = tpu.dynamic_gather %min3A_1522[%gather3A_1534] in [0] : vector<16xi32>, vector<16xi32> -> vector<16xi32>
      %min3A_1536 = arith.minsi %min3A_1522, %gather3A_1535 : vector<16xi32>
      %xor3A_1537 = arith.constant 2 : i32
      %xor3A_1538 = vector.broadcast %xor3A_1537 : i32 to vector<16xi32>
      %xor3A_1539 = arith.xori %iota3A, %xor3A_1538 : vector<16xi32>
      %lt3A_1540 = arith.constant 0 : i32
      %lt3A_1541 = vector.broadcast %lt3A_1540 : i32 to vector<16xi32>
      %lt3A_1542 = arith.cmpi slt, %xor3A_1539, %lt3A_1541 : vector<16xi32>
      %add3A_1543 = arith.constant 16 : i32
      %add3A_1544 = vector.broadcast %add3A_1543 : i32 to vector<16xi32>
      %add3A_1545 = arith.addi %xor3A_1539, %add3A_1544 : vector<16xi32>
      %select_n3A_1546 = arith.select %lt3A_1542, %add3A_1545, %xor3A_1539 : vector<16xi1>, vector<16xi32>
      %broadcast_in_dim3A_1547 = vector.shape_cast %select_n3A_1546 : vector<16xi32> to vector<16x1xi32>
      %gather3A_1548 = vector.shape_cast %broadcast_in_dim3A_1547 : vector<16x1xi32> to vector<16xi32>
      %gather3A_1549 = tpu.dynamic_gather %min3A_1536[%gather3A_1548] in [0] : vector<16xi32>, vector<16xi32> -> vector<16xi32>
      %min3A_1550 = arith.minsi %min3A_1536, %gather3A_1549 : vector<16xi32>
      %xor3A_1551 = arith.constant 1 : i32
      %xor3A_1552 = vector.broadcast %xor3A_1551 : i32 to vector<16xi32>
      %xor3A_1553 = arith.xori %iota3A, %xor3A_1552 : vector<16xi32>
      %lt3A_1554 = arith.constant 0 : i32
      %lt3A_1555 = vector.broadcast %lt3A_1554 : i32 to vector<16xi32>
      %lt3A_1556 = arith.cmpi slt, %xor3A_1553, %lt3A_1555 : vector<16xi32>
      %add3A_1557 = arith.constant 16 : i32
      %add3A_1558 = vector.broadcast %add3A_1557 : i32 to vector<16xi32>
      %add3A_1559 = arith.addi %xor3A_1553, %add3A_1558 : vector<16xi32>
      %select_n3A_1560 = arith.select %lt3A_1556, %add3A_1559, %xor3A_1553 : vector<16xi1>, vector<16xi32>
      %broadcast_in_dim3A_1561 = vector.shape_cast %select_n3A_1560 : vector<16xi32> to vector<16x1xi32>
      %gather3A_1562 = vector.shape_cast %broadcast_in_dim3A_1561 : vector<16x1xi32> to vector<16xi32>
      %gather3A_1563 = tpu.dynamic_gather %min3A_1550[%gather3A_1562] in [0] : vector<16xi32>, vector<16xi32> -> vector<16xi32>
      %min3A_1564 = arith.minsi %min3A_1550, %gather3A_1563 : vector<16xi32>
      %sub3A_1565 = arith.subf %max3A_1504, %max3A_1384 : vector<16xf32>
      %exp3A_1566 = math.exp %sub3A_1565 : vector<16xf32>
      %add3A_1567 = arith.constant 1.000000e+00 : f32
      %add3A_1568 = vector.broadcast %add3A_1567 : f32 to vector<16xf32>
      %add3A_1569 = arith.addf %add3A_1568, %exp3A_1566 : vector<16xf32>
      %div3A_1570 = arith.constant 1.000000e+00 : f32
      %div3A_1571 = vector.broadcast %div3A_1570 : f32 to vector<16xf32>
      %div3A_1572 = arith.divf %div3A_1571, %add3A_1569 : vector<16xf32>
      %eq3A_1573 = arith.cmpi eq, %iota3A, %min3A_1444 : vector<16xi32>
      %jit3A_1574 = arith.constant 0.000000e+00 : f32
      %broadcast_in_dim3A_1575 = vector.broadcast %jit3A_1574 : f32 to vector<16xf32>
      %select_n3A_1576 = arith.select %eq3A_1573, %div3A_1572, %broadcast_in_dim3A_1575 : vector<16xi1>, vector<16xf32>
      %eq3A_1577 = arith.cmpi eq, %iota3A, %min3A_1564 : vector<16xi32>
      %sub3A_1578 = arith.constant 1.000000e+00 : f32
      %sub3A_1579 = vector.broadcast %sub3A_1578 : f32 to vector<16xf32>
      %sub3A_1580 = arith.subf %sub3A_1579, %div3A_1572 : vector<16xf32>
      %jit3A_1581 = arith.constant 0.000000e+00 : f32
      %broadcast_in_dim3A_1582 = vector.broadcast %jit3A_1581 : f32 to vector<16xf32>
      %select_n3A_1583 = arith.select %eq3A_1577, %sub3A_1580, %broadcast_in_dim3A_1582 : vector<16xi1>, vector<16xf32>
      %add3A_1584 = arith.addf %select_n3A_1576, %select_n3A_1583 : vector<16xf32>
      %swap3A_1585 = arith.constant 5 : i32
      %swap3A_1586 = arith.index_cast %swap3A_1585 : i32 to index
      %swap3A_1587 = arith.constant 0 : index
      %swap3A_1588 = tpu.vector_load %arg5[%swap3A_1586, %swap3A_1587] {strides = array<i32>} : memref<8x16xf32, #tpu.memory_space<vmem>>, vector<1x16xf32>,
      %swap3A_1589 = vector.shape_cast %swap3A_1588 : vector<1x16xf32> to vector<16xf32>
      %swap3A_1590 = vector.shape_cast %add3A_1584 : vector<16xf32> to vector<1x16xf32>
      tpu.vector_store %arg5[%swap3A_1586, %swap3A_1587], %swap3A_1590 {strides = array<i32>} : memref<8x16xf32, #tpu.memory_space<vmem>>, vector<1x16xf32>,
      %get3A_1591 = arith.constant 6 : i32
      %get3A_1592 = arith.index_cast %get3A_1591 : i32 to index
      %get3A_1593 = arith.constant 0 : index
      %get3A_1594 = tpu.vector_load %arg4[%get3A_1592, %get3A_1593] {strides = array<i32>} : memref<8x16xf32, #tpu.memory_space<vmem>>, vector<1x16xf32>,
      %get3A_1595 = vector.shape_cast %get3A_1594 : vector<1x16xf32> to vector<16xf32>
      %xor3A_1596 = arith.constant 8 : i32
      %xor3A_1597 = vector.broadcast %xor3A_1596 : i32 to vector<16xi32>
      %xor3A_1598 = arith.xori %iota3A, %xor3A_1597 : vector<16xi32>
      %lt3A_1599 = arith.constant 0 : i32
      %lt3A_1600 = vector.broadcast %lt3A_1599 : i32 to vector<16xi32>
      %lt3A_1601 = arith.cmpi slt, %xor3A_1598, %lt3A_1600 : vector<16xi32>
      %add3A_1602 = arith.constant 16 : i32
      %add3A_1603 = vector.broadcast %add3A_1602 : i32 to vector<16xi32>
      %add3A_1604 = arith.addi %xor3A_1598, %add3A_1603 : vector<16xi32>
      %select_n3A_1605 = arith.select %lt3A_1601, %add3A_1604, %xor3A_1598 : vector<16xi1>, vector<16xi32>
      %broadcast_in_dim3A_1606 = vector.shape_cast %select_n3A_1605 : vector<16xi32> to vector<16x1xi32>
      %gather3A_1607 = vector.shape_cast %broadcast_in_dim3A_1606 : vector<16x1xi32> to vector<16xi32>
      %gather3A_1608 = tpu.dynamic_gather %get3A_1595[%gather3A_1607] in [0] : vector<16xf32>, vector<16xi32> -> vector<16xf32>
      %max3A_1609 = arith.maximumf %get3A_1595, %gather3A_1608 : vector<16xf32>
      %xor3A_1610 = arith.constant 4 : i32
      %xor3A_1611 = vector.broadcast %xor3A_1610 : i32 to vector<16xi32>
      %xor3A_1612 = arith.xori %iota3A, %xor3A_1611 : vector<16xi32>
      %lt3A_1613 = arith.constant 0 : i32
      %lt3A_1614 = vector.broadcast %lt3A_1613 : i32 to vector<16xi32>
      %lt3A_1615 = arith.cmpi slt, %xor3A_1612, %lt3A_1614 : vector<16xi32>
      %add3A_1616 = arith.constant 16 : i32
      %add3A_1617 = vector.broadcast %add3A_1616 : i32 to vector<16xi32>
      %add3A_1618 = arith.addi %xor3A_1612, %add3A_1617 : vector<16xi32>
      %select_n3A_1619 = arith.select %lt3A_1615, %add3A_1618, %xor3A_1612 : vector<16xi1>, vector<16xi32>
      %broadcast_in_dim3A_1620 = vector.shape_cast %select_n3A_1619 : vector<16xi32> to vector<16x1xi32>
      %gather3A_1621 = vector.shape_cast %broadcast_in_dim3A_1620 : vector<16x1xi32> to vector<16xi32>
      %gather3A_1622 = tpu.dynamic_gather %max3A_1609[%gather3A_1621] in [0] : vector<16xf32>, vector<16xi32> -> vector<16xf32>
      %max3A_1623 = arith.maximumf %max3A_1609, %gather3A_1622 : vector<16xf32>
      %xor3A_1624 = arith.constant 2 : i32
      %xor3A_1625 = vector.broadcast %xor3A_1624 : i32 to vector<16xi32>
      %xor3A_1626 = arith.xori %iota3A, %xor3A_1625 : vector<16xi32>
      %lt3A_1627 = arith.constant 0 : i32
      %lt3A_1628 = vector.broadcast %lt3A_1627 : i32 to vector<16xi32>
      %lt3A_1629 = arith.cmpi slt, %xor3A_1626, %lt3A_1628 : vector<16xi32>
      %add3A_1630 = arith.constant 16 : i32
      %add3A_1631 = vector.broadcast %add3A_1630 : i32 to vector<16xi32>
      %add3A_1632 = arith.addi %xor3A_1626, %add3A_1631 : vector<16xi32>
      %select_n3A_1633 = arith.select %lt3A_1629, %add3A_1632, %xor3A_1626 : vector<16xi1>, vector<16xi32>
      %broadcast_in_dim3A_1634 = vector.shape_cast %select_n3A_1633 : vector<16xi32> to vector<16x1xi32>
      %gather3A_1635 = vector.shape_cast %broadcast_in_dim3A_1634 : vector<16x1xi32> to vector<16xi32>
      %gather3A_1636 = tpu.dynamic_gather %max3A_1623[%gather3A_1635] in [0] : vector<16xf32>, vector<16xi32> -> vector<16xf32>
      %max3A_1637 = arith.maximumf %max3A_1623, %gather3A_1636 : vector<16xf32>
      %xor3A_1638 = arith.constant 1 : i32
      %xor3A_1639 = vector.broadcast %xor3A_1638 : i32 to vector<16xi32>
      %xor3A_1640 = arith.xori %iota3A, %xor3A_1639 : vector<16xi32>
      %lt3A_1641 = arith.constant 0 : i32
      %lt3A_1642 = vector.broadcast %lt3A_1641 : i32 to vector<16xi32>
      %lt3A_1643 = arith.cmpi slt, %xor3A_1640, %lt3A_1642 : vector<16xi32>
      %add3A_1644 = arith.constant 16 : i32
      %add3A_1645 = vector.broadcast %add3A_1644 : i32 to vector<16xi32>
      %add3A_1646 = arith.addi %xor3A_1640, %add3A_1645 : vector<16xi32>
      %select_n3A_1647 = arith.select %lt3A_1643, %add3A_1646, %xor3A_1640 : vector<16xi1>, vector<16xi32>
      %broadcast_in_dim3A_1648 = vector.shape_cast %select_n3A_1647 : vector<16xi32> to vector<16x1xi32>
      %gather3A_1649 = vector.shape_cast %broadcast_in_dim3A_1648 : vector<16x1xi32> to vector<16xi32>
      %gather3A_1650 = tpu.dynamic_gather %max3A_1637[%gather3A_1649] in [0] : vector<16xf32>, vector<16xi32> -> vector<16xf32>
      %max3A_1651 = arith.maximumf %max3A_1637, %gather3A_1650 : vector<16xf32>
      %eq3A_1652 = arith.cmpf oeq, %get3A_1595, %max3A_1651 : vector<16xf32>
      %jit3A_1653 = arith.constant 16 : i32
      %broadcast_in_dim3A_1654 = vector.broadcast %jit3A_1653 : i32 to vector<16xi32>
      %select_n3A_1655 = arith.select %eq3A_1652, %iota3A, %broadcast_in_dim3A_1654 : vector<16xi1>, vector<16xi32>
      %xor3A_1656 = arith.constant 8 : i32
      %xor3A_1657 = vector.broadcast %xor3A_1656 : i32 to vector<16xi32>
      %xor3A_1658 = arith.xori %iota3A, %xor3A_1657 : vector<16xi32>
      %lt3A_1659 = arith.constant 0 : i32
      %lt3A_1660 = vector.broadcast %lt3A_1659 : i32 to vector<16xi32>
      %lt3A_1661 = arith.cmpi slt, %xor3A_1658, %lt3A_1660 : vector<16xi32>
      %add3A_1662 = arith.constant 16 : i32
      %add3A_1663 = vector.broadcast %add3A_1662 : i32 to vector<16xi32>
      %add3A_1664 = arith.addi %xor3A_1658, %add3A_1663 : vector<16xi32>
      %select_n3A_1665 = arith.select %lt3A_1661, %add3A_1664, %xor3A_1658 : vector<16xi1>, vector<16xi32>
      %broadcast_in_dim3A_1666 = vector.shape_cast %select_n3A_1665 : vector<16xi32> to vector<16x1xi32>
      %gather3A_1667 = vector.shape_cast %broadcast_in_dim3A_1666 : vector<16x1xi32> to vector<16xi32>
      %gather3A_1668 = tpu.dynamic_gather %select_n3A_1655[%gather3A_1667] in [0] : vector<16xi32>, vector<16xi32> -> vector<16xi32>
      %min3A_1669 = arith.minsi %select_n3A_1655, %gather3A_1668 : vector<16xi32>
      %xor3A_1670 = arith.constant 4 : i32
      %xor3A_1671 = vector.broadcast %xor3A_1670 : i32 to vector<16xi32>
      %xor3A_1672 = arith.xori %iota3A, %xor3A_1671 : vector<16xi32>
      %lt3A_1673 = arith.constant 0 : i32
      %lt3A_1674 = vector.broadcast %lt3A_1673 : i32 to vector<16xi32>
      %lt3A_1675 = arith.cmpi slt, %xor3A_1672, %lt3A_1674 : vector<16xi32>
      %add3A_1676 = arith.constant 16 : i32
      %add3A_1677 = vector.broadcast %add3A_1676 : i32 to vector<16xi32>
      %add3A_1678 = arith.addi %xor3A_1672, %add3A_1677 : vector<16xi32>
      %select_n3A_1679 = arith.select %lt3A_1675, %add3A_1678, %xor3A_1672 : vector<16xi1>, vector<16xi32>
      %broadcast_in_dim3A_1680 = vector.shape_cast %select_n3A_1679 : vector<16xi32> to vector<16x1xi32>
      %gather3A_1681 = vector.shape_cast %broadcast_in_dim3A_1680 : vector<16x1xi32> to vector<16xi32>
      %gather3A_1682 = tpu.dynamic_gather %min3A_1669[%gather3A_1681] in [0] : vector<16xi32>, vector<16xi32> -> vector<16xi32>
      %min3A_1683 = arith.minsi %min3A_1669, %gather3A_1682 : vector<16xi32>
      %xor3A_1684 = arith.constant 2 : i32
      %xor3A_1685 = vector.broadcast %xor3A_1684 : i32 to vector<16xi32>
      %xor3A_1686 = arith.xori %iota3A, %xor3A_1685 : vector<16xi32>
      %lt3A_1687 = arith.constant 0 : i32
      %lt3A_1688 = vector.broadcast %lt3A_1687 : i32 to vector<16xi32>
      %lt3A_1689 = arith.cmpi slt, %xor3A_1686, %lt3A_1688 : vector<16xi32>
      %add3A_1690 = arith.constant 16 : i32
      %add3A_1691 = vector.broadcast %add3A_1690 : i32 to vector<16xi32>
      %add3A_1692 = arith.addi %xor3A_1686, %add3A_1691 : vector<16xi32>
      %select_n3A_1693 = arith.select %lt3A_1689, %add3A_1692, %xor3A_1686 : vector<16xi1>, vector<16xi32>
      %broadcast_in_dim3A_1694 = vector.shape_cast %select_n3A_1693 : vector<16xi32> to vector<16x1xi32>
      %gather3A_1695 = vector.shape_cast %broadcast_in_dim3A_1694 : vector<16x1xi32> to vector<16xi32>
      %gather3A_1696 = tpu.dynamic_gather %min3A_1683[%gather3A_1695] in [0] : vector<16xi32>, vector<16xi32> -> vector<16xi32>
      %min3A_1697 = arith.minsi %min3A_1683, %gather3A_1696 : vector<16xi32>
      %xor3A_1698 = arith.constant 1 : i32
      %xor3A_1699 = vector.broadcast %xor3A_1698 : i32 to vector<16xi32>
      %xor3A_1700 = arith.xori %iota3A, %xor3A_1699 : vector<16xi32>
      %lt3A_1701 = arith.constant 0 : i32
      %lt3A_1702 = vector.broadcast %lt3A_1701 : i32 to vector<16xi32>
      %lt3A_1703 = arith.cmpi slt, %xor3A_1700, %lt3A_1702 : vector<16xi32>
      %add3A_1704 = arith.constant 16 : i32
      %add3A_1705 = vector.broadcast %add3A_1704 : i32 to vector<16xi32>
      %add3A_1706 = arith.addi %xor3A_1700, %add3A_1705 : vector<16xi32>
      %select_n3A_1707 = arith.select %lt3A_1703, %add3A_1706, %xor3A_1700 : vector<16xi1>, vector<16xi32>
      %broadcast_in_dim3A_1708 = vector.shape_cast %select_n3A_1707 : vector<16xi32> to vector<16x1xi32>
      %gather3A_1709 = vector.shape_cast %broadcast_in_dim3A_1708 : vector<16x1xi32> to vector<16xi32>
      %gather3A_1710 = tpu.dynamic_gather %min3A_1697[%gather3A_1709] in [0] : vector<16xi32>, vector<16xi32> -> vector<16xi32>
      %min3A_1711 = arith.minsi %min3A_1697, %gather3A_1710 : vector<16xi32>
      %eq3A_1712 = arith.cmpi eq, %iota3A, %min3A_1711 : vector<16xi32>
      %jit3A_1713 = arith.constant -1.000000e+30 : f32
      %broadcast_in_dim3A_1714 = vector.broadcast %jit3A_1713 : f32 to vector<16xf32>
      %select_n3A_1715 = arith.select %eq3A_1712, %broadcast_in_dim3A_1714, %get3A_1595 : vector<16xi1>, vector<16xf32>
      %xor3A_1716 = arith.constant 8 : i32
      %xor3A_1717 = vector.broadcast %xor3A_1716 : i32 to vector<16xi32>
      %xor3A_1718 = arith.xori %iota3A, %xor3A_1717 : vector<16xi32>
      %lt3A_1719 = arith.constant 0 : i32
      %lt3A_1720 = vector.broadcast %lt3A_1719 : i32 to vector<16xi32>
      %lt3A_1721 = arith.cmpi slt, %xor3A_1718, %lt3A_1720 : vector<16xi32>
      %add3A_1722 = arith.constant 16 : i32
      %add3A_1723 = vector.broadcast %add3A_1722 : i32 to vector<16xi32>
      %add3A_1724 = arith.addi %xor3A_1718, %add3A_1723 : vector<16xi32>
      %select_n3A_1725 = arith.select %lt3A_1721, %add3A_1724, %xor3A_1718 : vector<16xi1>, vector<16xi32>
      %broadcast_in_dim3A_1726 = vector.shape_cast %select_n3A_1725 : vector<16xi32> to vector<16x1xi32>
      %gather3A_1727 = vector.shape_cast %broadcast_in_dim3A_1726 : vector<16x1xi32> to vector<16xi32>
      %gather3A_1728 = tpu.dynamic_gather %select_n3A_1715[%gather3A_1727] in [0] : vector<16xf32>, vector<16xi32> -> vector<16xf32>
      %max3A_1729 = arith.maximumf %select_n3A_1715, %gather3A_1728 : vector<16xf32>
      %xor3A_1730 = arith.constant 4 : i32
      %xor3A_1731 = vector.broadcast %xor3A_1730 : i32 to vector<16xi32>
      %xor3A_1732 = arith.xori %iota3A, %xor3A_1731 : vector<16xi32>
      %lt3A_1733 = arith.constant 0 : i32
      %lt3A_1734 = vector.broadcast %lt3A_1733 : i32 to vector<16xi32>
      %lt3A_1735 = arith.cmpi slt, %xor3A_1732, %lt3A_1734 : vector<16xi32>
      %add3A_1736 = arith.constant 16 : i32
      %add3A_1737 = vector.broadcast %add3A_1736 : i32 to vector<16xi32>
      %add3A_1738 = arith.addi %xor3A_1732, %add3A_1737 : vector<16xi32>
      %select_n3A_1739 = arith.select %lt3A_1735, %add3A_1738, %xor3A_1732 : vector<16xi1>, vector<16xi32>
      %broadcast_in_dim3A_1740 = vector.shape_cast %select_n3A_1739 : vector<16xi32> to vector<16x1xi32>
      %gather3A_1741 = vector.shape_cast %broadcast_in_dim3A_1740 : vector<16x1xi32> to vector<16xi32>
      %gather3A_1742 = tpu.dynamic_gather %max3A_1729[%gather3A_1741] in [0] : vector<16xf32>, vector<16xi32> -> vector<16xf32>
      %max3A_1743 = arith.maximumf %max3A_1729, %gather3A_1742 : vector<16xf32>
      %xor3A_1744 = arith.constant 2 : i32
      %xor3A_1745 = vector.broadcast %xor3A_1744 : i32 to vector<16xi32>
      %xor3A_1746 = arith.xori %iota3A, %xor3A_1745 : vector<16xi32>
      %lt3A_1747 = arith.constant 0 : i32
      %lt3A_1748 = vector.broadcast %lt3A_1747 : i32 to vector<16xi32>
      %lt3A_1749 = arith.cmpi slt, %xor3A_1746, %lt3A_1748 : vector<16xi32>
      %add3A_1750 = arith.constant 16 : i32
      %add3A_1751 = vector.broadcast %add3A_1750 : i32 to vector<16xi32>
      %add3A_1752 = arith.addi %xor3A_1746, %add3A_1751 : vector<16xi32>
      %select_n3A_1753 = arith.select %lt3A_1749, %add3A_1752, %xor3A_1746 : vector<16xi1>, vector<16xi32>
      %broadcast_in_dim3A_1754 = vector.shape_cast %select_n3A_1753 : vector<16xi32> to vector<16x1xi32>
      %gather3A_1755 = vector.shape_cast %broadcast_in_dim3A_1754 : vector<16x1xi32> to vector<16xi32>
      %gather3A_1756 = tpu.dynamic_gather %max3A_1743[%gather3A_1755] in [0] : vector<16xf32>, vector<16xi32> -> vector<16xf32>
      %max3A_1757 = arith.maximumf %max3A_1743, %gather3A_1756 : vector<16xf32>
      %xor3A_1758 = arith.constant 1 : i32
      %xor3A_1759 = vector.broadcast %xor3A_1758 : i32 to vector<16xi32>
      %xor3A_1760 = arith.xori %iota3A, %xor3A_1759 : vector<16xi32>
      %lt3A_1761 = arith.constant 0 : i32
      %lt3A_1762 = vector.broadcast %lt3A_1761 : i32 to vector<16xi32>
      %lt3A_1763 = arith.cmpi slt, %xor3A_1760, %lt3A_1762 : vector<16xi32>
      %add3A_1764 = arith.constant 16 : i32
      %add3A_1765 = vector.broadcast %add3A_1764 : i32 to vector<16xi32>
      %add3A_1766 = arith.addi %xor3A_1760, %add3A_1765 : vector<16xi32>
      %select_n3A_1767 = arith.select %lt3A_1763, %add3A_1766, %xor3A_1760 : vector<16xi1>, vector<16xi32>
      %broadcast_in_dim3A_1768 = vector.shape_cast %select_n3A_1767 : vector<16xi32> to vector<16x1xi32>
      %gather3A_1769 = vector.shape_cast %broadcast_in_dim3A_1768 : vector<16x1xi32> to vector<16xi32>
      %gather3A_1770 = tpu.dynamic_gather %max3A_1757[%gather3A_1769] in [0] : vector<16xf32>, vector<16xi32> -> vector<16xf32>
      %max3A_1771 = arith.maximumf %max3A_1757, %gather3A_1770 : vector<16xf32>
      %eq3A_1772 = arith.cmpf oeq, %select_n3A_1715, %max3A_1771 : vector<16xf32>
      %jit3A_1773 = arith.constant 16 : i32
      %broadcast_in_dim3A_1774 = vector.broadcast %jit3A_1773 : i32 to vector<16xi32>
      %select_n3A_1775 = arith.select %eq3A_1772, %iota3A, %broadcast_in_dim3A_1774 : vector<16xi1>, vector<16xi32>
      %xor3A_1776 = arith.constant 8 : i32
      %xor3A_1777 = vector.broadcast %xor3A_1776 : i32 to vector<16xi32>
      %xor3A_1778 = arith.xori %iota3A, %xor3A_1777 : vector<16xi32>
      %lt3A_1779 = arith.constant 0 : i32
      %lt3A_1780 = vector.broadcast %lt3A_1779 : i32 to vector<16xi32>
      %lt3A_1781 = arith.cmpi slt, %xor3A_1778, %lt3A_1780 : vector<16xi32>
      %add3A_1782 = arith.constant 16 : i32
      %add3A_1783 = vector.broadcast %add3A_1782 : i32 to vector<16xi32>
      %add3A_1784 = arith.addi %xor3A_1778, %add3A_1783 : vector<16xi32>
      %select_n3A_1785 = arith.select %lt3A_1781, %add3A_1784, %xor3A_1778 : vector<16xi1>, vector<16xi32>
      %broadcast_in_dim3A_1786 = vector.shape_cast %select_n3A_1785 : vector<16xi32> to vector<16x1xi32>
      %gather3A_1787 = vector.shape_cast %broadcast_in_dim3A_1786 : vector<16x1xi32> to vector<16xi32>
      %gather3A_1788 = tpu.dynamic_gather %select_n3A_1775[%gather3A_1787] in [0] : vector<16xi32>, vector<16xi32> -> vector<16xi32>
      %min3A_1789 = arith.minsi %select_n3A_1775, %gather3A_1788 : vector<16xi32>
      %xor3A_1790 = arith.constant 4 : i32
      %xor3A_1791 = vector.broadcast %xor3A_1790 : i32 to vector<16xi32>
      %xor3A_1792 = arith.xori %iota3A, %xor3A_1791 : vector<16xi32>
      %lt3A_1793 = arith.constant 0 : i32
      %lt3A_1794 = vector.broadcast %lt3A_1793 : i32 to vector<16xi32>
      %lt3A_1795 = arith.cmpi slt, %xor3A_1792, %lt3A_1794 : vector<16xi32>
      %add3A_1796 = arith.constant 16 : i32
      %add3A_1797 = vector.broadcast %add3A_1796 : i32 to vector<16xi32>
      %add3A_1798 = arith.addi %xor3A_1792, %add3A_1797 : vector<16xi32>
      %select_n3A_1799 = arith.select %lt3A_1795, %add3A_1798, %xor3A_1792 : vector<16xi1>, vector<16xi32>
      %broadcast_in_dim3A_1800 = vector.shape_cast %select_n3A_1799 : vector<16xi32> to vector<16x1xi32>
      %gather3A_1801 = vector.shape_cast %broadcast_in_dim3A_1800 : vector<16x1xi32> to vector<16xi32>
      %gather3A_1802 = tpu.dynamic_gather %min3A_1789[%gather3A_1801] in [0] : vector<16xi32>, vector<16xi32> -> vector<16xi32>
      %min3A_1803 = arith.minsi %min3A_1789, %gather3A_1802 : vector<16xi32>
      %xor3A_1804 = arith.constant 2 : i32
      %xor3A_1805 = vector.broadcast %xor3A_1804 : i32 to vector<16xi32>
      %xor3A_1806 = arith.xori %iota3A, %xor3A_1805 : vector<16xi32>
      %lt3A_1807 = arith.constant 0 : i32
      %lt3A_1808 = vector.broadcast %lt3A_1807 : i32 to vector<16xi32>
      %lt3A_1809 = arith.cmpi slt, %xor3A_1806, %lt3A_1808 : vector<16xi32>
      %add3A_1810 = arith.constant 16 : i32
      %add3A_1811 = vector.broadcast %add3A_1810 : i32 to vector<16xi32>
      %add3A_1812 = arith.addi %xor3A_1806, %add3A_1811 : vector<16xi32>
      %select_n3A_1813 = arith.select %lt3A_1809, %add3A_1812, %xor3A_1806 : vector<16xi1>, vector<16xi32>
      %broadcast_in_dim3A_1814 = vector.shape_cast %select_n3A_1813 : vector<16xi32> to vector<16x1xi32>
      %gather3A_1815 = vector.shape_cast %broadcast_in_dim3A_1814 : vector<16x1xi32> to vector<16xi32>
      %gather3A_1816 = tpu.dynamic_gather %min3A_1803[%gather3A_1815] in [0] : vector<16xi32>, vector<16xi32> -> vector<16xi32>
      %min3A_1817 = arith.minsi %min3A_1803, %gather3A_1816 : vector<16xi32>
      %xor3A_1818 = arith.constant 1 : i32
      %xor3A_1819 = vector.broadcast %xor3A_1818 : i32 to vector<16xi32>
      %xor3A_1820 = arith.xori %iota3A, %xor3A_1819 : vector<16xi32>
      %lt3A_1821 = arith.constant 0 : i32
      %lt3A_1822 = vector.broadcast %lt3A_1821 : i32 to vector<16xi32>
      %lt3A_1823 = arith.cmpi slt, %xor3A_1820, %lt3A_1822 : vector<16xi32>
      %add3A_1824 = arith.constant 16 : i32
      %add3A_1825 = vector.broadcast %add3A_1824 : i32 to vector<16xi32>
      %add3A_1826 = arith.addi %xor3A_1820, %add3A_1825 : vector<16xi32>
      %select_n3A_1827 = arith.select %lt3A_1823, %add3A_1826, %xor3A_1820 : vector<16xi1>, vector<16xi32>
      %broadcast_in_dim3A_1828 = vector.shape_cast %select_n3A_1827 : vector<16xi32> to vector<16x1xi32>
      %gather3A_1829 = vector.shape_cast %broadcast_in_dim3A_1828 : vector<16x1xi32> to vector<16xi32>
      %gather3A_1830 = tpu.dynamic_gather %min3A_1817[%gather3A_1829] in [0] : vector<16xi32>, vector<16xi32> -> vector<16xi32>
      %min3A_1831 = arith.minsi %min3A_1817, %gather3A_1830 : vector<16xi32>
      %sub3A_1832 = arith.subf %max3A_1771, %max3A_1651 : vector<16xf32>
      %exp3A_1833 = math.exp %sub3A_1832 : vector<16xf32>
      %add3A_1834 = arith.constant 1.000000e+00 : f32
      %add3A_1835 = vector.broadcast %add3A_1834 : f32 to vector<16xf32>
      %add3A_1836 = arith.addf %add3A_1835, %exp3A_1833 : vector<16xf32>
      %div3A_1837 = arith.constant 1.000000e+00 : f32
      %div3A_1838 = vector.broadcast %div3A_1837 : f32 to vector<16xf32>
      %div3A_1839 = arith.divf %div3A_1838, %add3A_1836 : vector<16xf32>
      %eq3A_1840 = arith.cmpi eq, %iota3A, %min3A_1711 : vector<16xi32>
      %jit3A_1841 = arith.constant 0.000000e+00 : f32
      %broadcast_in_dim3A_1842 = vector.broadcast %jit3A_1841 : f32 to vector<16xf32>
      %select_n3A_1843 = arith.select %eq3A_1840, %div3A_1839, %broadcast_in_dim3A_1842 : vector<16xi1>, vector<16xf32>
      %eq3A_1844 = arith.cmpi eq, %iota3A, %min3A_1831 : vector<16xi32>
      %sub3A_1845 = arith.constant 1.000000e+00 : f32
      %sub3A_1846 = vector.broadcast %sub3A_1845 : f32 to vector<16xf32>
      %sub3A_1847 = arith.subf %sub3A_1846, %div3A_1839 : vector<16xf32>
      %jit3A_1848 = arith.constant 0.000000e+00 : f32
      %broadcast_in_dim3A_1849 = vector.broadcast %jit3A_1848 : f32 to vector<16xf32>
      %select_n3A_1850 = arith.select %eq3A_1844, %sub3A_1847, %broadcast_in_dim3A_1849 : vector<16xi1>, vector<16xf32>
      %add3A_1851 = arith.addf %select_n3A_1843, %select_n3A_1850 : vector<16xf32>
      %swap3A_1852 = arith.constant 6 : i32
      %swap3A_1853 = arith.index_cast %swap3A_1852 : i32 to index
      %swap3A_1854 = arith.constant 0 : index
      %swap3A_1855 = tpu.vector_load %arg5[%swap3A_1853, %swap3A_1854] {strides = array<i32>} : memref<8x16xf32, #tpu.memory_space<vmem>>, vector<1x16xf32>,
      %swap3A_1856 = vector.shape_cast %swap3A_1855 : vector<1x16xf32> to vector<16xf32>
      %swap3A_1857 = vector.shape_cast %add3A_1851 : vector<16xf32> to vector<1x16xf32>
      tpu.vector_store %arg5[%swap3A_1853, %swap3A_1854], %swap3A_1857 {strides = array<i32>} : memref<8x16xf32, #tpu.memory_space<vmem>>, vector<1x16xf32>,
      %get3A_1858 = arith.constant 7 : i32
      %get3A_1859 = arith.index_cast %get3A_1858 : i32 to index
      %get3A_1860 = arith.constant 0 : index
      %get3A_1861 = tpu.vector_load %arg4[%get3A_1859, %get3A_1860] {strides = array<i32>} : memref<8x16xf32, #tpu.memory_space<vmem>>, vector<1x16xf32>,
      %get3A_1862 = vector.shape_cast %get3A_1861 : vector<1x16xf32> to vector<16xf32>
      %xor3A_1863 = arith.constant 8 : i32
      %xor3A_1864 = vector.broadcast %xor3A_1863 : i32 to vector<16xi32>
      %xor3A_1865 = arith.xori %iota3A, %xor3A_1864 : vector<16xi32>
      %lt3A_1866 = arith.constant 0 : i32
      %lt3A_1867 = vector.broadcast %lt3A_1866 : i32 to vector<16xi32>
      %lt3A_1868 = arith.cmpi slt, %xor3A_1865, %lt3A_1867 : vector<16xi32>
      %add3A_1869 = arith.constant 16 : i32
      %add3A_1870 = vector.broadcast %add3A_1869 : i32 to vector<16xi32>
      %add3A_1871 = arith.addi %xor3A_1865, %add3A_1870 : vector<16xi32>
      %select_n3A_1872 = arith.select %lt3A_1868, %add3A_1871, %xor3A_1865 : vector<16xi1>, vector<16xi32>
      %broadcast_in_dim3A_1873 = vector.shape_cast %select_n3A_1872 : vector<16xi32> to vector<16x1xi32>
      %gather3A_1874 = vector.shape_cast %broadcast_in_dim3A_1873 : vector<16x1xi32> to vector<16xi32>
      %gather3A_1875 = tpu.dynamic_gather %get3A_1862[%gather3A_1874] in [0] : vector<16xf32>, vector<16xi32> -> vector<16xf32>
      %max3A_1876 = arith.maximumf %get3A_1862, %gather3A_1875 : vector<16xf32>
      %xor3A_1877 = arith.constant 4 : i32
      %xor3A_1878 = vector.broadcast %xor3A_1877 : i32 to vector<16xi32>
      %xor3A_1879 = arith.xori %iota3A, %xor3A_1878 : vector<16xi32>
      %lt3A_1880 = arith.constant 0 : i32
      %lt3A_1881 = vector.broadcast %lt3A_1880 : i32 to vector<16xi32>
      %lt3A_1882 = arith.cmpi slt, %xor3A_1879, %lt3A_1881 : vector<16xi32>
      %add3A_1883 = arith.constant 16 : i32
      %add3A_1884 = vector.broadcast %add3A_1883 : i32 to vector<16xi32>
      %add3A_1885 = arith.addi %xor3A_1879, %add3A_1884 : vector<16xi32>
      %select_n3A_1886 = arith.select %lt3A_1882, %add3A_1885, %xor3A_1879 : vector<16xi1>, vector<16xi32>
      %broadcast_in_dim3A_1887 = vector.shape_cast %select_n3A_1886 : vector<16xi32> to vector<16x1xi32>
      %gather3A_1888 = vector.shape_cast %broadcast_in_dim3A_1887 : vector<16x1xi32> to vector<16xi32>
      %gather3A_1889 = tpu.dynamic_gather %max3A_1876[%gather3A_1888] in [0] : vector<16xf32>, vector<16xi32> -> vector<16xf32>
      %max3A_1890 = arith.maximumf %max3A_1876, %gather3A_1889 : vector<16xf32>
      %xor3A_1891 = arith.constant 2 : i32
      %xor3A_1892 = vector.broadcast %xor3A_1891 : i32 to vector<16xi32>
      %xor3A_1893 = arith.xori %iota3A, %xor3A_1892 : vector<16xi32>
      %lt3A_1894 = arith.constant 0 : i32
      %lt3A_1895 = vector.broadcast %lt3A_1894 : i32 to vector<16xi32>
      %lt3A_1896 = arith.cmpi slt, %xor3A_1893, %lt3A_1895 : vector<16xi32>
      %add3A_1897 = arith.constant 16 : i32
      %add3A_1898 = vector.broadcast %add3A_1897 : i32 to vector<16xi32>
      %add3A_1899 = arith.addi %xor3A_1893, %add3A_1898 : vector<16xi32>
      %select_n3A_1900 = arith.select %lt3A_1896, %add3A_1899, %xor3A_1893 : vector<16xi1>, vector<16xi32>
      %broadcast_in_dim3A_1901 = vector.shape_cast %select_n3A_1900 : vector<16xi32> to vector<16x1xi32>
      %gather3A_1902 = vector.shape_cast %broadcast_in_dim3A_1901 : vector<16x1xi32> to vector<16xi32>
      %gather3A_1903 = tpu.dynamic_gather %max3A_1890[%gather3A_1902] in [0] : vector<16xf32>, vector<16xi32> -> vector<16xf32>
      %max3A_1904 = arith.maximumf %max3A_1890, %gather3A_1903 : vector<16xf32>
      %xor3A_1905 = arith.constant 1 : i32
      %xor3A_1906 = vector.broadcast %xor3A_1905 : i32 to vector<16xi32>
      %xor3A_1907 = arith.xori %iota3A, %xor3A_1906 : vector<16xi32>
      %lt3A_1908 = arith.constant 0 : i32
      %lt3A_1909 = vector.broadcast %lt3A_1908 : i32 to vector<16xi32>
      %lt3A_1910 = arith.cmpi slt, %xor3A_1907, %lt3A_1909 : vector<16xi32>
      %add3A_1911 = arith.constant 16 : i32
      %add3A_1912 = vector.broadcast %add3A_1911 : i32 to vector<16xi32>
      %add3A_1913 = arith.addi %xor3A_1907, %add3A_1912 : vector<16xi32>
      %select_n3A_1914 = arith.select %lt3A_1910, %add3A_1913, %xor3A_1907 : vector<16xi1>, vector<16xi32>
      %broadcast_in_dim3A_1915 = vector.shape_cast %select_n3A_1914 : vector<16xi32> to vector<16x1xi32>
      %gather3A_1916 = vector.shape_cast %broadcast_in_dim3A_1915 : vector<16x1xi32> to vector<16xi32>
      %gather3A_1917 = tpu.dynamic_gather %max3A_1904[%gather3A_1916] in [0] : vector<16xf32>, vector<16xi32> -> vector<16xf32>
      %max3A_1918 = arith.maximumf %max3A_1904, %gather3A_1917 : vector<16xf32>
      %eq3A_1919 = arith.cmpf oeq, %get3A_1862, %max3A_1918 : vector<16xf32>
      %jit3A_1920 = arith.constant 16 : i32
      %broadcast_in_dim3A_1921 = vector.broadcast %jit3A_1920 : i32 to vector<16xi32>
      %select_n3A_1922 = arith.select %eq3A_1919, %iota3A, %broadcast_in_dim3A_1921 : vector<16xi1>, vector<16xi32>
      %xor3A_1923 = arith.constant 8 : i32
      %xor3A_1924 = vector.broadcast %xor3A_1923 : i32 to vector<16xi32>
      %xor3A_1925 = arith.xori %iota3A, %xor3A_1924 : vector<16xi32>
      %lt3A_1926 = arith.constant 0 : i32
      %lt3A_1927 = vector.broadcast %lt3A_1926 : i32 to vector<16xi32>
      %lt3A_1928 = arith.cmpi slt, %xor3A_1925, %lt3A_1927 : vector<16xi32>
      %add3A_1929 = arith.constant 16 : i32
      %add3A_1930 = vector.broadcast %add3A_1929 : i32 to vector<16xi32>
      %add3A_1931 = arith.addi %xor3A_1925, %add3A_1930 : vector<16xi32>
      %select_n3A_1932 = arith.select %lt3A_1928, %add3A_1931, %xor3A_1925 : vector<16xi1>, vector<16xi32>
      %broadcast_in_dim3A_1933 = vector.shape_cast %select_n3A_1932 : vector<16xi32> to vector<16x1xi32>
      %gather3A_1934 = vector.shape_cast %broadcast_in_dim3A_1933 : vector<16x1xi32> to vector<16xi32>
      %gather3A_1935 = tpu.dynamic_gather %select_n3A_1922[%gather3A_1934] in [0] : vector<16xi32>, vector<16xi32> -> vector<16xi32>
      %min3A_1936 = arith.minsi %select_n3A_1922, %gather3A_1935 : vector<16xi32>
      %xor3A_1937 = arith.constant 4 : i32
      %xor3A_1938 = vector.broadcast %xor3A_1937 : i32 to vector<16xi32>
      %xor3A_1939 = arith.xori %iota3A, %xor3A_1938 : vector<16xi32>
      %lt3A_1940 = arith.constant 0 : i32
      %lt3A_1941 = vector.broadcast %lt3A_1940 : i32 to vector<16xi32>
      %lt3A_1942 = arith.cmpi slt, %xor3A_1939, %lt3A_1941 : vector<16xi32>
      %add3A_1943 = arith.constant 16 : i32
      %add3A_1944 = vector.broadcast %add3A_1943 : i32 to vector<16xi32>
      %add3A_1945 = arith.addi %xor3A_1939, %add3A_1944 : vector<16xi32>
      %select_n3A_1946 = arith.select %lt3A_1942, %add3A_1945, %xor3A_1939 : vector<16xi1>, vector<16xi32>
      %broadcast_in_dim3A_1947 = vector.shape_cast %select_n3A_1946 : vector<16xi32> to vector<16x1xi32>
      %gather3A_1948 = vector.shape_cast %broadcast_in_dim3A_1947 : vector<16x1xi32> to vector<16xi32>
      %gather3A_1949 = tpu.dynamic_gather %min3A_1936[%gather3A_1948] in [0] : vector<16xi32>, vector<16xi32> -> vector<16xi32>
      %min3A_1950 = arith.minsi %min3A_1936, %gather3A_1949 : vector<16xi32>
      %xor3A_1951 = arith.constant 2 : i32
      %xor3A_1952 = vector.broadcast %xor3A_1951 : i32 to vector<16xi32>
      %xor3A_1953 = arith.xori %iota3A, %xor3A_1952 : vector<16xi32>
      %lt3A_1954 = arith.constant 0 : i32
      %lt3A_1955 = vector.broadcast %lt3A_1954 : i32 to vector<16xi32>
      %lt3A_1956 = arith.cmpi slt, %xor3A_1953, %lt3A_1955 : vector<16xi32>
      %add3A_1957 = arith.constant 16 : i32
      %add3A_1958 = vector.broadcast %add3A_1957 : i32 to vector<16xi32>
      %add3A_1959 = arith.addi %xor3A_1953, %add3A_1958 : vector<16xi32>
      %select_n3A_1960 = arith.select %lt3A_1956, %add3A_1959, %xor3A_1953 : vector<16xi1>, vector<16xi32>
      %broadcast_in_dim3A_1961 = vector.shape_cast %select_n3A_1960 : vector<16xi32> to vector<16x1xi32>
      %gather3A_1962 = vector.shape_cast %broadcast_in_dim3A_1961 : vector<16x1xi32> to vector<16xi32>
      %gather3A_1963 = tpu.dynamic_gather %min3A_1950[%gather3A_1962] in [0] : vector<16xi32>, vector<16xi32> -> vector<16xi32>
      %min3A_1964 = arith.minsi %min3A_1950, %gather3A_1963 : vector<16xi32>
      %xor3A_1965 = arith.constant 1 : i32
      %xor3A_1966 = vector.broadcast %xor3A_1965 : i32 to vector<16xi32>
      %xor3A_1967 = arith.xori %iota3A, %xor3A_1966 : vector<16xi32>
      %lt3A_1968 = arith.constant 0 : i32
      %lt3A_1969 = vector.broadcast %lt3A_1968 : i32 to vector<16xi32>
      %lt3A_1970 = arith.cmpi slt, %xor3A_1967, %lt3A_1969 : vector<16xi32>
      %add3A_1971 = arith.constant 16 : i32
      %add3A_1972 = vector.broadcast %add3A_1971 : i32 to vector<16xi32>
      %add3A_1973 = arith.addi %xor3A_1967, %add3A_1972 : vector<16xi32>
      %select_n3A_1974 = arith.select %lt3A_1970, %add3A_1973, %xor3A_1967 : vector<16xi1>, vector<16xi32>
      %broadcast_in_dim3A_1975 = vector.shape_cast %select_n3A_1974 : vector<16xi32> to vector<16x1xi32>
      %gather3A_1976 = vector.shape_cast %broadcast_in_dim3A_1975 : vector<16x1xi32> to vector<16xi32>
      %gather3A_1977 = tpu.dynamic_gather %min3A_1964[%gather3A_1976] in [0] : vector<16xi32>, vector<16xi32> -> vector<16xi32>
      %min3A_1978 = arith.minsi %min3A_1964, %gather3A_1977 : vector<16xi32>
      %eq3A_1979 = arith.cmpi eq, %iota3A, %min3A_1978 : vector<16xi32>
      %jit3A_1980 = arith.constant -1.000000e+30 : f32
      %broadcast_in_dim3A_1981 = vector.broadcast %jit3A_1980 : f32 to vector<16xf32>
      %select_n3A_1982 = arith.select %eq3A_1979, %broadcast_in_dim3A_1981, %get3A_1862 : vector<16xi1>, vector<16xf32>
      %xor3A_1983 = arith.constant 8 : i32
      %xor3A_1984 = vector.broadcast %xor3A_1983 : i32 to vector<16xi32>
      %xor3A_1985 = arith.xori %iota3A, %xor3A_1984 : vector<16xi32>
      %lt3A_1986 = arith.constant 0 : i32
      %lt3A_1987 = vector.broadcast %lt3A_1986 : i32 to vector<16xi32>
      %lt3A_1988 = arith.cmpi slt, %xor3A_1985, %lt3A_1987 : vector<16xi32>
      %add3A_1989 = arith.constant 16 : i32
      %add3A_1990 = vector.broadcast %add3A_1989 : i32 to vector<16xi32>
      %add3A_1991 = arith.addi %xor3A_1985, %add3A_1990 : vector<16xi32>
      %select_n3A_1992 = arith.select %lt3A_1988, %add3A_1991, %xor3A_1985 : vector<16xi1>, vector<16xi32>
      %broadcast_in_dim3A_1993 = vector.shape_cast %select_n3A_1992 : vector<16xi32> to vector<16x1xi32>
      %gather3A_1994 = vector.shape_cast %broadcast_in_dim3A_1993 : vector<16x1xi32> to vector<16xi32>
      %gather3A_1995 = tpu.dynamic_gather %select_n3A_1982[%gather3A_1994] in [0] : vector<16xf32>, vector<16xi32> -> vector<16xf32>
      %max3A_1996 = arith.maximumf %select_n3A_1982, %gather3A_1995 : vector<16xf32>
      %xor3A_1997 = arith.constant 4 : i32
      %xor3A_1998 = vector.broadcast %xor3A_1997 : i32 to vector<16xi32>
      %xor3A_1999 = arith.xori %iota3A, %xor3A_1998 : vector<16xi32>
      %lt3A_2000 = arith.constant 0 : i32
      %lt3A_2001 = vector.broadcast %lt3A_2000 : i32 to vector<16xi32>
      %lt3A_2002 = arith.cmpi slt, %xor3A_1999, %lt3A_2001 : vector<16xi32>
      %add3A_2003 = arith.constant 16 : i32
      %add3A_2004 = vector.broadcast %add3A_2003 : i32 to vector<16xi32>
      %add3A_2005 = arith.addi %xor3A_1999, %add3A_2004 : vector<16xi32>
      %select_n3A_2006 = arith.select %lt3A_2002, %add3A_2005, %xor3A_1999 : vector<16xi1>, vector<16xi32>
      %broadcast_in_dim3A_2007 = vector.shape_cast %select_n3A_2006 : vector<16xi32> to vector<16x1xi32>
      %gather3A_2008 = vector.shape_cast %broadcast_in_dim3A_2007 : vector<16x1xi32> to vector<16xi32>
      %gather3A_2009 = tpu.dynamic_gather %max3A_1996[%gather3A_2008] in [0] : vector<16xf32>, vector<16xi32> -> vector<16xf32>
      %max3A_2010 = arith.maximumf %max3A_1996, %gather3A_2009 : vector<16xf32>
      %xor3A_2011 = arith.constant 2 : i32
      %xor3A_2012 = vector.broadcast %xor3A_2011 : i32 to vector<16xi32>
      %xor3A_2013 = arith.xori %iota3A, %xor3A_2012 : vector<16xi32>
      %lt3A_2014 = arith.constant 0 : i32
      %lt3A_2015 = vector.broadcast %lt3A_2014 : i32 to vector<16xi32>
      %lt3A_2016 = arith.cmpi slt, %xor3A_2013, %lt3A_2015 : vector<16xi32>
      %add3A_2017 = arith.constant 16 : i32
      %add3A_2018 = vector.broadcast %add3A_2017 : i32 to vector<16xi32>
      %add3A_2019 = arith.addi %xor3A_2013, %add3A_2018 : vector<16xi32>
      %select_n3A_2020 = arith.select %lt3A_2016, %add3A_2019, %xor3A_2013 : vector<16xi1>, vector<16xi32>
      %broadcast_in_dim3A_2021 = vector.shape_cast %select_n3A_2020 : vector<16xi32> to vector<16x1xi32>
      %gather3A_2022 = vector.shape_cast %broadcast_in_dim3A_2021 : vector<16x1xi32> to vector<16xi32>
      %gather3A_2023 = tpu.dynamic_gather %max3A_2010[%gather3A_2022] in [0] : vector<16xf32>, vector<16xi32> -> vector<16xf32>
      %max3A_2024 = arith.maximumf %max3A_2010, %gather3A_2023 : vector<16xf32>
      %xor3A_2025 = arith.constant 1 : i32
      %xor3A_2026 = vector.broadcast %xor3A_2025 : i32 to vector<16xi32>
      %xor3A_2027 = arith.xori %iota3A, %xor3A_2026 : vector<16xi32>
      %lt3A_2028 = arith.constant 0 : i32
      %lt3A_2029 = vector.broadcast %lt3A_2028 : i32 to vector<16xi32>
      %lt3A_2030 = arith.cmpi slt, %xor3A_2027, %lt3A_2029 : vector<16xi32>
      %add3A_2031 = arith.constant 16 : i32
      %add3A_2032 = vector.broadcast %add3A_2031 : i32 to vector<16xi32>
      %add3A_2033 = arith.addi %xor3A_2027, %add3A_2032 : vector<16xi32>
      %select_n3A_2034 = arith.select %lt3A_2030, %add3A_2033, %xor3A_2027 : vector<16xi1>, vector<16xi32>
      %broadcast_in_dim3A_2035 = vector.shape_cast %select_n3A_2034 : vector<16xi32> to vector<16x1xi32>
      %gather3A_2036 = vector.shape_cast %broadcast_in_dim3A_2035 : vector<16x1xi32> to vector<16xi32>
      %gather3A_2037 = tpu.dynamic_gather %max3A_2024[%gather3A_2036] in [0] : vector<16xf32>, vector<16xi32> -> vector<16xf32>
      %max3A_2038 = arith.maximumf %max3A_2024, %gather3A_2037 : vector<16xf32>
      %eq3A_2039 = arith.cmpf oeq, %select_n3A_1982, %max3A_2038 : vector<16xf32>
      %jit3A_2040 = arith.constant 16 : i32
      %broadcast_in_dim3A_2041 = vector.broadcast %jit3A_2040 : i32 to vector<16xi32>
      %select_n3A_2042 = arith.select %eq3A_2039, %iota3A, %broadcast_in_dim3A_2041 : vector<16xi1>, vector<16xi32>
      %xor3A_2043 = arith.constant 8 : i32
      %xor3A_2044 = vector.broadcast %xor3A_2043 : i32 to vector<16xi32>
      %xor3A_2045 = arith.xori %iota3A, %xor3A_2044 : vector<16xi32>
      %lt3A_2046 = arith.constant 0 : i32
      %lt3A_2047 = vector.broadcast %lt3A_2046 : i32 to vector<16xi32>
      %lt3A_2048 = arith.cmpi slt, %xor3A_2045, %lt3A_2047 : vector<16xi32>
      %add3A_2049 = arith.constant 16 : i32
      %add3A_2050 = vector.broadcast %add3A_2049 : i32 to vector<16xi32>
      %add3A_2051 = arith.addi %xor3A_2045, %add3A_2050 : vector<16xi32>
      %select_n3A_2052 = arith.select %lt3A_2048, %add3A_2051, %xor3A_2045 : vector<16xi1>, vector<16xi32>
      %broadcast_in_dim3A_2053 = vector.shape_cast %select_n3A_2052 : vector<16xi32> to vector<16x1xi32>
      %gather3A_2054 = vector.shape_cast %broadcast_in_dim3A_2053 : vector<16x1xi32> to vector<16xi32>
      %gather3A_2055 = tpu.dynamic_gather %select_n3A_2042[%gather3A_2054] in [0] : vector<16xi32>, vector<16xi32> -> vector<16xi32>
      %min3A_2056 = arith.minsi %select_n3A_2042, %gather3A_2055 : vector<16xi32>
      %xor3A_2057 = arith.constant 4 : i32
      %xor3A_2058 = vector.broadcast %xor3A_2057 : i32 to vector<16xi32>
      %xor3A_2059 = arith.xori %iota3A, %xor3A_2058 : vector<16xi32>
      %lt3A_2060 = arith.constant 0 : i32
      %lt3A_2061 = vector.broadcast %lt3A_2060 : i32 to vector<16xi32>
      %lt3A_2062 = arith.cmpi slt, %xor3A_2059, %lt3A_2061 : vector<16xi32>
      %add3A_2063 = arith.constant 16 : i32
      %add3A_2064 = vector.broadcast %add3A_2063 : i32 to vector<16xi32>
      %add3A_2065 = arith.addi %xor3A_2059, %add3A_2064 : vector<16xi32>
      %select_n3A_2066 = arith.select %lt3A_2062, %add3A_2065, %xor3A_2059 : vector<16xi1>, vector<16xi32>
      %broadcast_in_dim3A_2067 = vector.shape_cast %select_n3A_2066 : vector<16xi32> to vector<16x1xi32>
      %gather3A_2068 = vector.shape_cast %broadcast_in_dim3A_2067 : vector<16x1xi32> to vector<16xi32>
      %gather3A_2069 = tpu.dynamic_gather %min3A_2056[%gather3A_2068] in [0] : vector<16xi32>, vector<16xi32> -> vector<16xi32>
      %min3A_2070 = arith.minsi %min3A_2056, %gather3A_2069 : vector<16xi32>
      %xor3A_2071 = arith.constant 2 : i32
      %xor3A_2072 = vector.broadcast %xor3A_2071 : i32 to vector<16xi32>
      %xor3A_2073 = arith.xori %iota3A, %xor3A_2072 : vector<16xi32>
      %lt3A_2074 = arith.constant 0 : i32
      %lt3A_2075 = vector.broadcast %lt3A_2074 : i32 to vector<16xi32>
      %lt3A_2076 = arith.cmpi slt, %xor3A_2073, %lt3A_2075 : vector<16xi32>
      %add3A_2077 = arith.constant 16 : i32
      %add3A_2078 = vector.broadcast %add3A_2077 : i32 to vector<16xi32>
      %add3A_2079 = arith.addi %xor3A_2073, %add3A_2078 : vector<16xi32>
      %select_n3A_2080 = arith.select %lt3A_2076, %add3A_2079, %xor3A_2073 : vector<16xi1>, vector<16xi32>
      %broadcast_in_dim3A_2081 = vector.shape_cast %select_n3A_2080 : vector<16xi32> to vector<16x1xi32>
      %gather3A_2082 = vector.shape_cast %broadcast_in_dim3A_2081 : vector<16x1xi32> to vector<16xi32>
      %gather3A_2083 = tpu.dynamic_gather %min3A_2070[%gather3A_2082] in [0] : vector<16xi32>, vector<16xi32> -> vector<16xi32>
      %min3A_2084 = arith.minsi %min3A_2070, %gather3A_2083 : vector<16xi32>
      %xor3A_2085 = arith.constant 1 : i32
      %xor3A_2086 = vector.broadcast %xor3A_2085 : i32 to vector<16xi32>
      %xor3A_2087 = arith.xori %iota3A, %xor3A_2086 : vector<16xi32>
      %lt3A_2088 = arith.constant 0 : i32
      %lt3A_2089 = vector.broadcast %lt3A_2088 : i32 to vector<16xi32>
      %lt3A_2090 = arith.cmpi slt, %xor3A_2087, %lt3A_2089 : vector<16xi32>
      %add3A_2091 = arith.constant 16 : i32
      %add3A_2092 = vector.broadcast %add3A_2091 : i32 to vector<16xi32>
      %add3A_2093 = arith.addi %xor3A_2087, %add3A_2092 : vector<16xi32>
      %select_n3A_2094 = arith.select %lt3A_2090, %add3A_2093, %xor3A_2087 : vector<16xi1>, vector<16xi32>
      %broadcast_in_dim3A_2095 = vector.shape_cast %select_n3A_2094 : vector<16xi32> to vector<16x1xi32>
      %gather3A_2096 = vector.shape_cast %broadcast_in_dim3A_2095 : vector<16x1xi32> to vector<16xi32>
      %gather3A_2097 = tpu.dynamic_gather %min3A_2084[%gather3A_2096] in [0] : vector<16xi32>, vector<16xi32> -> vector<16xi32>
      %min3A_2098 = arith.minsi %min3A_2084, %gather3A_2097 : vector<16xi32>
      %sub3A_2099 = arith.subf %max3A_2038, %max3A_1918 : vector<16xf32>
      %exp3A_2100 = math.exp %sub3A_2099 : vector<16xf32>
      %add3A_2101 = arith.constant 1.000000e+00 : f32
      %add3A_2102 = vector.broadcast %add3A_2101 : f32 to vector<16xf32>
      %add3A_2103 = arith.addf %add3A_2102, %exp3A_2100 : vector<16xf32>
      %div3A_2104 = arith.constant 1.000000e+00 : f32
      %div3A_2105 = vector.broadcast %div3A_2104 : f32 to vector<16xf32>
      %div3A_2106 = arith.divf %div3A_2105, %add3A_2103 : vector<16xf32>
      %eq3A_2107 = arith.cmpi eq, %iota3A, %min3A_1978 : vector<16xi32>
      %jit3A_2108 = arith.constant 0.000000e+00 : f32
      %broadcast_in_dim3A_2109 = vector.broadcast %jit3A_2108 : f32 to vector<16xf32>
      %select_n3A_2110 = arith.select %eq3A_2107, %div3A_2106, %broadcast_in_dim3A_2109 : vector<16xi1>, vector<16xf32>
      %eq3A_2111 = arith.cmpi eq, %iota3A, %min3A_2098 : vector<16xi32>
      %sub3A_2112 = arith.constant 1.000000e+00 : f32
      %sub3A_2113 = vector.broadcast %sub3A_2112 : f32 to vector<16xf32>
      %sub3A_2114 = arith.subf %sub3A_2113, %div3A_2106 : vector<16xf32>
      %jit3A_2115 = arith.constant 0.000000e+00 : f32
      %broadcast_in_dim3A_2116 = vector.broadcast %jit3A_2115 : f32 to vector<16xf32>
      %select_n3A_2117 = arith.select %eq3A_2111, %sub3A_2114, %broadcast_in_dim3A_2116 : vector<16xi1>, vector<16xf32>
      %add3A_2118 = arith.addf %select_n3A_2110, %select_n3A_2117 : vector<16xf32>
      %swap3A_2119 = arith.constant 7 : i32
      %swap3A_2120 = arith.index_cast %swap3A_2119 : i32 to index
      %swap3A_2121 = arith.constant 0 : index
      %swap3A_2122 = tpu.vector_load %arg5[%swap3A_2120, %swap3A_2121] {strides = array<i32>} : memref<8x16xf32, #tpu.memory_space<vmem>>, vector<1x16xf32>,
      %swap3A_2123 = vector.shape_cast %swap3A_2122 : vector<1x16xf32> to vector<16xf32>
      %swap3A_2124 = vector.shape_cast %add3A_2118 : vector<16xf32> to vector<1x16xf32>
      tpu.vector_store %arg5[%swap3A_2120, %swap3A_2121], %swap3A_2124 {strides = array<i32>} : memref<8x16xf32, #tpu.memory_space<vmem>>, vector<1x16xf32>,
      "tpu.region"() ({
        %run_scoped3A = tpu.sem_alloc : memref<!tpu.dma_semaphore, #tpu.memory_space<semaphore_mem>>
        %dma_start3A = arith.constant 0 : i32
        %dma_start3A_2125 = tpu.memref_slice %arg3[%mul3A_2, %dma_start3A] : memref<128x16xf32, #tpu.memory_space<hbm>> -> memref<8x16xf32, #tpu.memory_space<hbm>>
        %dma_start3A_2126 = arith.constant 0 : i32
        %dma_start3A_2127 = tpu.memref_slice %arg3[%mul3A_2, %dma_start3A_2126] : memref<128x16xf32, #tpu.memory_space<hbm>> -> memref<8x16xf32, #tpu.memory_space<hbm>>
        tpu.enqueue_dma source(%arg5 : memref<8x16xf32, #tpu.memory_space<vmem>>) target(%dma_start3A_2127 : memref<8x16xf32, #tpu.memory_space<hbm>>) target_semaphore(%run_scoped3A : memref<!tpu.dma_semaphore, #tpu.memory_space<semaphore_mem>>)
        %dma_wait3A = arith.constant 0 : i32
        %dma_wait3A_2128 = tpu.memref_slice %arg3[%mul3A_2, %dma_wait3A] : memref<128x16xf32, #tpu.memory_space<hbm>> -> memref<8x16xf32, #tpu.memory_space<hbm>>
        %dma_wait3A_2129 = arith.constant 0 : i32
        %dma_wait3A_2130 = tpu.memref_slice %arg3[%mul3A_2, %dma_wait3A_2129] : memref<128x16xf32, #tpu.memory_space<hbm>> -> memref<8x16xf32, #tpu.memory_space<hbm>>
        tpu.wait_dma2 semaphore(%run_scoped3A : memref<!tpu.dma_semaphore, #tpu.memory_space<semaphore_mem>>) src(%arg5 : memref<8x16xf32, #tpu.memory_space<vmem>>) dst(%dma_wait3A_2130 : memref<8x16xf32, #tpu.memory_space<hbm>>)
        tpu.yield
      }) : () -> ()
    } else {
    }
    return
  }
}

module attributes {stable_mosaic.version = 14 : i64} {
  func.func @_logits_body(%arg0: memref<128x768xf32, #tpu.memory_space<vmem>>, %arg1: memref<768x16xf32, #tpu.memory_space<vmem>>, %arg2: memref<128x16xf32, #tpu.memory_space<vmem>>) attributes {dimension_semantics = [], scalar_prefetch = 0 : i64, scratch_operands = 0 : i64, tpu.core_type = #tpu.core_type<tc>} {
    %get3A = arith.constant 0 : index
    %get3A_0 = arith.constant 0 : index
    %get3A_1 = vector.load %arg0[%get3A, %get3A_0] : memref<128x768xf32, #tpu.memory_space<vmem>>, vector<128x768xf32>
    %get3A_2 = arith.constant 0 : index
    %get3A_3 = arith.constant 0 : index
    %get3A_4 = vector.load %arg1[%get3A_2, %get3A_3] : memref<768x16xf32, #tpu.memory_space<vmem>>, vector<768x16xf32>
    %dot_general3A = arith.constant dense<0.000000e+00> : vector<128x16xf32>
    %dot_general3A_5 = tpu.matmul %get3A_1, %get3A_4, %dot_general3A {dimension_numbers = #tpu.dot_dimension_numbers<[1], [0], [0], [1], [0, 0, 1, 1], [], []>, transpose_lhs_hint = false} : vector<128x768xf32>, vector<768x16xf32>, vector<128x16xf32> -> vector<128x16xf32>
    %swap3A = arith.constant 0 : index
    %swap3A_6 = arith.constant 0 : index
    %swap3A_7 = vector.load %arg2[%swap3A, %swap3A_6] : memref<128x16xf32, #tpu.memory_space<vmem>>, vector<128x16xf32>
    tpu.vector_store %arg2[%swap3A, %swap3A_6], %dot_general3A_5 {strides = array<i32>} : memref<128x16xf32, #tpu.memory_space<vmem>>, vector<128x16xf32>,
    return
  }
}

module attributes {stable_mosaic.version = 14 : i64} {
  func.func @_ffn_body(%arg0: i32, %arg1: i32, %arg2: memref<128x768xf32, #tpu.memory_space<vmem>>, %arg3: memref<128x16xf32, #tpu.memory_space<vmem>>, %arg4: memref<1x768x1536xf32, #tpu.memory_space<vmem>>, %arg5: memref<1x1536x768xf32, #tpu.memory_space<vmem>>, %arg6: memref<128x768xf32, #tpu.memory_space<vmem>>) attributes {dimension_semantics = [#tpu.dimension_semantics<arbitrary>, #tpu.dimension_semantics<arbitrary>], iteration_bounds = array<i64: 16, 2>, scalar_prefetch = 0 : i64, scratch_operands = 0 : i64, tpu.core_type = #tpu.core_type<tc>, window_params = [{pipeline_mode = #tpu.pipeline_mode<synchronous>, transform_indices = @transform_0, window_bounds = array<i64: 128, 768>}, {pipeline_mode = #tpu.pipeline_mode<synchronous>, transform_indices = @transform_1, window_bounds = array<i64: 128, 16>}, {transform_indices = @transform_2, window_bounds = array<i64: 1, 768, 1536>}, {transform_indices = @transform_3, window_bounds = array<i64: 1, 1536, 768>}, {pipeline_mode = #tpu.pipeline_mode<synchronous>, transform_indices = @transform_4, window_bounds = array<i64: 128, 768>}]} {
    %iota3A = tpu.iota {dimensions = array<i32: 1>} : vector<128x16xi32>
    %eq3A = vector.broadcast %arg0 : i32 to vector<128x16xi32>
    %eq3A_0 = arith.cmpi eq, %iota3A, %eq3A : vector<128x16xi32>
    %get3A = arith.constant 0 : index
    %get3A_1 = arith.constant 0 : index
    %get3A_2 = vector.load %arg3[%get3A, %get3A_1] : memref<128x16xf32, #tpu.memory_space<vmem>>, vector<128x16xf32>
    %jit3A = arith.constant 0.000000e+00 : f32
    %broadcast_in_dim3A = vector.broadcast %jit3A : f32 to vector<128x16xf32>
    %select_n3A = arith.select %eq3A_0, %get3A_2, %broadcast_in_dim3A : vector<128x16xi1>, vector<128x16xf32>
    %reduce_sum3A = arith.constant dense<0.000000e+00> : vector<128xf32>
    %reduce_sum3A_3 = vector.multi_reduction <add>, %select_n3A, %reduce_sum3A [1] : vector<128x16xf32> to vector<128xf32>
    %broadcast_in_dim3A_4 = vector.shape_cast %reduce_sum3A_3 : vector<128xf32> to vector<128x1xf32>
    %get3A_5 = arith.constant 0 : index
    %get3A_6 = arith.constant 0 : index
    %get3A_7 = vector.load %arg2[%get3A_5, %get3A_6] : memref<128x768xf32, #tpu.memory_space<vmem>>, vector<128x768xf32>
    %get3A_8 = arith.constant 0 : index
    %get3A_9 = arith.constant 0 : index
    %get3A_10 = arith.constant 0 : index
    %get3A_11 = vector.load %arg4[%get3A_8, %get3A_9, %get3A_10] : memref<1x768x1536xf32, #tpu.memory_space<vmem>>, vector<1x768x1536xf32>
    %get3A_12 = vector.shape_cast %get3A_11 : vector<1x768x1536xf32> to vector<768x1536xf32>
    %dot_general3A = arith.constant dense<0.000000e+00> : vector<128x1536xf32>
    %dot_general3A_13 = tpu.matmul %get3A_7, %get3A_12, %dot_general3A {dimension_numbers = #tpu.dot_dimension_numbers<[1], [0], [0], [1], [0, 0, 1, 1], [], []>, transpose_lhs_hint = false} : vector<128x768xf32>, vector<768x1536xf32>, vector<128x1536xf32> -> vector<128x1536xf32>
    %mul3A = arith.constant 5.000000e-01 : f32
    %mul3A_14 = vector.broadcast %mul3A : f32 to vector<128x1536xf32>
    %mul3A_15 = arith.mulf %mul3A_14, %dot_general3A_13 : vector<128x1536xf32>
    %mul3A_16 = arith.constant 0.707106769 : f32
    %mul3A_17 = vector.broadcast %mul3A_16 : f32 to vector<128x1536xf32>
    %mul3A_18 = arith.mulf %dot_general3A_13, %mul3A_17 : vector<128x1536xf32>
    %erf3A = math.erf %mul3A_18 : vector<128x1536xf32>
    %add3A = arith.constant 1.000000e+00 : f32
    %add3A_19 = vector.broadcast %add3A : f32 to vector<128x1536xf32>
    %add3A_20 = arith.addf %add3A_19, %erf3A : vector<128x1536xf32>
    %mul3A_21 = arith.mulf %mul3A_15, %add3A_20 : vector<128x1536xf32>
    %mul3A_22 = vector.broadcast %broadcast_in_dim3A_4 : vector<128x1xf32> to vector<128x1536xf32>
    %mul3A_23 = arith.mulf %mul3A_21, %mul3A_22 : vector<128x1536xf32>
    %get3A_24 = arith.constant 0 : index
    %get3A_25 = arith.constant 0 : index
    %get3A_26 = arith.constant 0 : index
    %get3A_27 = vector.load %arg5[%get3A_24, %get3A_25, %get3A_26] : memref<1x1536x768xf32, #tpu.memory_space<vmem>>, vector<1x1536x768xf32>
    %get3A_28 = vector.shape_cast %get3A_27 : vector<1x1536x768xf32> to vector<1536x768xf32>
    %dot_general3A_29 = arith.constant dense<0.000000e+00> : vector<128x768xf32>
    %dot_general3A_30 = tpu.matmul %mul3A_23, %get3A_28, %dot_general3A_29 {dimension_numbers = #tpu.dot_dimension_numbers<[1], [0], [0], [1], [0, 0, 1, 1], [], []>, transpose_lhs_hint = false} : vector<128x1536xf32>, vector<1536x768xf32>, vector<128x768xf32> -> vector<128x768xf32>
    %eq3A_31 = arith.constant 0 : i32
    %eq3A_32 = arith.cmpi eq, %arg0, %eq3A_31 : i32
    %eq3A_33 = arith.constant 0 : i32
    %eq3A_34 = arith.cmpi eq, %arg1, %eq3A_33 : i32
    %and3A = arith.andi %eq3A_32, %eq3A_34 : i1
    %convert_element_type3A = arith.extui %and3A : i1 to i32
    %cond3A = arith.constant 0 : i32
    %cond3A_35 = arith.cmpi ne, %convert_element_type3A, %cond3A : i32
    scf.if %cond3A_35 {
      %swap3A = arith.constant 0 : index
      %swap3A_42 = arith.constant 0 : index
      %swap3A_43 = vector.load %arg6[%swap3A, %swap3A_42] : memref<128x768xf32, #tpu.memory_space<vmem>>, vector<128x768xf32>
      tpu.vector_store %arg6[%swap3A, %swap3A_42], %dot_general3A_30 {strides = array<i32>} : memref<128x768xf32, #tpu.memory_space<vmem>>, vector<128x768xf32>,
    } else {
    }
    %gt3A = arith.constant 0 : i32
    %gt3A_36 = arith.cmpi sgt, %arg0, %gt3A : i32
    %gt3A_37 = arith.constant 0 : i32
    %gt3A_38 = arith.cmpi sgt, %arg1, %gt3A_37 : i32
    %or3A = arith.ori %gt3A_36, %gt3A_38 : i1
    %convert_element_type3A_39 = arith.extui %or3A : i1 to i32
    %cond3A_40 = arith.constant 0 : i32
    %cond3A_41 = arith.cmpi ne, %convert_element_type3A_39, %cond3A_40 : i32
    scf.if %cond3A_41 {
      %get3A_42 = arith.constant 0 : index
      %get3A_43 = arith.constant 0 : index
      %get3A_44 = vector.load %arg6[%get3A_42, %get3A_43] : memref<128x768xf32, #tpu.memory_space<vmem>>, vector<128x768xf32>
      %add3A_45 = arith.addf %get3A_44, %dot_general3A_30 : vector<128x768xf32>
      %swap3A = arith.constant 0 : index
      %swap3A_46 = arith.constant 0 : index
      %swap3A_47 = vector.load %arg6[%swap3A, %swap3A_46] : memref<128x768xf32, #tpu.memory_space<vmem>>, vector<128x768xf32>
      tpu.vector_store %arg6[%swap3A, %swap3A_46], %add3A_45 {strides = array<i32>} : memref<128x768xf32, #tpu.memory_space<vmem>>, vector<128x768xf32>,
    } else {
    }
    return
  }
  func.func @transform_0(%arg0: i32, %arg1: i32) -> (i32, i32) {
    %c0_i32 = arith.constant 0 : i32
    %c0_i32_0 = arith.constant 0 : i32
    %c0_i32_1 = arith.constant 0 : i32
    return %c0_i32, %c0_i32_0 : i32, i32
  }
  func.func @transform_1(%arg0: i32, %arg1: i32) -> (i32, i32) {
    %c0_i32 = arith.constant 0 : i32
    %c0_i32_0 = arith.constant 0 : i32
    %c0_i32_1 = arith.constant 0 : i32
    return %c0_i32, %c0_i32_0 : i32, i32
  }
  func.func @transform_2(%arg0: i32, %arg1: i32) -> (i32, i32, i32) {
    %c0_i32 = arith.constant 0 : i32
    %c0_i32_0 = arith.constant 0 : i32
    return %arg0, %c0_i32, %arg1 : i32, i32, i32
  }
  func.func @transform_3(%arg0: i32, %arg1: i32) -> (i32, i32, i32) {
    %c0_i32 = arith.constant 0 : i32
    %c0_i32_0 = arith.constant 0 : i32
    return %arg0, %arg1, %c0_i32 : i32, i32, i32
  }
  func.func @transform_4(%arg0: i32, %arg1: i32) -> (i32, i32) {
    %c0_i32 = arith.constant 0 : i32
    %c0_i32_0 = arith.constant 0 : i32
    %c0_i32_1 = arith.constant 0 : i32
    return %c0_i32, %c0_i32_0 : i32, i32
  }
}

</mosaic_0001>

<sc_bundles>
// kernel: kernel.5.cloned.1.call-start
scs
__scs_entry_jumppad:
0x0: {  	(pc) =	sbr.rel $0x88, $3  }
0x1: {  	(tag) =	ssettag $0x0;
	lr =	simm.s32 $0x1  }
0x2: {  	[smem:$0x3F9D] =	sst lr;
	_ =	strace $0xD0000000  }
0x3: {  	_ = 	snop  }
0x4: {  	_ = 	snop  }
0x5: {  	_ = 	snop  }
0x6: {  	_ = 	snop  }
0x7: {  	_ = 	snop  }
__scs_overlays_trampoline_lowered:
0x8: {  	[smem:$0x3FAC] =	sst s0  }
0x9: {  	[smem:$0x3FAD] =	sst s1  }
0xa: {  	[smem:$0x3FAE] =	sst s2  }
0xb: {  	[smem:$0x3FAF] =	sst s3  }
0xc: {  	[smem:$0x3FB0] =	sst s4  }
0xd: {  	[smem:$0x3FB1] =	sst s5  }
0xe: {  	[smem:$0x3FB2] =	sst s6  }
0xf: {  	[smem:$0x3FB3] =	sst s7  }
0x10: {  	[smem:$0x3FB4] =	sst s8  }
0x11: {  	[smem:$0x3FB5] =	sst s9;
	s0 =	simm.s32 @!p0 $0x0  }
0x12: {  	s1 =	sld [smem:$0x3F9B];
	s0 =	simm.s32 @p0 $0x1  }
0x13: {  	[smem:$0x3FB6] =	sst s0;
	s0 =	simm.s32 @!p1 $0x0  }
0x14: {  	s2 =	sld [smem:$0x3F9A];
	s0 =	simm.s32 @p1 $0x1  }
0x15: {  	[smem:$0x3FB7] =	sst s0;
	s0 =	simm.s32 @!p2 $0x0  }
0x16: {  	s3 =	sld [smem:$0x3FDB];
	s0 =	simm.s32 @p2 $0x1  }
0x17: {  	s4 =	simm.s32 $0x1BF5;
	[smem:$0x3FB9] =	sst s0  }
0x18: {  	s0 =	sld [smem:$0x3F9C];
	_ =	swait.ge [sflag:s4], $0x0  }
0x19: {  	s7 =	sld [smem:$0x3F9D]  }
0x1a: {  	s8 =	sadd.s32 $0xFFFFE003, lr  }
0x1b: {  	s9 =	sadd.s32 $0xFFFFFEF7, lr;
	s5 =	simm.s32 $0xFFFFFFFF;
	p2 =	slt.u32 s8, $0xFFFFF086  }
0x1c: {  	p1 =	slt.u32 s9, $0xF7A;
	s5 =	simm.s32 @!p2 $0x0  }
0x1d: {  	s5 =	simm.s32 @p1 $0x1;
	p0 =	seq.s32 s7, s2  }
0x1e: {  	s7 =	smul.u32 @!p0 $0xF7A, s2;
	p2 =	seq.s32 @!p0 s5, $0x0  }
0x1f: {  	s9 =	smul.u32 $0xF7A, s1;
	s8 =	simm.s32 @!p0 $0x1BF5;
	p2 =	por !p2, p0  }
0x20: {  	[sflag:s8] =	ssyncset.s32 @!p0 $0xFFFFF086;
	s6 =	sadd.s32 @!p0 s3, s7;
	s7 =	simm.s32 @!p0 $0x108  }
0x21: {  	s3 =	sadd.s32 s3, s9;
	s6 =	sadd.s32 @!p0 $0x88, s6;
	s7 =	simm.s32 @p2 $0x1082  }
0x22: {  	[simem:s7], [sflag:s8] =	dma.local @!p0 [hbm:s6], $0xF7A  }
0x23: {  	s9 =	sor.u32 $0xD0000000, s2;
	s6 =	simm.s32 $0x108;
	_ =	swait.ge @!p0 [sflag:s8], $0x0  }
0x24: {  	s3 =	sadd.s32 $0x88, s3;
	s6 =	simm.s32 @!p1 $0x1082;
	[sflag:s4] =	ssyncset.s32 $0xFFFFF086  }
0x25: {  	[simem:s6], [sflag:s4] =	dma.local [hbm:s3], $0xF7A  }
0x26: {  	[smem:$0x3F9D] =	sst s1;
	(tag) =	ssettag s2;
	_ =	strace s9  }
0x27: {  	s1 =	sld [smem:$0x3FAD]  }
0x28: {  	s2 =	sld [smem:$0x3FAE]  }
0x29: {  	s4 =	sld [smem:$0x3FB0]  }
0x2a: {  	p0 =	seq.s32 s5, $0x0;
	s5 =	sld [smem:$0x3FB1]  }
0x2b: {  	s6 =	sld [smem:$0x3FB2]  }
0x2c: {  	s7 =	sld [smem:$0x3FB3]  }
0x2d: {  	s3 =	simm.s32 $0x108;
	s8 =	sld [smem:$0x3FB4]  }
0x2e: {  	s3 =	simm.s32 @!p0 $0x1082;
	s9 =	sld [smem:$0x3FB5]  }
0x2f: {  	lr =	sadd.s32 s0, s3;
	s0 =	sld [smem:$0x3FAC]  }
0x30: {  	s3 =	sld [smem:$0x3FAF]  }
0x31: {  	[smem:$0x3FB8] =	sst s10  }
0x32: {  	s10 =	sld [smem:$0x3FB6];
	_ =	sdelay $0x3  }
0x33: {  	p0 =	seq.s32 s10, $0x1;
	s10 =	sld [smem:$0x3FB8];
	_ =	sdelay $0x3  }
0x34: {  	[smem:$0x3FB8] =	sst s10  }
0x35: {  	s10 =	sld [smem:$0x3FB7];
	_ =	sdelay $0x3  }
0x36: {  	p1 =	seq.s32 s10, $0x1;
	s10 =	sld [smem:$0x3FB8];
	_ =	sdelay $0x3  }
0x37: {  	[smem:$0x3FB8] =	sst s10  }
0x38: {  	s10 =	sld [smem:$0x3FB9]  }
0x39: {  	_ = 	snop;
	(pc) =	sbr.ind lr, $3  }
0x3a: {  	_ = 	snop  }
0x3b: {  	_ = 	snop  }
0x3c: {  	p2 =	seq.s32 s10, $0x1;
	s10 =	sld [smem:$0x3FB8]  }
0x3d: {  	_ =	shalt  }
0x3e: {  	_ =	shalt  }
0x3f: {  	_ =	shalt  }
0x40: {  	_ =	shalt  }
0x41: {  	_ =	shalt  }
0x42: {  	_ =	shalt  }
0x43: {  	_ =	shalt  }
0x44: {  	_ =	shalt  }
0x45: {  	_ =	shalt  }
0x46: {  	_ =	shalt  }
0x47: {  	_ =	shalt  }
0x48: {  	_ =	shalt  }
0x49: {  	_ =	shalt  }
0x4a: {  	_ =	shalt  }
0x4b: {  	_ =	shalt  }
0x4c: {  	_ =	shalt  }
0x4d: {  	_ =	shalt  }
0x4e: {  	_ =	shalt  }
0x4f: {  	_ =	shalt  }
0x50: {  	_ =	shalt  }
0x51: {  	_ =	shalt  }
0x52: {  	_ =	shalt  }
0x53: {  	_ =	shalt  }
0x54: {  	_ =	shalt  }
0x55: {  	_ =	shalt  }
0x56: {  	_ =	shalt  }
0x57: {  	_ =	shalt  }
0x58: {  	_ =	shalt  }
0x59: {  	_ =	shalt  }
0x5a: {  	_ =	shalt  }
0x5b: {  	_ =	shalt  }
0x5c: {  	_ =	shalt  }
0x5d: {  	_ =	shalt  }
0x5e: {  	_ =	shalt  }
0x5f: {  	_ =	shalt  }
0x60: {  	_ =	shalt  }
0x61: {  	_ =	shalt  }
0x62: {  	_ =	shalt  }
0x63: {  	_ =	shalt  }
0x64: {  	_ =	shalt  }
0x65: {  	_ =	shalt  }
0x66: {  	_ =	shalt  }
0x67: {  	_ =	shalt  }
0x68: {  	_ =	shalt  }
0x69: {  	_ =	shalt  }
0x6a: {  	_ =	shalt  }
0x6b: {  	_ =	shalt  }
0x6c: {  	_ =	shalt  }
0x6d: {  	_ =	shalt  }
0x6e: {  	_ =	shalt  }
0x6f: {  	_ =	shalt  }
0x70: {  	_ =	shalt  }
0x71: {  	_ =	shalt  }
0x72: {  	_ =	shalt  }
0x73: {  	_ =	shalt  }
0x74: {  	_ =	shalt  }
0x75: {  	_ =	shalt  }
0x76: {  	_ =	shalt  }
0x77: {  	_ =	shalt  }
0x78: {  	_ =	shalt  }
0x79: {  	_ =	shalt  }
0x7a: {  	_ =	shalt  }
0x7b: {  	_ =	shalt  }
0x7c: {  	_ =	shalt  }
0x7d: {  	_ =	shalt  }
0x7e: {  	_ =	shalt  }
0x7f: {  	_ =	shalt  }
0x80: {  	_ =	shalt  }
0x81: {  	_ =	shalt  }
0x82: {  	_ =	shalt  }
0x83: {  	_ =	shalt  }
0x84: {  	_ =	shalt  }
0x85: {  	_ =	shalt  }
0x86: {  	_ =	shalt  }
0x87: {  	_ =	shalt  }
.Lfunc_end0:
.L_simem_size_0:
called_computation_lowered:
.L_overlay_start_0:
0x88: {  	s2 =	sld [smem:$0x3FD9]  }
0x89: {  	s3 =	sld [smem:$0x3FFE];
	_ =	sdelay $0x1  }
0x8a: {  	s1 =	srdreg.scid  }
0x8b: {  	s0 =	sand.u32 $0x1, s1  }
0x8c: {  	s17 =	sshll.u32 s0, $0xA;
	s2 =	sadd.s32 s3, s2  }
0x8d: {  	s2 =	sadd.s32 s2, s17  }
0x8e: {  	[smem:$0x3FC4] =	sst s2  }
0x8f: {  	_ = 	snop  }
0x90: {  	s2 =	sld [smem:$0x3FD0];
	(tm) =	ssettm $0x1  }
0x91: {  	s18 =	sld [smem:$0x3FFB];
	_ =	sdelay $0x3  }
0x92: {  	_ =	strace s18  }
0x93: {  	s3 =	sld [smem:$0x3FFC];
	_ =	sdelay $0x3  }
0x94: {  	_ =	strace s3  }
0x95: {  	s3 =	sld [smem:$0x3FFD];
	_ =	sdelay $0x3  }
0x96: {  	_ =	strace s3  }
0x97: {  	_ =	strace $0x8FFFFFFF  }
0x98: {  	s19 =	sld [smem:$0x3FDB];
	_ =	sdelay $0x1  }
0x99: {  	s4 =	simm.s32 $_scs_section_size  }
0x9a: {  	s5 =	simm.s32 $_size__tile_overlayer_lowered;
	s6 =	simm.s32 $_tile_overlayer_lowered  }
0x9b: {  	s22 =	simm.s32 $0x1BFF;
	s21 =	sshll.u32 s6, $0x1;
	s3 =	sadd.s32 s4, s19  }
0x9c: {  	s7 =	simm.s32 $0x0;
	s20 =	sshll.u32 s5, $0x1;
	s5 =	sadd.s32 s21, s3  }
0x9d: {  	[timem:s7], [sflag:s22] =	dma.local [hbm:s5], s20  }
0x9e: {  	_ =	swait.ge [sflag:s22], s20  }
0x9f: {  	s4 =	ssub.s32 $0x0, s20;
	[sflag:s22] =	ssyncset.done $0x0  }
0xa0: {  	[sflag:s22] =	ssyncadd.s32 s4;
	_ =	sdelay $0x1  }
0xa1: {  	s23 =	simm.s32 $0x1B8B  }
0xa2: {  	_ =	swait.ge [sflag:s23], $0x1  }
0xa3: {  	[sflag:s23] =	ssyncset.done $0x0  }
0xa4: {  	s25 =	simm.s32 $0x1B8E;
	s24 =	sld [smem:$0x3FFE];
	[sflag:s23] =	ssyncadd.s32 $0xFFFFFFFF  }
0xa5: {  	s26 =	simm.s32 $execute0_lowered;
	[smem:$0x3FD2] =	sst s25  }
0xa6: {  	s5 =	sshll.u32 s26, $0x1;
	_ =	strace $0x80000046;
	[dreg:$0x1] =	wrdreg $0xFFFFFFFF  }
0xa7: {  	s28 =	simm.s32 $_size_execute0_lowered;
	s3 =	sadd.s32 s3, s5;
	[dreg:$0x0] =	wrdreg $0x0  }
0xa8: {  	s5 =	sshll.u32 s28, $0x1;
	[dreg:$0x2] =	wrdreg s3  }
0xa9: {  	[dreg:$0x3] =	wrdreg s5  }
0xaa: {  	[dreg:$0x4] =	wrdreg $0xC0  }
0xab: {  	_ =	task [dreg:s7], $0x5FFFF  }
0xac: {  	[dreg:$0x1] =	wrdreg $0xFFFFFFFF  }
0xad: {  	[dreg:$0x0] =	wrdreg $0x60  }
0xae: {  	[dreg:$0x2] =	wrdreg s2  }
0xaf: {  	[dreg:$0x3] =	wrdreg s24  }
0xb0: {  	[dreg:$0x4] =	wrdreg $0x9  }
0xb1: {  	_ =	task.clear_ibuf [dreg:s7], $0x5FFFF;
	_ =	strace $0x90000046  }
0xb2: {  	s29 =	simm.s32 $0x9;
	_ =	strace $0x80000048  }
0xb3: {  	_ =	swait.ge [sflag:s29], $0x1  }
0xb4: {  	[sflag:s29] =	ssyncadd.s32 $0xFFFFFFFF  }
0xb5: {  	_ =	strace $0x90000048  }
0xb6: {  	_ =	sfence  }
0xb7: {  	s30 =	sld [smem:$0x0];
	_ =	sdelay $0x2  }
0xb8: {  	s31 =	sshll.u32 s1, $0xD;
	s1 =	sshrl.u32 s1, $0x2  }
0xb9: {  	s3 =	sand.u32 $0x4000, s31;
	s1 =	sadd.s32 s1, s30  }
0xba: {  	s0 =	sor.u32 s3, s0;
	s1 =	sshll.u32 s1, $0x11  }
0xbb: {  	s0 =	sor.u32 s1, s0  }
0xbc: {  	s0 =	sadd.s32 $0x8F2B, s0  }
0xbd: {  	[sflag:s0] =	ssyncadd.remote.s32 $0x1  }
0xbe: {  	_ =	sfence.sel $0xFFFF  }
0xbf: {  	[dreg:$0x0] =	wrdreg $0xFFFFFFFF;
	(pc) =	sbr.abs _section_cstart, $3  }
0xc0: {  	[dreg:$0x1] =	wrdreg $0xFFFFFFFF  }
0xc1: {  	_ =	task.clear_ibuf [dreg:s7], $0x2FFFF;
	_ =	strace $0x9FFFFFFF  }
0xc2: {  	(tm) =	ssettm $0x7FFFFFFF  }
0xc3: {  	_ =	shalt  }
tec
execute0_lowered:
.L_overlay_start_1:
0x0: {  	(tag) =	ssettag $0x1  }
0x1: {  	s1 =	srdreg.scid  }
0x2: {  	s1 =	sand.u32 $0x1, s1  }
0x3: {  	p0 =	seq.s32 s1, $0x1  }
.Ltmp0:
0x4: {  	_ = 	snop;
	(pc) =	sbr.rel @p0 .LBB2_2-.Ltmp0, $4  }
0x5: {  	s4 =	rddreg [dreg:$0x0]  }
0x6: {  	s3 =	rddreg [dreg:$0x1];
	s2 =	simm.s32 $0x0  }
0x7: {  	[smem:$0x7FF] =	sst s2  }
0x8: {  	s0 =	rddreg [dreg:$0x2];
	_ =	strace $0x80000047;
	s1 =	stileid.u32  }
0x9: {  	s5 =	sshll.u32 s1, $0x7  }
0xa: {  	s30 =	simm.s32 $0x1;
	v0 =	vimm.s32 $0xFEDCBA98;
	s4 =	sadd.s32 s4, s5  }
0xb: {  	v1 =	vimm.s32 $0x76543210;
	v0 =	vunpack.c.l.s4.s8 v0;
	[tilespmem:s2], [sflag:$0x1] =	stream.linear.gather [hbm4b:s4+s2], $0x400, $0x38;
	[tilespmem:$0x800] =	vst v63  }
0xc: {  	v1 =	vunpack.c.l.s4.s8 v1;
	_ =	swait.ge [sflag:s30], $0x400  }
0xd: {  	v0 =	vunpack.c.0.s8.s32 v0;
	[sflag:s30] =	ssyncset.done $0x0  }
0xe: {  	v1 =	vunpack.c.0.s8.s32 v1;
	[sflag:s30] =	ssyncadd.s32 $0xFFFFFC00  }
0xf: {  	v2 =	vimm.s32 $0xBA98FEDC;
	v49 =	vimm.s32 $0x32107654;
	v0 =	vand.u32 $0xF, v0;
	v5 =	vld [tilespmem:$0x0]  }
0x10: {  	v48 =	vunpack.c.l.s4.s8 v2;
	v3 =	vcombine.low v0, v1;
	v1 =	vunpack.c.l.s4.s8 v49  }
0x11: {  	v4 =	vimm.s32 $0xDCFE98BA  }
0x12: {  	v6 =	vimm.s32 $0x54761032;
	v0 =	vunpack.c.0.s8.s32 v48;
	v1 =	vunpack.c.0.s8.s32 v1  }
0x13: {  	v7 =	vimm.s32 $0xEFCDAB89;
	v4 =	vunpack.c.l.s4.s8 v4;
	v6 =	vunpack.c.l.s4.s8 v6  }
0x14: {  	v8 =	vimm.s32 $0x67452301;
	v0 =	vcombine.low v1, v0;
	v50 =	vperm.xlane v5, v3  }
0x15: {  	v52 =	vunpack.c.l.s4.s8 v7;
	v51 =	vunpack.c.0.s8.s32 v4;
	v6 =	vunpack.c.0.s8.s32 v6  }
0x16: {  	v53 =	vunpack.c.l.s4.s8 v8;
	v4 =	vand.u32 $0xF, v0;
	v2 =	vmax.f32 v5, v50  }
0x17: {  	v1 =	vcombine.low v6, v51;
	v54 =	vperm.xlane v2, v4  }
0x18: {  	v55 =	vunpack.c.0.s8.s32 v53;
	v0 =	vunpack.c.0.s8.s32 v52  }
0x19: {  	v56 =	vmax.f32 v2, v54;
	v2 =	vand.u32 $0xF, v1  }
0x1a: {  	v0 =	vcombine.low v55, v0;
	v1 =	vperm.xlane v56, v2  }
0x1b: {  	v58 =	vld [tilespmem:$0x80]  }
0x1c: {  	v57 =	vmax.f32 v56, v1;
	v1 =	vand.u32 $0xF, v0  }
0x1d: {  	v0 =	vperm.xlane v57, v1;
	_ =	sdelay $0x1  }
0x1e: {  	v6 =	vmax.f32 v57, v0  }
0x1f: {  	v10 =	vperm.xlane v58, v3;
	v0 =	vlaneseq.u32;
	vm0 =	veq.f32 v5, v6  }
0x20: {  	v59 =	vnsel vm0, $0x10, v0  }
0x21: {  	v10 =	vmax.f32 v58, v10;
	v9 =	vperm.xlane v59, v3  }
0x22: {  	v60 =	vperm.xlane v10, v4  }
0x23: {  	vm0 =	vlt.s32 v59, v9  }
0x24: {  	v8 =	vsel vm0, v59, v9;
	v9 =	vmax.f32 v10, v60  }
0x25: {  	v11 =	vperm.xlane v8, v4;
	v10 =	vperm.xlane v9, v2;
	_ =	sdelay $0x1  }
0x26: {  	vm0 =	vlt.s32 v8, v11;
	v9 =	vmax.f32 v9, v10  }
0x27: {  	v8 =	vsel vm0, v8, v11;
	v10 =	vperm.xlane v9, v1  }
0x28: {  	v11 =	vperm.xlane v8, v2  }
0x29: {  	v9 =	vmax.f32 v9, v10  }
0x2a: {  	vm0 =	vlt.s32 v8, v11;
	vm7 =	veq.f32 v58, v9  }
0x2b: {  	v8 =	vsel vm0, v8, v11;
	v62 =	vnsel vm7, $0x10, v0  }
0x2c: {  	v63 =	vld [tilespmem:$0x100];
	v61 =	vperm.xlane v8, v1;
	v12 =	vperm.xlane v62, v3;
	_ =	sdelay $0x1  }
0x2d: {  	vm8 =	vlt.s32 v8, v61;
	vm1 =	vlt.s32 v62, v12  }
0x2e: {  	v8 =	vsel vm8, v8, v61;
	v21 =	vsel vm1, v62, v12  }
0x2f: {  	vm0 =	veq.s32 v8, v0;
	v12 =	vperm.xlane v21, v4  }
0x30: {  	v40 =	vld [tilespmem:$0x200];
	v23 =	vperm.xlane v63, v3;
	v5 =	vsel vm0, $0xF149F2CA, v5  }
0x31: {  	v22 =	vperm.xlane v5, v3;
	vm1 =	vlt.s32 v21, v12  }
0x32: {  	v10 =	vsel vm1, v21, v12;
	v12 =	vmax.f32 v63, v23  }
0x33: {  	v16 =	vld [tilespmem:$0x180];
	v11 =	vmax.f32 v5, v22;
	v14 =	vperm.xlane v10, v2;
	v15 =	vperm.xlane v12, v4  }
0x34: {  	v13 =	vperm.xlane v11, v4  }
0x35: {  	v46 =	vperm.xlane v40, v3;
	vm1 =	vlt.s32 v10, v14;
	v12 =	vmax.f32 v12, v15  }
0x36: {  	v11 =	vmax.f32 v11, v13;
	v10 =	vsel vm1, v10, v14;
	v15 =	vperm.xlane v12, v2  }
0x37: {  	v13 =	vperm.xlane v11, v2;
	v24 =	vperm.xlane v10, v1  }
0x38: {  	v28 =	vperm.xlane v16, v3;
	v12 =	vmax.f32 v12, v15;
	v15 =	vmax.f32 v40, v46  }
0x39: {  	v11 =	vmax.f32 v11, v13;
	vm1 =	vlt.s32 v10, v24;
	v26 =	vperm.xlane v12, v1  }
0x3a: {  	v49 =	vperm.xlane v15, v4;
	v25 =	vperm.xlane v11, v1;
	v10 =	vsel vm1, v10, v24  }
0x3b: {  	vm1 =	veq.s32 v10, v0;
	v10 =	vmax.f32 v12, v26;
	v12 =	vmax.f32 v16, v28  }
0x3c: {  	v15 =	vmax.f32 v15, v49;
	v11 =	vmax.f32 v11, v25;
	vm2 =	veq.f32 v63, v10  }
0x3d: {  	v7 =	vsel vm1, $0xF149F2CA, v58;
	v17 =	vperm.xlane v12, v4;
	v30 =	vnsel vm2, $0x10, v0  }
0x3e: {  	v6 =	vsub.f32 v11, v6;
	v27 =	vperm.xlane v7, v3;
	v32 =	vperm.xlane v30, v3  }
0x3f: {  	v52 =	vperm.xlane v15, v2;
	vm9 =	veq.f32 v5, v11;
	v12 =	vmax.f32 v12, v17  }
0x40: {  	v58 =	vld [tilespmem:$0x280];
	v6 =	vmul.f32 $1.442695020e+00, v6;
	v29 =	vmax.f32 v7, v27;
	vm3 =	vlt.s32 v30, v32  }
0x41: {  	v37 =	vperm.xlane v12, v2;
	v31 =	vperm.xlane v29, v4;
	v34 =	vsel vm3, v30, v32  }
0x42: {  	v35 =	vnsel vm9, $0x10, v0;
	(erf) = vpow2.f32 v6;
	v36 =	vperm.xlane v34, v4  }
0x43: {  	v38 =	vperm.xlane v35, v3;
	v39 =	vmax.f32 v12, v37;
	v33 =	vmax.f32 v29, v31  }
0x44: {  	v42 =	vperm.xlane v39, v1;
	v6 =	vperm.xlane v33, v2;
	vm10 =	vlt.s32 v34, v36  }
0x45: {  	vm11 =	vlt.s32 v35, v38;
	v62 =	vperm.xlane v58, v3;
	v11 =	vsel vm10, v34, v36  }
0x46: {  	v14 =	vmax.f32 v39, v42;
	v5 =	vmax.f32 v33, v6;
	v19 =	vperm.xlane v11, v2  }
0x47: {  	v13 =	vsel vm11, v35, v38;
	vm4 =	veq.f32 v16, v14;
	v41 =	vperm.xlane v5, v1  }
0x48: {  	v54 =	vperm.xlane v13, v4;
	v45 =	vnsel vm4, $0x10, v0;
	vm12 =	vlt.s32 v11, v19  }
0x49: {  	v48 =	vperm.xlane v45, v3;
	v5 =	vmax.f32 v5, v41;
	v44 =	vsel vm12, v11, v19  }
0x4a: {  	vm8 =	vlt.s32 v13, v54;
	v43 =	vsub.f32 v5, v9;
	v47 =	vperm.xlane v44, v1  }
0x4b: {  	vm14 =	vlt.s32 v45, v48;
	vm15 =	veq.f32 v7, v5;
	v5 =	vmax.f32 v15, v52;
	v18 =	vpop (erf)  }
0x4c: {  	v51 =	vsel vm14, v45, v48;
	v18 =	vadd.f32 $1.000000000e+00, v18;
	vm13 =	vlt.s32 v44, v47  }
0x4d: {  	v15 =	vperm.xlane v5, v1;
	v6 =	vmul.f32 $1.442695020e+00, v43;
	v50 =	vsel vm13, v44, v47  }
0x4e: {  	v11 =	vperm.xlane v51, v4;
	(erf) = vrcp.f32 v18;
	vm3 =	veq.s32 v50, v0  }
0x4f: {  	v7 =	vnsel vm15, $0x10, v0;
	(erf) = vpow2.f32 v6;
	v6 =	vsel vm3, $0xF149F2CA, v63  }
0x50: {  	v15 =	vmax.f32 v5, v15;
	vm4 =	vlt.s32 v51, v11;
	v8 =	vperm.xlane v6, v3  }
0x51: {  	v53 =	vperm.xlane v7, v3;
	vm7 =	veq.f32 v40, v15;
	v9 =	vsel vm4, v51, v11  }
0x52: {  	v20 =	vnsel vm7, $0x10, v0;
	v11 =	vperm.xlane v9, v2;
	v8 =	vmax.f32 v6, v8  }
0x53: {  	vm5 =	vlt.s32 v7, v53;
	v23 =	vperm.xlane v20, v3;
	v55 =	vperm.xlane v8, v4  }
0x54: {  	v13 =	vsel vm8, v13, v54;
	v17 =	vsel vm5, v7, v53;
	vm6 =	vlt.s32 v9, v11  }
0x55: {  	v33 =	vld [tilespmem:$0x300];
	vm5 =	vlt.s32 v20, v23;
	v57 =	vsel vm6, v9, v11;
	v56 =	vmax.f32 v8, v55  }
0x56: {  	v61 =	vsel vm5, v20, v23;
	v60 =	vperm.xlane v57, v1;
	v59 =	vperm.xlane v56, v2  }
0x57: {  	v36 =	vperm.xlane v13, v2;
	v19 =	vmax.f32 v58, v62;
	v28 =	vperm.xlane v61, v4  }
0x58: {  	v29 =	vperm.xlane v19, v4;
	vm9 =	vlt.s32 v57, v60;
	v7 =	vmax.f32 v56, v59  }
0x59: {  	vm5 =	vlt.s32 v61, v28;
	v8 =	vsel vm9, v57, v60;
	v9 =	vperm.xlane v7, v1  }
0x5a: {  	v24 =	vperm.xlane v33, v3;
	vm2 =	veq.s32 v8, v0;
	v8 =	vsel vm5, v61, v28  }
0x5b: {  	v19 =	vmax.f32 v19, v29;
	v5 =	vpop (erf);
	v31 =	vperm.xlane v8, v2;
	v63 =	vmax.f32 v7, v9  }
0x5c: {  	v24 =	vmax.f32 v33, v24;
	v22 =	vpop (erf);
	v7 =	vsel vm2, $0xF149F2CA, v16;
	v10 =	vsub.f32 v63, v10  }
0x5d: {  	v22 =	vadd.f32 $1.000000000e+00, v22;
	vm5 =	vlt.s32 v8, v31;
	v16 =	vperm.xlane v7, v3  }
0x5e: {  	v32 =	vperm.xlane v19, v2;
	v8 =	vsel vm5, v8, v31;
	v10 =	vmul.f32 $1.442695020e+00, v10  }
0x5f: {  	(erf) = vrcp.f32 v22;
	v34 =	vperm.xlane v8, v1;
	v16 =	vmax.f32 v7, v16  }
0x60: {  	v30 =	vperm.xlane v16, v4;
	(erf) = vpow2.f32 v10;
	v10 =	vmax.f32 v19, v32  }
0x61: {  	v26 =	vperm.xlane v24, v4;
	vm11 =	vlt.s32 v8, v34;
	v35 =	vperm.xlane v10, v1  }
0x62: {  	v21 =	vperm.xlane v17, v4;
	v8 =	vsel vm11, v8, v34;
	v9 =	vmax.f32 v16, v30  }
0x63: {  	vm4 =	veq.s32 v8, v0;
	v16 =	vperm.xlane v9, v2;
	v10 =	vmax.f32 v10, v35  }
0x64: {  	v24 =	vmax.f32 v24, v26;
	v8 =	vsel vm4, $0xF149F2CA, v40;
	vm12 =	veq.f32 v58, v10  }
0x65: {  	v25 =	vperm.xlane v8, v3;
	v16 =	vmax.f32 v9, v16;
	v39 =	vnsel vm12, $0x10, v0  }
0x66: {  	vm10 =	vlt.s32 v17, v21;
	v38 =	vperm.xlane v16, v1;
	v40 =	vperm.xlane v39, v3  }
0x67: {  	v43 =	vperm.xlane v24, v2;
	v17 =	vsel vm10, v17, v21;
	v25 =	vmax.f32 v8, v25  }
0x68: {  	v9 =	vpop (erf);
	v42 =	vperm.xlane v25, v4;
	v16 =	vmax.f32 v16, v38;
	vm5 =	vlt.s32 v39, v40  }
0x69: {  	v37 =	vperm.xlane v17, v2;
	v14 =	vsub.f32 v16, v14;
	v41 =	vpop (erf);
	v12 =	vsel vm5, v39, v40  }
0x6a: {  	v44 =	vmax.f32 v25, v42;
	v21 =	vadd.f32 $1.000000000e+00, v41;
	v27 =	vperm.xlane v12, v4  }
0x6b: {  	vm13 =	vlt.s32 v13, v36;
	v19 =	vperm.xlane v44, v2;
	v14 =	vmul.f32 $1.442695020e+00, v14  }
0x6c: {  	(erf) = vrcp.f32 v21;
	vm5 =	vlt.s32 v12, v27;
	v21 =	vmax.f32 v24, v43;
	v24 =	vld [tilespmem:$0x380]  }
0x6d: {  	(erf) = vpow2.f32 v14;
	v12 =	vsel vm5, v12, v27;
	v46 =	vperm.xlane v21, v1  }
0x6e: {  	v13 =	vsel vm13, v13, v36;
	vm6 =	vlt.s32 v17, v37;
	v45 =	vperm.xlane v12, v2  }
0x6f: {  	v28 =	vperm.xlane v13, v1;
	v14 =	vmax.f32 v44, v19;
	v19 =	vmax.f32 v21, v46  }
0x70: {  	v47 =	vperm.xlane v14, v1;
	vm7 =	vlt.s32 v12, v45;
	vm14 =	veq.f32 v33, v19  }
0x71: {  	v12 =	vsel vm7, v12, v45;
	v48 =	vnsel vm14, $0x10, v0;
	v49 =	vperm.xlane v24, v3  }
0x72: {  	v17 =	vsel vm6, v17, v37;
	v25 =	vperm.xlane v12, v1;
	v50 =	vperm.xlane v48, v3  }
0x73: {  	v60 =	vperm.xlane v17, v1;
	v14 =	vmax.f32 v14, v47;
	v51 =	vmax.f32 v24, v49  }
0x74: {  	vm15 =	vlt.s32 v12, v25;
	vm8 =	vlt.s32 v48, v50;
	v53 =	vperm.xlane v51, v4  }
0x75: {  	v15 =	vsub.f32 v14, v15;
	v23 =	vpop (erf);
	v12 =	vsel vm15, v12, v25;
	v22 =	vsel vm8, v48, v50  }
0x76: {  	v52 =	vpop (erf);
	vm5 =	veq.s32 v12, v0;
	v54 =	vperm.xlane v22, v4;
	v21 =	vmax.f32 v51, v53  }
0x77: {  	v27 =	vadd.f32 $1.000000000e+00, v52;
	v11 =	vsel vm5, $0xF149F2CA, v58;
	v25 =	vperm.xlane v21, v2  }
0x78: {  	v15 =	vmul.f32 $1.442695020e+00, v15;
	v55 =	vperm.xlane v11, v3;
	vm9 =	vlt.s32 v22, v54  }
0x79: {  	(erf) = vrcp.f32 v27;
	v12 =	vsel vm9, v22, v54;
	v21 =	vmax.f32 v21, v25  }
0x7a: {  	v56 =	vmax.f32 v11, v55;
	v57 =	vperm.xlane v12, v2;
	v58 =	vperm.xlane v21, v1  }
0x7b: {  	(erf) = vpow2.f32 v15;
	v59 =	vperm.xlane v56, v4  }
0x7c: {  	vm10 =	vlt.s32 v13, v28;
	v21 =	vmax.f32 v21, v58;
	vm11 =	vlt.s32 v12, v57  }
0x7d: {  	v15 =	vmax.f32 v56, v59;
	v12 =	vsel vm11, v12, v57;
	vm12 =	veq.f32 v24, v21  }
0x7e: {  	v22 =	vperm.xlane v15, v2;
	v25 =	vperm.xlane v12, v1;
	v61 =	vnsel vm12, $0x10, v0  }
0x7f: {  	vm13 =	vlt.s32 v17, v60;
	v13 =	vsel vm10, v13, v28;
	v62 =	vperm.xlane v61, v3  }
0x80: {  	v17 =	vsel vm13, v17, v60;
	v15 =	vmax.f32 v15, v22;
	vm14 =	vlt.s32 v12, v25  }
0x81: {  	v22 =	vperm.xlane v15, v1;
	v12 =	vsel vm14, v12, v25;
	vm15 =	vlt.s32 v61, v62  }
0x82: {  	vm9 =	veq.f32 v6, v63;
	v63 =	vsel vm15, v61, v62;
	vm6 =	veq.s32 v12, v0  }
0x83: {  	v6 =	vpop (erf);
	v30 =	vmax.f32 v15, v22;
	v31 =	vsel vm6, $0xF149F2CA, v33;
	v32 =	vperm.xlane v63, v4  }
0x84: {  	v33 =	vnsel vm9, $0x10, v0;
	v34 =	vpop (erf);
	v10 =	vsub.f32 v30, v10;
	v35 =	vperm.xlane v31, v3  }
0x85: {  	v36 =	vperm.xlane v33, v3;
	v25 =	vadd.f32 $1.000000000e+00, v34;
	vm10 =	vlt.s32 v63, v32  }
0x86: {  	v18 =	vsel vm10, v63, v32;
	v10 =	vmul.f32 $1.442695020e+00, v10;
	v37 =	vmax.f32 v31, v35  }
0x87: {  	vm11 =	vlt.s32 v33, v36;
	(erf) = vrcp.f32 v25;
	v38 =	vperm.xlane v37, v4  }
0x88: {  	v22 =	vsel vm11, v33, v36;
	v39 =	vperm.xlane v18, v2;
	(erf) = vpow2.f32 v10  }
0x89: {  	v48 =	vnsel vm1, $0x0, v9;
	v9 =	vsub.f32 $1.000000000e+00, v9;
	v40 =	vperm.xlane v22, v4  }
0x8a: {  	v53 =	vsub.f32 $1.000000000e+00, v23;
	v20 =	vmax.f32 v37, v38;
	vm13 =	vlt.s32 v18, v39  }
0x8b: {  	v18 =	vsel vm13, v18, v39;
	vm14 =	vlt.s32 v22, v40;
	v25 =	vperm.xlane v20, v2  }
0x8c: {  	vm12 =	veq.s32 v13, v0;
	v13 =	vsel vm14, v22, v40;
	v41 =	vperm.xlane v18, v1  }
0x8d: {  	vm15 =	veq.f32 v7, v16;
	v42 =	vperm.xlane v13, v2;
	v43 =	vmax.f32 v20, v25  }
0x8e: {  	v44 =	vnsel vm15, $0x10, v0;
	v25 =	vperm.xlane v43, v1;
	vm7 =	vlt.s32 v18, v41  }
0x8f: {  	v10 =	vnsel vm0, $0x0, v5;
	v18 =	vsel vm7, v18, v41;
	vm8 =	vlt.s32 v13, v42  }
0x90: {  	v7 =	vsel vm8, v13, v42;
	v13 =	vpop (erf);
	v16 =	vmax.f32 v43, v25;
	vm0 =	veq.s32 v18, v0  }
0x91: {  	v45 =	vperm.xlane v44, v3;
	v19 =	vsub.f32 v16, v19;
	v24 =	vsel vm0, $0xF149F2CA, v24;
	v46 =	vpop (erf)  }
0x92: {  	vm15 =	veq.f32 v11, v30;
	v47 =	vperm.xlane v24, v3;
	v18 =	vadd.f32 $1.000000000e+00, v46  }
0x93: {  	v59 =	vnsel vm15, $0x10, v0;
	vm10 =	veq.s32 v17, v0;
	v19 =	vmul.f32 $1.442695020e+00, v19  }
0x94: {  	v60 =	vperm.xlane v59, v3;
	v22 =	vmax.f32 v24, v47;
	(erf) = vrcp.f32 v18  }
0x95: {  	v5 =	vsub.f32 $1.000000000e+00, v5;
	v50 =	vperm.xlane v22, v4;
	(erf) = vpow2.f32 v19  }
0x96: {  	vm9 =	vlt.s32 v44, v45;
	v9 =	vnsel vm10, $0x0, v9;
	vm10 =	vlt.s32 v59, v60  }
0x97: {  	v15 =	vsel vm10, v59, v60;
	v5 =	vnsel vm12, $0x0, v5;
	v52 =	vmax.f32 v22, v50  }
0x98: {  	vm12 =	veq.f32 v8, v14;
	v29 =	vperm.xlane v15, v4;
	v17 =	vperm.xlane v52, v2  }
0x99: {  	v54 =	vnsel vm3, $0x0, v23;
	v56 =	vnsel vm12, $0x10, v0;
	v20 =	vsel vm9, v44, v45  }
0x9a: {  	v58 =	vperm.xlane v56, v3;
	vm12 =	vlt.s32 v15, v29;
	v8 =	vmax.f32 v52, v17  }
0x9b: {  	v51 =	vperm.xlane v20, v4;
	v15 =	vsel vm12, v15, v29;
	v57 =	vperm.xlane v8, v1  }
0x9c: {  	v48 =	vadd.f32 v9, v48;
	vm9 =	vlt.s32 v56, v58;
	v34 =	vperm.xlane v15, v2  }
0x9d: {  	vm13 =	vlt.s32 v20, v51;
	v12 =	vsel vm9, v56, v58;
	v8 =	vmax.f32 v8, v57;
	v61 =	vpop (erf)  }
0x9e: {  	v42 =	vnsel vm2, $0x0, v6;
	v43 =	vsub.f32 $1.000000000e+00, v6;
	v63 =	vsub.f32 v8, v21;
	v62 =	vpop (erf)  }
0x9f: {  	v49 =	vperm.xlane v7, v1;
	v55 =	vsel vm13, v20, v51;
	v26 =	vadd.f32 $1.000000000e+00, v62  }
0xa0: {  	vm7 =	veq.f32 v31, v16;
	v27 =	vperm.xlane v12, v4;
	v28 =	vmul.f32 $1.442695020e+00, v63  }
0xa1: {  	vm10 =	vlt.s32 v15, v34;
	v44 =	vsub.f32 $1.000000000e+00, v13;
	(erf) = vrcp.f32 v26  }
0xa2: {  	v30 =	vnsel vm7, $0x10, v0;
	v15 =	vsel vm10, v15, v34;
	(erf) = vpow2.f32 v28  }
0xa3: {  	vm11 =	vlt.s32 v7, v49;
	v31 =	vperm.xlane v30, v3;
	v38 =	vperm.xlane v15, v1  }
0xa4: {  	v46 =	vnsel vm4, $0x0, v13;
	v7 =	vsel vm11, v7, v49;
	vm11 =	vlt.s32 v12, v27  }
0xa5: {  	v47 =	vadd.f32 v5, v10;
	vm14 =	veq.s32 v7, v0;
	v12 =	vsel vm11, v12, v27  }
0xa6: {  	vm13 =	vlt.s32 v30, v31;
	v14 =	vnsel vm14, $0x0, v53;
	v19 =	vperm.xlane v55, v2  }
0xa7: {  	v33 =	vperm.xlane v12, v2;
	v16 =	vsel vm13, v30, v31;
	vm9 =	veq.f32 v24, v8  }
0xa8: {  	v35 =	vperm.xlane v16, v4;
	vm8 =	vlt.s32 v55, v19;
	v36 =	vnsel vm9, $0x10, v0  }
0xa9: {  	vm15 =	vlt.s32 v12, v33;
	v7 =	vsel vm8, v55, v19;
	v3 =	vperm.xlane v36, v3  }
0xaa: {  	v50 =	vadd.f32 v14, v54;
	v12 =	vsel vm15, v12, v33;
	v32 =	vperm.xlane v7, v1;
	v39 =	vpop (erf)  }
0xab: {  	vm11 =	vlt.s32 v16, v35;
	v37 =	vperm.xlane v12, v1;
	vm12 =	vlt.s32 v36, v3;
	v41 =	vpop (erf)  }
0xac: {  	vm14 =	vlt.s32 v7, v32;
	v3 =	vsel vm12, v36, v3;
	v20 =	vadd.f32 $1.000000000e+00, v41  }
0xad: {  	vm13 =	vlt.s32 v12, v37;
	v7 =	vsel vm14, v7, v32;
	v4 =	vperm.xlane v3, v4  }
0xae: {  	vm14 =	vlt.s32 v15, v38;
	v8 =	vsel vm11, v16, v35;
	(erf) = vrcp.f32 v20  }
0xaf: {  	v12 =	vsel vm13, v12, v37;
	v40 =	vperm.xlane v8, v2;
	vm7 =	vlt.s32 v3, v4  }
0xb0: {  	v15 =	vsel vm14, v15, v38;
	vm8 =	veq.s32 v7, v0;
	v3 =	vsel vm7, v3, v4  }
0xb1: {  	vm9 =	veq.s32 v12, v0;
	vm15 =	vlt.s32 v8, v40;
	v2 =	vperm.xlane v3, v2  }
0xb2: {  	v49 =	vsub.f32 $1.000000000e+00, v61;
	v51 =	vnsel vm5, $0x0, v61;
	v8 =	vsel vm15, v8, v40  }
0xb3: {  	v6 =	vnsel vm9, $0x0, v44;
	v45 =	vperm.xlane v8, v1;
	vm11 =	vlt.s32 v3, v2  }
0xb4: {  	v54 =	vadd.f32 v6, v46;
	vm12 =	veq.s32 v15, v0;
	v2 =	vsel vm11, v3, v2  }
0xb5: {  	v53 =	vnsel vm12, $0x0, v49;
	vm10 =	vlt.s32 v8, v45;
	v1 =	vperm.xlane v2, v1  }
0xb6: {  	[tilespmem:$0x480] =	vst v48;
	v59 =	vadd.f32 v53, v51;
	v7 =	vsel vm10, v8, v45;
	v4 =	vnsel vm8, $0x0, v43  }
0xb7: {  	[tilespmem:$0x400] =	vst v47;
	vm14 =	veq.s32 v7, v0;
	v55 =	vsub.f32 $1.000000000e+00, v39;
	vm13 =	vlt.s32 v2, v1;
	v56 =	vpop (erf)  }
0xb8: {  	[tilespmem:$0x500] =	vst v50;
	v52 =	vadd.f32 v4, v42;
	v1 =	vsel vm13, v2, v1;
	v58 =	vsub.f32 $1.000000000e+00, v56  }
0xb9: {  	[tilespmem:$0x600] =	vst v54;
	v57 =	vnsel vm6, $0x0, v39;
	v60 =	vnsel vm14, $0x0, v55;
	vm15 =	veq.s32 v1, v0  }
0xba: {  	[tilespmem:$0x680] =	vst v59;
	v61 =	vadd.f32 v60, v57;
	v62 =	vnsel vm0, $0x0, v56;
	v63 =	vnsel vm15, $0x0, v58  }
0xbb: {  	[tilespmem:$0x580] =	vst v52;
	v1 =	vadd.f32 v63, v62  }
0xbc: {  	s3 =	sadd.s32 $0xA00, s3;
	[tilespmem:$0x700] =	vst v61  }
0xbd: {  	s31 =	simm.s32 $0x400;
	s3 =	sadd.s32 s3, s5;
	[tilespmem:$0x780] =	vst v1  }
0xbe: {  	[hbm4b:s3+s2] =	stream.linear.scatter [tilespmem:s31], [sflag:$0x1], $0x400, $0x38;
	[tilespmem:$0x800] =	vst v63  }
0xbf: {  	_ =	swait.ge [sflag:s30], $0x400  }
0xc0: {  	[sflag:s30] =	ssyncset.done $0x0  }
0xc1: {  	[sflag:s30] =	ssyncadd.s32 $0xFFFFFC00  }
.LBB2_2:
0xc2: {  	_ =	sfence.sel $0x180000  }
0xc3: {  	[bflag:$0x0] =	sbarrier.arrive $0xFFFF  }
0xc4: {  	p0 =	sne.s32 s1, $0x0;
	_ =	strace $0x90000047  }
0xc5: {  	s0 =	sadd.s32 @!p0 $0x100000, s0;
	[bflag:$0x2] =	sbarrier.arrive $0xFFFF  }
0xc6: {  	[sflag:s0] =	ssyncadd.tile.s32 @!p0 $0x1;
	_ =	shalt  }
.Lfunc_end2:
_tile_overlayer_lowered:
.L_overlay_start_2:
0xc7: {  	(tag) =	ssettag $0x2  }
0xc8: {  	s0 =	rddreg [dreg:$0x0];
	s2 =	stileid.u32  }
0xc9: {  	s1 =	rddreg [dreg:$0x1];
	p0 =	sne.s32 s2, $0x0  }
0xca: {  	s3 =	rddreg [dreg:$0x2];
	[bflag:$0x3] =	sbarrier.arrive $0xFFFF;
	s2 =	simm.s32 @!p0 $0x1C01  }
0xcb: {  	[timem:s3], [sflag:s2] =	dma.local @!p0 [hbm:s0], s1  }
0xcc: {  	s0 =	simm.s32 @!p0 $0x1  }
0xcd: {  	_ =	swait.ge @!p0 [sflag:s0], s1  }
0xce: {  	s1 =	ssub.s32 @!p0 $0x0, s1;
	[sflag:s0] =	ssyncset.done @!p0 $0x0  }
0xcf: {  	[sflag:s0] =	ssyncadd.s32 @!p0 s1  }
0xd0: {  	[bflag:$0x3] =	sbarrier.arrive $0xFFFF  }
0xd1: {  	_ =	shalt  }

</sc_bundles>
